<compile_context>
chip_gen: v7x
topology: tpu7x:2x2x1
jax: 0.10.2.dev20260603
libtpu: 0.0.44.dev20260713+nightly
codegen_flags: <defaults>
</compile_context>

<pallas_src>
import functools

import jax
import jax.numpy as jnp
from jax import lax
from jax.experimental import pallas as pl
from jax.experimental.pallas import tpu as pltpu
from jax.experimental.pallas import tpu_sc as plsc

B = 16
P = 512 * 512
M = 1023
GI = 4
NW = 32
CROWS = 32
HB = (M + 1) * 2 * 16


def _prep_body(l_ref, t_ref, emax_ref, qq_ref):
    p = pl.program_id(1)
    l = l_ref[:, 0]
    t = t_ref[:, 0]
    lbits = lax.bitcast_convert_type(l, jnp.int32)
    ls = lax.bitcast_convert_type(lbits ^ ((t ^ 1) << 31), jnp.float32)

    @pl.when(p == 0)
    def _():
        mx = 1.0 - jnp.min(ls, axis=(1, 2))
        emax_ref[...] = jnp.broadcast_to(mx[:, None, None], (GI, 1, 128))

    @pl.when(p == 1)
    def _():
        em = emax_ref[:, 0, 0][:, None, None]
        inv = M / jnp.maximum(em, 1e-20)
        u = jnp.maximum(jnp.minimum((inv + 0.5) - ls * inv, M + 0.4), 0.0)
        q = u.astype(jnp.int32)
        lane = lax.broadcasted_iota(jnp.int32, (GI, 512, 512), 2) & 15
        idx = (q << 5) + ((t << 4) | lane)
        p0 = idx[:, 0:128, :] | (idx[:, 128:256, :] << 16)
        p1 = idx[:, 256:384, :] | (idx[:, 384:512, :] << 16)
        qq_ref[...] = jnp.concatenate([p0, p1], axis=1)


def _sc_hist_kernel(qq_hbm, out_hbm, buf0, buf1, hist, sem0, sem1):
    wid = lax.axis_index("s") * 2 + lax.axis_index("c")
    img = lax.axis_index("s")
    rbase = lax.axis_index("c") * 128
    zeros = jnp.zeros((16,), jnp.int32)
    ones = jnp.ones((16,), jnp.int32)

    @plsc.parallel_loop(0, HB, 128, unroll=2)
    def _zero(base):
        for u in range(8):
            hist[pl.ds(base + u * 16, 16)] = zeros

    nch = 128 // CROWS
    bufs = (buf0, buf1)
    sems = (sem0, sem1)
    handles = [None, None]
    handles[0] = pltpu.async_copy(
        qq_hbm.at[img, pl.ds(rbase, CROWS), :], buf0, sem0)
    for ci in range(nch):
        b = ci & 1
        if ci + 1 < nch:
            handles[1 - b] = pltpu.async_copy(
                qq_hbm.at[img, pl.ds(rbase + (ci + 1) * CROWS, CROWS), :],
                bufs[1 - b], sems[1 - b])
        handles[b].wait()
        buf = bufs[b]

        def _scatter(vi, buf=buf):
            r = vi >> 9
            c0 = vi & 511
            for u in range(16):
                w = buf[r, pl.ds(c0 + u * 16, 16)]
                plsc.addupdate_scatter(hist, [w & 0xFFFF], ones)
                plsc.addupdate_scatter(
                    hist, [lax.shift_right_logical(w, 16)], ones)

        plsc.parallel_loop(0, CROWS * 512, 256, unroll=2)(_scatter)
    pltpu.sync_copy(hist, out_hbm.at[wid])


def _finish_body(x_ref, m_ref, o_ref):
    x = x_ref[...].astype(jnp.float32)
    xr = x.reshape(B, 2, HB)
    c = xr[:, 0, :] + xr[:, 1, :]

    def shl(a, k):
        return jnp.concatenate(
            [a[:, k:], jnp.zeros((B, k), jnp.float32)], axis=1)

    for k in (1, 2, 4, 8):
        c = c + shl(c, k)
    col = lax.broadcasted_iota(jnp.int32, (B, HB), 1)
    c = jnp.where(col % 16 == 0, c, 0.0)
    k = 32
    while k <= 32 * M:
        c = c + shl(c, k)
        k *= 2
    s1 = shl(c, 16)
    m = c[:, 16:17]
    n = c[:, 0:1]
    d_pos = m + c
    g_pos = jnp.where(d_pos > 0.0, 1.0 - (m - s1) / jnp.maximum(d_pos, 0.5), 0.0)
    d_neg = n + s1
    g_neg = jnp.where(d_neg > 0.0, 1.0 - (n - c) / jnp.maximum(d_neg, 0.5), 0.0)
    valid = (col % 32 == 0) & (col >= 32)
    tot = jnp.where(valid, g_pos + g_neg, 0.0)
    per_img = jnp.sum(tot, axis=1, keepdims=True)
    delta = jnp.maximum(m_ref[:, 0, 0:1], 1e-20) * (1.0 / M)
    total = jnp.sum(per_img * delta) * (0.5 / B)
    o_ref[...] = jnp.full((1, 128), total, dtype=jnp.float32)


def kernel(logits, targets):
    l4 = logits.reshape(B, 1, 512, 512)
    t4 = targets.reshape(B, 1, 512, 512)

    emax, qq = pl.pallas_call(
        _prep_body,
        grid=(B // GI, 2),
        in_specs=[
            pl.BlockSpec((GI, 1, 512, 512), lambda i, p: (i, 0, 0, 0)),
            pl.BlockSpec((GI, 1, 512, 512), lambda i, p: (i, 0, 0, 0)),
        ],
        out_specs=[
            pl.BlockSpec((GI, 1, 128), lambda i, p: (i, 0, 0)),
            pl.BlockSpec((GI, 256, 512), lambda i, p: (i, 0, 0)),
        ],
        out_shape=[
            jax.ShapeDtypeStruct((B, 1, 128), jnp.float32),
            jax.ShapeDtypeStruct((B, 256, 512), jnp.int32),
        ],
    )(l4, t4)

    hist = functools.partial(
        pl.kernel,
        mesh=plsc.VectorSubcoreMesh(core_axis_name="c", subcore_axis_name="s"),
        out_type=jax.ShapeDtypeStruct((NW, HB), jnp.int32),
        scratch_types=[
            pltpu.VMEM((CROWS, 512), jnp.int32),
            pltpu.VMEM((CROWS, 512), jnp.int32),
            pltpu.VMEM((HB,), jnp.int32),
            pltpu.SemaphoreType.DMA,
            pltpu.SemaphoreType.DMA,
        ],
        compiler_params=pltpu.CompilerParams(needs_layout_passes=False),
    )(_sc_hist_kernel)(qq)

    out = pl.pallas_call(
        _finish_body,
        grid=(1,),
        in_specs=[
            pl.BlockSpec((NW, HB), lambda i: (0, 0)),
            pl.BlockSpec((B, 1, 128), lambda i: (0, 0, 0)),
        ],
        out_specs=pl.BlockSpec((1, 128), lambda i: (0, 0)),
        out_shape=jax.ShapeDtypeStruct((1, 128), jnp.float32),
    )(hist, emax)

    return out[0, 0]

# --- scband reference (transcript-rebuilt; emitter-appended) ---
"""Pipeline reference for scband-symmetric-lovasz-loss-70523363000449 (READ-ONLY COPY).

The authoritative reference and input builder live on the scoring server;
editing this copy changes nothing except your own understanding.
"""

import jax, jax.numpy as jnp
import numpy as np


def setup_inputs(seed: int = 0) -> dict:
    key = jax.random.key(seed)
    k1, k2 = jax.random.split(key)
    logits = jax.random.normal(k1, (16, 1, 512, 512), dtype=jnp.float32)
    targets = jax.random.randint(k2, (16, 1, 512, 512), 0, 2, dtype=jnp.int32)
    return {"logits": logits, "targets": targets}


def _lovasz_grad(gt_sorted):
    # gt_sorted: float32 [P], ground truth sorted by decreasing error
    gts = jnp.sum(gt_sorted)
    intersection = gts - jnp.cumsum(gt_sorted)
    union = gts + jnp.cumsum(1.0 - gt_sorted)
    jaccard = 1.0 - intersection / union
    jaccard = jnp.concatenate([jaccard[:1], jaccard[1:] - jaccard[:-1]])
    return jaccard


def _lovasz_hinge_flat(logits, labels):
    # logits: float32 [P], labels: float32 [P] in {0,1}
    signs = 2.0 * labels - 1.0
    errors = 1.0 - logits * signs
    perm = jnp.argsort(-errors)  # descending sort of errors
    errors_sorted = errors[perm]
    gt_sorted = labels[perm]
    grad = _lovasz_grad(gt_sorted)
    # grad is treated as a constant (Variable(grad) in the torch original)
    return jnp.dot(jax.nn.relu(errors_sorted), jax.lax.stop_gradient(grad))


def _lovasz_hinge_per_image(logits, labels):
    # logits, labels: [B, H, W]; per_image=True -> mean of per-image losses
    B = logits.shape[0]
    lf = logits.reshape(B, -1)
    tf = labels.reshape(B, -1)
    losses = jax.vmap(_lovasz_hinge_flat)(lf, tf)
    return jnp.mean(losses)


def reference(logits, targets):
    l = jnp.squeeze(logits, axis=1)
    t = jnp.squeeze(targets, axis=1).astype(jnp.float32)
    loss_pos = _lovasz_hinge_per_image(l, t)
    loss_neg = _lovasz_hinge_per_image(-l, 1.0 - t)
    return (loss_pos + loss_neg) / 2.0

if __name__ == "__main__":
    import jax
    _d = setup_inputs()
    print(jax.jit(kernel)(*tuple(_d.values())))

</pallas_src>

<mosaic_0001>
#map = affine_map<(d0, d1) -> (0, 0, 0)>
#map1 = affine_map<(d0, d1) -> (0, 0)>
module attributes {stable_mosaic.version = 14 : i64} {
  func.func @_sc_hist_kernel(%arg0: i32, %arg1: i32, %arg2: memref<16x256x512xi32, #tpu.memory_space<hbm>>, %arg3: memref<32x32768xi32, #tpu.memory_space<hbm>>, %arg4: memref<32x512xi32, #tpu.memory_space<vmem>>, %arg5: memref<32x512xi32, #tpu.memory_space<vmem>>, %arg6: memref<32768xi32, #tpu.memory_space<vmem>>, %arg7: memref<!tpu.dma_semaphore, #tpu.memory_space<semaphore_mem>>, %arg8: memref<!tpu.dma_semaphore, #tpu.memory_space<semaphore_mem>>) attributes {dimension_semantics = [#tpu.dimension_semantics<core_parallel>, #tpu.dimension_semantics<subcore_parallel>], iteration_bounds = array<i64: 2, 16>, scalar_prefetch = 0 : i64, scratch_operands = 5 : i64, tpu.core_type = #tpu.core_type<sc_vector_subcore>, window_params = [{transform_indices = #map}, {transform_indices = #map1}]} {
    %mul3A = arith.constant 2 : i32
    %mul3A_0 = arith.muli %arg1, %mul3A : i32
    %add3A = arith.addi %mul3A_0, %arg0 : i32
    %mul3A_1 = arith.constant 128 : i32
    %mul3A_2 = arith.muli %arg0, %mul3A_1 : i32
    %broadcast_in_dim3A = arith.constant 0 : i32
    %broadcast_in_dim3A_3 = vector.broadcast %broadcast_in_dim3A : i32 to vector<16xi32>
    %broadcast_in_dim3A_4 = arith.constant 1 : i32
    %broadcast_in_dim3A_5 = vector.broadcast %broadcast_in_dim3A_4 : i32 to vector<16xi32>
    %parallel_loop3A = arith.constant 0 : i32
    %parallel_loop3A_6 = arith.constant 32768 : i32
    %parallel_loop3A_7 = arith.constant 128 : i32
    scf.for %parallel_loop3A_72 = %parallel_loop3A to %parallel_loop3A_6 step %parallel_loop3A_7  : i32 {
      %parallel_loop3A_73 = arith.constant 0 : i32
      %parallel_loop3A_74 = arith.addi %parallel_loop3A_72, %parallel_loop3A_73 : i32
      %parallel_loop3A_75 = arith.index_cast %parallel_loop3A_74 : i32 to index
      %parallel_loop3A_76 = tpu.vector_load %arg6[%parallel_loop3A_75] {strides = array<i32>} : memref<32768xi32, #tpu.memory_space<vmem>>, vector<16xi32>,
      tpu.vector_store %arg6[%parallel_loop3A_75], %broadcast_in_dim3A_3 {strides = array<i32>} : memref<32768xi32, #tpu.memory_space<vmem>>, vector<16xi32>,
      %parallel_loop3A_77 = arith.constant 16 : i32
      %parallel_loop3A_78 = arith.addi %parallel_loop3A_72, %parallel_loop3A_77 : i32
      %parallel_loop3A_79 = arith.index_cast %parallel_loop3A_78 : i32 to index
      %parallel_loop3A_80 = tpu.vector_load %arg6[%parallel_loop3A_79] {strides = array<i32>} : memref<32768xi32, #tpu.memory_space<vmem>>, vector<16xi32>,
      tpu.vector_store %arg6[%parallel_loop3A_79], %broadcast_in_dim3A_3 {strides = array<i32>} : memref<32768xi32, #tpu.memory_space<vmem>>, vector<16xi32>,
      %parallel_loop3A_81 = arith.constant 32 : i32
      %parallel_loop3A_82 = arith.addi %parallel_loop3A_72, %parallel_loop3A_81 : i32
      %parallel_loop3A_83 = arith.index_cast %parallel_loop3A_82 : i32 to index
      %parallel_loop3A_84 = tpu.vector_load %arg6[%parallel_loop3A_83] {strides = array<i32>} : memref<32768xi32, #tpu.memory_space<vmem>>, vector<16xi32>,
      tpu.vector_store %arg6[%parallel_loop3A_83], %broadcast_in_dim3A_3 {strides = array<i32>} : memref<32768xi32, #tpu.memory_space<vmem>>, vector<16xi32>,
      %parallel_loop3A_85 = arith.constant 48 : i32
      %parallel_loop3A_86 = arith.addi %parallel_loop3A_72, %parallel_loop3A_85 : i32
      %parallel_loop3A_87 = arith.index_cast %parallel_loop3A_86 : i32 to index
      %parallel_loop3A_88 = tpu.vector_load %arg6[%parallel_loop3A_87] {strides = array<i32>} : memref<32768xi32, #tpu.memory_space<vmem>>, vector<16xi32>,
      tpu.vector_store %arg6[%parallel_loop3A_87], %broadcast_in_dim3A_3 {strides = array<i32>} : memref<32768xi32, #tpu.memory_space<vmem>>, vector<16xi32>,
      %parallel_loop3A_89 = arith.constant 64 : i32
      %parallel_loop3A_90 = arith.addi %parallel_loop3A_72, %parallel_loop3A_89 : i32
      %parallel_loop3A_91 = arith.index_cast %parallel_loop3A_90 : i32 to index
      %parallel_loop3A_92 = tpu.vector_load %arg6[%parallel_loop3A_91] {strides = array<i32>} : memref<32768xi32, #tpu.memory_space<vmem>>, vector<16xi32>,
      tpu.vector_store %arg6[%parallel_loop3A_91], %broadcast_in_dim3A_3 {strides = array<i32>} : memref<32768xi32, #tpu.memory_space<vmem>>, vector<16xi32>,
      %parallel_loop3A_93 = arith.constant 80 : i32
      %parallel_loop3A_94 = arith.addi %parallel_loop3A_72, %parallel_loop3A_93 : i32
      %parallel_loop3A_95 = arith.index_cast %parallel_loop3A_94 : i32 to index
      %parallel_loop3A_96 = tpu.vector_load %arg6[%parallel_loop3A_95] {strides = array<i32>} : memref<32768xi32, #tpu.memory_space<vmem>>, vector<16xi32>,
      tpu.vector_store %arg6[%parallel_loop3A_95], %broadcast_in_dim3A_3 {strides = array<i32>} : memref<32768xi32, #tpu.memory_space<vmem>>, vector<16xi32>,
      %parallel_loop3A_97 = arith.constant 96 : i32
      %parallel_loop3A_98 = arith.addi %parallel_loop3A_72, %parallel_loop3A_97 : i32
      %parallel_loop3A_99 = arith.index_cast %parallel_loop3A_98 : i32 to index
      %parallel_loop3A_100 = tpu.vector_load %arg6[%parallel_loop3A_99] {strides = array<i32>} : memref<32768xi32, #tpu.memory_space<vmem>>, vector<16xi32>,
      tpu.vector_store %arg6[%parallel_loop3A_99], %broadcast_in_dim3A_3 {strides = array<i32>} : memref<32768xi32, #tpu.memory_space<vmem>>, vector<16xi32>,
      %parallel_loop3A_101 = arith.constant 112 : i32
      %parallel_loop3A_102 = arith.addi %parallel_loop3A_72, %parallel_loop3A_101 : i32
      %parallel_loop3A_103 = arith.index_cast %parallel_loop3A_102 : i32 to index
      %parallel_loop3A_104 = tpu.vector_load %arg6[%parallel_loop3A_103] {strides = array<i32>} : memref<32768xi32, #tpu.memory_space<vmem>>, vector<16xi32>,
      tpu.vector_store %arg6[%parallel_loop3A_103], %broadcast_in_dim3A_3 {strides = array<i32>} : memref<32768xi32, #tpu.memory_space<vmem>>, vector<16xi32>,
    } {sc.loop_unroll_factor = 2 : i64, sc.parallel_access}
    %dma_start3A = arith.constant 0 : i32
    %dma_start3A_8 = tpu.memref_slice %arg2[%arg1, %mul3A_2, %dma_start3A] : memref<16x256x512xi32, #tpu.memory_space<hbm>> -> memref<1x32x512xi32, #tpu.memory_space<hbm>>
    %dma_start3A_9 = tpu.memref_squeeze %dma_start3A_8 : memref<1x32x512xi32, #tpu.memory_space<hbm>> -> memref<32x512xi32, #tpu.memory_space<hbm>>
    %dma_start3A_10 = arith.constant 0 : i32
    %dma_start3A_11 = tpu.memref_slice %arg2[%arg1, %mul3A_2, %dma_start3A_10] : memref<16x256x512xi32, #tpu.memory_space<hbm>> -> memref<1x32x512xi32, #tpu.memory_space<hbm>>
    %dma_start3A_12 = tpu.memref_squeeze %dma_start3A_11 : memref<1x32x512xi32, #tpu.memory_space<hbm>> -> memref<32x512xi32, #tpu.memory_space<hbm>>
    tpu.enqueue_dma source(%dma_start3A_12 : memref<32x512xi32, #tpu.memory_space<hbm>>) target(%arg4 : memref<32x512xi32, #tpu.memory_space<vmem>>) target_semaphore(%arg7 : memref<!tpu.dma_semaphore, #tpu.memory_space<semaphore_mem>>)
    %add3A_13 = arith.constant 32 : i32
    %add3A_14 = arith.addi %mul3A_2, %add3A_13 : i32
    %dma_start3A_15 = arith.constant 0 : i32
    %dma_start3A_16 = tpu.memref_slice %arg2[%arg1, %add3A_14, %dma_start3A_15] : memref<16x256x512xi32, #tpu.memory_space<hbm>> -> memref<1x32x512xi32, #tpu.memory_space<hbm>>
    %dma_start3A_17 = tpu.memref_squeeze %dma_start3A_16 : memref<1x32x512xi32, #tpu.memory_space<hbm>> -> memref<32x512xi32, #tpu.memory_space<hbm>>
    %dma_start3A_18 = arith.constant 0 : i32
    %dma_start3A_19 = tpu.memref_slice %arg2[%arg1, %add3A_14, %dma_start3A_18] : memref<16x256x512xi32, #tpu.memory_space<hbm>> -> memref<1x32x512xi32, #tpu.memory_space<hbm>>
    %dma_start3A_20 = tpu.memref_squeeze %dma_start3A_19 : memref<1x32x512xi32, #tpu.memory_space<hbm>> -> memref<32x512xi32, #tpu.memory_space<hbm>>
    tpu.enqueue_dma source(%dma_start3A_20 : memref<32x512xi32, #tpu.memory_space<hbm>>) target(%arg5 : memref<32x512xi32, #tpu.memory_space<vmem>>) target_semaphore(%arg8 : memref<!tpu.dma_semaphore, #tpu.memory_space<semaphore_mem>>)
    %dma_wait3A = arith.constant 0 : i32
    %dma_wait3A_21 = tpu.memref_slice %arg2[%arg1, %mul3A_2, %dma_wait3A] : memref<16x256x512xi32, #tpu.memory_space<hbm>> -> memref<1x32x512xi32, #tpu.memory_space<hbm>>
    %dma_wait3A_22 = tpu.memref_squeeze %dma_wait3A_21 : memref<1x32x512xi32, #tpu.memory_space<hbm>> -> memref<32x512xi32, #tpu.memory_space<hbm>>
    %dma_wait3A_23 = arith.constant 0 : i32
    %dma_wait3A_24 = tpu.memref_slice %arg2[%arg1, %mul3A_2, %dma_wait3A_23] : memref<16x256x512xi32, #tpu.memory_space<hbm>> -> memref<1x32x512xi32, #tpu.memory_space<hbm>>
    %dma_wait3A_25 = tpu.memref_squeeze %dma_wait3A_24 : memref<1x32x512xi32, #tpu.memory_space<hbm>> -> memref<32x512xi32, #tpu.memory_space<hbm>>
    tpu.wait_dma2 semaphore(%arg7 : memref<!tpu.dma_semaphore, #tpu.memory_space<semaphore_mem>>) src(%dma_wait3A_25 : memref<32x512xi32, #tpu.memory_space<hbm>>) dst(%arg4 : memref<32x512xi32, #tpu.memory_space<vmem>>)
    %parallel_loop3A_26 = arith.constant 0 : i32
    %parallel_loop3A_27 = arith.constant 16384 : i32
    %parallel_loop3A_28 = arith.constant 256 : i32
    scf.for %parallel_loop3A_72 = %parallel_loop3A_26 to %parallel_loop3A_27 step %parallel_loop3A_28  : i32 {
      %parallel_loop3A_73 = arith.constant 9 : i32
      %parallel_loop3A_74 = arith.shrsi %parallel_loop3A_72, %parallel_loop3A_73 : i32
      %parallel_loop3A_75 = arith.constant 511 : i32
      %parallel_loop3A_76 = arith.andi %parallel_loop3A_72, %parallel_loop3A_75 : i32
      %parallel_loop3A_77 = arith.constant 0 : i32
      %parallel_loop3A_78 = arith.addi %parallel_loop3A_76, %parallel_loop3A_77 : i32
      %parallel_loop3A_79 = arith.index_cast %parallel_loop3A_74 : i32 to index
      %parallel_loop3A_80 = arith.index_cast %parallel_loop3A_78 : i32 to index
      %parallel_loop3A_81 = tpu.vector_load %arg4[%parallel_loop3A_79, %parallel_loop3A_80] {strides = array<i32>} : memref<32x512xi32, #tpu.memory_space<vmem>>, vector<16xi32>,
      %parallel_loop3A_82 = arith.constant 65535 : i32
      %parallel_loop3A_83 = vector.broadcast %parallel_loop3A_82 : i32 to vector<16xi32>
      %parallel_loop3A_84 = arith.andi %parallel_loop3A_81, %parallel_loop3A_83 : vector<16xi32>
      tpu.vector_store_idx %arg6[%parallel_loop3A_84], %broadcast_in_dim3A_5 {add = true} : memref<32768xi32, #tpu.memory_space<vmem>>[vector<16xi32>], vector<16xi32>,
      %parallel_loop3A_85 = arith.constant 16 : i32
      %parallel_loop3A_86 = vector.broadcast %parallel_loop3A_85 : i32 to vector<16xi32>
      %parallel_loop3A_87 = arith.shrui %parallel_loop3A_81, %parallel_loop3A_86 : vector<16xi32>
      tpu.vector_store_idx %arg6[%parallel_loop3A_87], %broadcast_in_dim3A_5 {add = true} : memref<32768xi32, #tpu.memory_space<vmem>>[vector<16xi32>], vector<16xi32>,
      %parallel_loop3A_88 = arith.constant 16 : i32
      %parallel_loop3A_89 = arith.addi %parallel_loop3A_76, %parallel_loop3A_88 : i32
      %parallel_loop3A_90 = arith.index_cast %parallel_loop3A_74 : i32 to index
      %parallel_loop3A_91 = arith.index_cast %parallel_loop3A_89 : i32 to index
      %parallel_loop3A_92 = tpu.vector_load %arg4[%parallel_loop3A_90, %parallel_loop3A_91] {strides = array<i32>} : memref<32x512xi32, #tpu.memory_space<vmem>>, vector<16xi32>,
      %parallel_loop3A_93 = arith.constant 65535 : i32
      %parallel_loop3A_94 = vector.broadcast %parallel_loop3A_93 : i32 to vector<16xi32>
      %parallel_loop3A_95 = arith.andi %parallel_loop3A_92, %parallel_loop3A_94 : vector<16xi32>
      tpu.vector_store_idx %arg6[%parallel_loop3A_95], %broadcast_in_dim3A_5 {add = true} : memref<32768xi32, #tpu.memory_space<vmem>>[vector<16xi32>], vector<16xi32>,
      %parallel_loop3A_96 = arith.constant 16 : i32
      %parallel_loop3A_97 = vector.broadcast %parallel_loop3A_96 : i32 to vector<16xi32>
      %parallel_loop3A_98 = arith.shrui %parallel_loop3A_92, %parallel_loop3A_97 : vector<16xi32>
      tpu.vector_store_idx %arg6[%parallel_loop3A_98], %broadcast_in_dim3A_5 {add = true} : memref<32768xi32, #tpu.memory_space<vmem>>[vector<16xi32>], vector<16xi32>,
      %parallel_loop3A_99 = arith.constant 32 : i32
      %parallel_loop3A_100 = arith.addi %parallel_loop3A_76, %parallel_loop3A_99 : i32
      %parallel_loop3A_101 = arith.index_cast %parallel_loop3A_74 : i32 to index
      %parallel_loop3A_102 = arith.index_cast %parallel_loop3A_100 : i32 to index
      %parallel_loop3A_103 = tpu.vector_load %arg4[%parallel_loop3A_101, %parallel_loop3A_102] {strides = array<i32>} : memref<32x512xi32, #tpu.memory_space<vmem>>, vector<16xi32>,
      %parallel_loop3A_104 = arith.constant 65535 : i32
      %parallel_loop3A_105 = vector.broadcast %parallel_loop3A_104 : i32 to vector<16xi32>
      %parallel_loop3A_106 = arith.andi %parallel_loop3A_103, %parallel_loop3A_105 : vector<16xi32>
      tpu.vector_store_idx %arg6[%parallel_loop3A_106], %broadcast_in_dim3A_5 {add = true} : memref<32768xi32, #tpu.memory_space<vmem>>[vector<16xi32>], vector<16xi32>,
      %parallel_loop3A_107 = arith.constant 16 : i32
      %parallel_loop3A_108 = vector.broadcast %parallel_loop3A_107 : i32 to vector<16xi32>
      %parallel_loop3A_109 = arith.shrui %parallel_loop3A_103, %parallel_loop3A_108 : vector<16xi32>
      tpu.vector_store_idx %arg6[%parallel_loop3A_109], %broadcast_in_dim3A_5 {add = true} : memref<32768xi32, #tpu.memory_space<vmem>>[vector<16xi32>], vector<16xi32>,
      %parallel_loop3A_110 = arith.constant 48 : i32
      %parallel_loop3A_111 = arith.addi %parallel_loop3A_76, %parallel_loop3A_110 : i32
      %parallel_loop3A_112 = arith.index_cast %parallel_loop3A_74 : i32 to index
      %parallel_loop3A_113 = arith.index_cast %parallel_loop3A_111 : i32 to index
      %parallel_loop3A_114 = tpu.vector_load %arg4[%parallel_loop3A_112, %parallel_loop3A_113] {strides = array<i32>} : memref<32x512xi32, #tpu.memory_space<vmem>>, vector<16xi32>,
      %parallel_loop3A_115 = arith.constant 65535 : i32
      %parallel_loop3A_116 = vector.broadcast %parallel_loop3A_115 : i32 to vector<16xi32>
      %parallel_loop3A_117 = arith.andi %parallel_loop3A_114, %parallel_loop3A_116 : vector<16xi32>
      tpu.vector_store_idx %arg6[%parallel_loop3A_117], %broadcast_in_dim3A_5 {add = true} : memref<32768xi32, #tpu.memory_space<vmem>>[vector<16xi32>], vector<16xi32>,
      %parallel_loop3A_118 = arith.constant 16 : i32
      %parallel_loop3A_119 = vector.broadcast %parallel_loop3A_118 : i32 to vector<16xi32>
      %parallel_loop3A_120 = arith.shrui %parallel_loop3A_114, %parallel_loop3A_119 : vector<16xi32>
      tpu.vector_store_idx %arg6[%parallel_loop3A_120], %broadcast_in_dim3A_5 {add = true} : memref<32768xi32, #tpu.memory_space<vmem>>[vector<16xi32>], vector<16xi32>,
      %parallel_loop3A_121 = arith.constant 64 : i32
      %parallel_loop3A_122 = arith.addi %parallel_loop3A_76, %parallel_loop3A_121 : i32
      %parallel_loop3A_123 = arith.index_cast %parallel_loop3A_74 : i32 to index
      %parallel_loop3A_124 = arith.index_cast %parallel_loop3A_122 : i32 to index
      %parallel_loop3A_125 = tpu.vector_load %arg4[%parallel_loop3A_123, %parallel_loop3A_124] {strides = array<i32>} : memref<32x512xi32, #tpu.memory_space<vmem>>, vector<16xi32>,
      %parallel_loop3A_126 = arith.constant 65535 : i32
      %parallel_loop3A_127 = vector.broadcast %parallel_loop3A_126 : i32 to vector<16xi32>
      %parallel_loop3A_128 = arith.andi %parallel_loop3A_125, %parallel_loop3A_127 : vector<16xi32>
      tpu.vector_store_idx %arg6[%parallel_loop3A_128], %broadcast_in_dim3A_5 {add = true} : memref<32768xi32, #tpu.memory_space<vmem>>[vector<16xi32>], vector<16xi32>,
      %parallel_loop3A_129 = arith.constant 16 : i32
      %parallel_loop3A_130 = vector.broadcast %parallel_loop3A_129 : i32 to vector<16xi32>
      %parallel_loop3A_131 = arith.shrui %parallel_loop3A_125, %parallel_loop3A_130 : vector<16xi32>
      tpu.vector_store_idx %arg6[%parallel_loop3A_131], %broadcast_in_dim3A_5 {add = true} : memref<32768xi32, #tpu.memory_space<vmem>>[vector<16xi32>], vector<16xi32>,
      %parallel_loop3A_132 = arith.constant 80 : i32
      %parallel_loop3A_133 = arith.addi %parallel_loop3A_76, %parallel_loop3A_132 : i32
      %parallel_loop3A_134 = arith.index_cast %parallel_loop3A_74 : i32 to index
      %parallel_loop3A_135 = arith.index_cast %parallel_loop3A_133 : i32 to index
      %parallel_loop3A_136 = tpu.vector_load %arg4[%parallel_loop3A_134, %parallel_loop3A_135] {strides = array<i32>} : memref<32x512xi32, #tpu.memory_space<vmem>>, vector<16xi32>,
      %parallel_loop3A_137 = arith.constant 65535 : i32
      %parallel_loop3A_138 = vector.broadcast %parallel_loop3A_137 : i32 to vector<16xi32>
      %parallel_loop3A_139 = arith.andi %parallel_loop3A_136, %parallel_loop3A_138 : vector<16xi32>
      tpu.vector_store_idx %arg6[%parallel_loop3A_139], %broadcast_in_dim3A_5 {add = true} : memref<32768xi32, #tpu.memory_space<vmem>>[vector<16xi32>], vector<16xi32>,
      %parallel_loop3A_140 = arith.constant 16 : i32
      %parallel_loop3A_141 = vector.broadcast %parallel_loop3A_140 : i32 to vector<16xi32>
      %parallel_loop3A_142 = arith.shrui %parallel_loop3A_136, %parallel_loop3A_141 : vector<16xi32>
      tpu.vector_store_idx %arg6[%parallel_loop3A_142], %broadcast_in_dim3A_5 {add = true} : memref<32768xi32, #tpu.memory_space<vmem>>[vector<16xi32>], vector<16xi32>,
      %parallel_loop3A_143 = arith.constant 96 : i32
      %parallel_loop3A_144 = arith.addi %parallel_loop3A_76, %parallel_loop3A_143 : i32
      %parallel_loop3A_145 = arith.index_cast %parallel_loop3A_74 : i32 to index
      %parallel_loop3A_146 = arith.index_cast %parallel_loop3A_144 : i32 to index
      %parallel_loop3A_147 = tpu.vector_load %arg4[%parallel_loop3A_145, %parallel_loop3A_146] {strides = array<i32>} : memref<32x512xi32, #tpu.memory_space<vmem>>, vector<16xi32>,
      %parallel_loop3A_148 = arith.constant 65535 : i32
      %parallel_loop3A_149 = vector.broadcast %parallel_loop3A_148 : i32 to vector<16xi32>
      %parallel_loop3A_150 = arith.andi %parallel_loop3A_147, %parallel_loop3A_149 : vector<16xi32>
      tpu.vector_store_idx %arg6[%parallel_loop3A_150], %broadcast_in_dim3A_5 {add = true} : memref<32768xi32, #tpu.memory_space<vmem>>[vector<16xi32>], vector<16xi32>,
      %parallel_loop3A_151 = arith.constant 16 : i32
      %parallel_loop3A_152 = vector.broadcast %parallel_loop3A_151 : i32 to vector<16xi32>
      %parallel_loop3A_153 = arith.shrui %parallel_loop3A_147, %parallel_loop3A_152 : vector<16xi32>
      tpu.vector_store_idx %arg6[%parallel_loop3A_153], %broadcast_in_dim3A_5 {add = true} : memref<32768xi32, #tpu.memory_space<vmem>>[vector<16xi32>], vector<16xi32>,
      %parallel_loop3A_154 = arith.constant 112 : i32
      %parallel_loop3A_155 = arith.addi %parallel_loop3A_76, %parallel_loop3A_154 : i32
      %parallel_loop3A_156 = arith.index_cast %parallel_loop3A_74 : i32 to index
      %parallel_loop3A_157 = arith.index_cast %parallel_loop3A_155 : i32 to index
      %parallel_loop3A_158 = tpu.vector_load %arg4[%parallel_loop3A_156, %parallel_loop3A_157] {strides = array<i32>} : memref<32x512xi32, #tpu.memory_space<vmem>>, vector<16xi32>,
      %parallel_loop3A_159 = arith.constant 65535 : i32
      %parallel_loop3A_160 = vector.broadcast %parallel_loop3A_159 : i32 to vector<16xi32>
      %parallel_loop3A_161 = arith.andi %parallel_loop3A_158, %parallel_loop3A_160 : vector<16xi32>
      tpu.vector_store_idx %arg6[%parallel_loop3A_161], %broadcast_in_dim3A_5 {add = true} : memref<32768xi32, #tpu.memory_space<vmem>>[vector<16xi32>], vector<16xi32>,
      %parallel_loop3A_162 = arith.constant 16 : i32
      %parallel_loop3A_163 = vector.broadcast %parallel_loop3A_162 : i32 to vector<16xi32>
      %parallel_loop3A_164 = arith.shrui %parallel_loop3A_158, %parallel_loop3A_163 : vector<16xi32>
      tpu.vector_store_idx %arg6[%parallel_loop3A_164], %broadcast_in_dim3A_5 {add = true} : memref<32768xi32, #tpu.memory_space<vmem>>[vector<16xi32>], vector<16xi32>,
      %parallel_loop3A_165 = arith.constant 128 : i32
      %parallel_loop3A_166 = arith.addi %parallel_loop3A_76, %parallel_loop3A_165 : i32
      %parallel_loop3A_167 = arith.index_cast %parallel_loop3A_74 : i32 to index
      %parallel_loop3A_168 = arith.index_cast %parallel_loop3A_166 : i32 to index
      %parallel_loop3A_169 = tpu.vector_load %arg4[%parallel_loop3A_167, %parallel_loop3A_168] {strides = array<i32>} : memref<32x512xi32, #tpu.memory_space<vmem>>, vector<16xi32>,
      %parallel_loop3A_170 = arith.constant 65535 : i32
      %parallel_loop3A_171 = vector.broadcast %parallel_loop3A_170 : i32 to vector<16xi32>
      %parallel_loop3A_172 = arith.andi %parallel_loop3A_169, %parallel_loop3A_171 : vector<16xi32>
      tpu.vector_store_idx %arg6[%parallel_loop3A_172], %broadcast_in_dim3A_5 {add = true} : memref<32768xi32, #tpu.memory_space<vmem>>[vector<16xi32>], vector<16xi32>,
      %parallel_loop3A_173 = arith.constant 16 : i32
      %parallel_loop3A_174 = vector.broadcast %parallel_loop3A_173 : i32 to vector<16xi32>
      %parallel_loop3A_175 = arith.shrui %parallel_loop3A_169, %parallel_loop3A_174 : vector<16xi32>
      tpu.vector_store_idx %arg6[%parallel_loop3A_175], %broadcast_in_dim3A_5 {add = true} : memref<32768xi32, #tpu.memory_space<vmem>>[vector<16xi32>], vector<16xi32>,
      %parallel_loop3A_176 = arith.constant 144 : i32
      %parallel_loop3A_177 = arith.addi %parallel_loop3A_76, %parallel_loop3A_176 : i32
      %parallel_loop3A_178 = arith.index_cast %parallel_loop3A_74 : i32 to index
      %parallel_loop3A_179 = arith.index_cast %parallel_loop3A_177 : i32 to index
      %parallel_loop3A_180 = tpu.vector_load %arg4[%parallel_loop3A_178, %parallel_loop3A_179] {strides = array<i32>} : memref<32x512xi32, #tpu.memory_space<vmem>>, vector<16xi32>,
      %parallel_loop3A_181 = arith.constant 65535 : i32
      %parallel_loop3A_182 = vector.broadcast %parallel_loop3A_181 : i32 to vector<16xi32>
      %parallel_loop3A_183 = arith.andi %parallel_loop3A_180, %parallel_loop3A_182 : vector<16xi32>
      tpu.vector_store_idx %arg6[%parallel_loop3A_183], %broadcast_in_dim3A_5 {add = true} : memref<32768xi32, #tpu.memory_space<vmem>>[vector<16xi32>], vector<16xi32>,
      %parallel_loop3A_184 = arith.constant 16 : i32
      %parallel_loop3A_185 = vector.broadcast %parallel_loop3A_184 : i32 to vector<16xi32>
      %parallel_loop3A_186 = arith.shrui %parallel_loop3A_180, %parallel_loop3A_185 : vector<16xi32>
      tpu.vector_store_idx %arg6[%parallel_loop3A_186], %broadcast_in_dim3A_5 {add = true} : memref<32768xi32, #tpu.memory_space<vmem>>[vector<16xi32>], vector<16xi32>,
      %parallel_loop3A_187 = arith.constant 160 : i32
      %parallel_loop3A_188 = arith.addi %parallel_loop3A_76, %parallel_loop3A_187 : i32
      %parallel_loop3A_189 = arith.index_cast %parallel_loop3A_74 : i32 to index
      %parallel_loop3A_190 = arith.index_cast %parallel_loop3A_188 : i32 to index
      %parallel_loop3A_191 = tpu.vector_load %arg4[%parallel_loop3A_189, %parallel_loop3A_190] {strides = array<i32>} : memref<32x512xi32, #tpu.memory_space<vmem>>, vector<16xi32>,
      %parallel_loop3A_192 = arith.constant 65535 : i32
      %parallel_loop3A_193 = vector.broadcast %parallel_loop3A_192 : i32 to vector<16xi32>
      %parallel_loop3A_194 = arith.andi %parallel_loop3A_191, %parallel_loop3A_193 : vector<16xi32>
      tpu.vector_store_idx %arg6[%parallel_loop3A_194], %broadcast_in_dim3A_5 {add = true} : memref<32768xi32, #tpu.memory_space<vmem>>[vector<16xi32>], vector<16xi32>,
      %parallel_loop3A_195 = arith.constant 16 : i32
      %parallel_loop3A_196 = vector.broadcast %parallel_loop3A_195 : i32 to vector<16xi32>
      %parallel_loop3A_197 = arith.shrui %parallel_loop3A_191, %parallel_loop3A_196 : vector<16xi32>
      tpu.vector_store_idx %arg6[%parallel_loop3A_197], %broadcast_in_dim3A_5 {add = true} : memref<32768xi32, #tpu.memory_space<vmem>>[vector<16xi32>], vector<16xi32>,
      %parallel_loop3A_198 = arith.constant 176 : i32
      %parallel_loop3A_199 = arith.addi %parallel_loop3A_76, %parallel_loop3A_198 : i32
      %parallel_loop3A_200 = arith.index_cast %parallel_loop3A_74 : i32 to index
      %parallel_loop3A_201 = arith.index_cast %parallel_loop3A_199 : i32 to index
      %parallel_loop3A_202 = tpu.vector_load %arg4[%parallel_loop3A_200, %parallel_loop3A_201] {strides = array<i32>} : memref<32x512xi32, #tpu.memory_space<vmem>>, vector<16xi32>,
      %parallel_loop3A_203 = arith.constant 65535 : i32
      %parallel_loop3A_204 = vector.broadcast %parallel_loop3A_203 : i32 to vector<16xi32>
      %parallel_loop3A_205 = arith.andi %parallel_loop3A_202, %parallel_loop3A_204 : vector<16xi32>
      tpu.vector_store_idx %arg6[%parallel_loop3A_205], %broadcast_in_dim3A_5 {add = true} : memref<32768xi32, #tpu.memory_space<vmem>>[vector<16xi32>], vector<16xi32>,
      %parallel_loop3A_206 = arith.constant 16 : i32
      %parallel_loop3A_207 = vector.broadcast %parallel_loop3A_206 : i32 to vector<16xi32>
      %parallel_loop3A_208 = arith.shrui %parallel_loop3A_202, %parallel_loop3A_207 : vector<16xi32>
      tpu.vector_store_idx %arg6[%parallel_loop3A_208], %broadcast_in_dim3A_5 {add = true} : memref<32768xi32, #tpu.memory_space<vmem>>[vector<16xi32>], vector<16xi32>,
      %parallel_loop3A_209 = arith.constant 192 : i32
      %parallel_loop3A_210 = arith.addi %parallel_loop3A_76, %parallel_loop3A_209 : i32
      %parallel_loop3A_211 = arith.index_cast %parallel_loop3A_74 : i32 to index
      %parallel_loop3A_212 = arith.index_cast %parallel_loop3A_210 : i32 to index
      %parallel_loop3A_213 = tpu.vector_load %arg4[%parallel_loop3A_211, %parallel_loop3A_212] {strides = array<i32>} : memref<32x512xi32, #tpu.memory_space<vmem>>, vector<16xi32>,
      %parallel_loop3A_214 = arith.constant 65535 : i32
      %parallel_loop3A_215 = vector.broadcast %parallel_loop3A_214 : i32 to vector<16xi32>
      %parallel_loop3A_216 = arith.andi %parallel_loop3A_213, %parallel_loop3A_215 : vector<16xi32>
      tpu.vector_store_idx %arg6[%parallel_loop3A_216], %broadcast_in_dim3A_5 {add = true} : memref<32768xi32, #tpu.memory_space<vmem>>[vector<16xi32>], vector<16xi32>,
      %parallel_loop3A_217 = arith.constant 16 : i32
      %parallel_loop3A_218 = vector.broadcast %parallel_loop3A_217 : i32 to vector<16xi32>
      %parallel_loop3A_219 = arith.shrui %parallel_loop3A_213, %parallel_loop3A_218 : vector<16xi32>
      tpu.vector_store_idx %arg6[%parallel_loop3A_219], %broadcast_in_dim3A_5 {add = true} : memref<32768xi32, #tpu.memory_space<vmem>>[vector<16xi32>], vector<16xi32>,
      %parallel_loop3A_220 = arith.constant 208 : i32
      %parallel_loop3A_221 = arith.addi %parallel_loop3A_76, %parallel_loop3A_220 : i32
      %parallel_loop3A_222 = arith.index_cast %parallel_loop3A_74 : i32 to index
      %parallel_loop3A_223 = arith.index_cast %parallel_loop3A_221 : i32 to index
      %parallel_loop3A_224 = tpu.vector_load %arg4[%parallel_loop3A_222, %parallel_loop3A_223] {strides = array<i32>} : memref<32x512xi32, #tpu.memory_space<vmem>>, vector<16xi32>,
      %parallel_loop3A_225 = arith.constant 65535 : i32
      %parallel_loop3A_226 = vector.broadcast %parallel_loop3A_225 : i32 to vector<16xi32>
      %parallel_loop3A_227 = arith.andi %parallel_loop3A_224, %parallel_loop3A_226 : vector<16xi32>
      tpu.vector_store_idx %arg6[%parallel_loop3A_227], %broadcast_in_dim3A_5 {add = true} : memref<32768xi32, #tpu.memory_space<vmem>>[vector<16xi32>], vector<16xi32>,
      %parallel_loop3A_228 = arith.constant 16 : i32
      %parallel_loop3A_229 = vector.broadcast %parallel_loop3A_228 : i32 to vector<16xi32>
      %parallel_loop3A_230 = arith.shrui %parallel_loop3A_224, %parallel_loop3A_229 : vector<16xi32>
      tpu.vector_store_idx %arg6[%parallel_loop3A_230], %broadcast_in_dim3A_5 {add = true} : memref<32768xi32, #tpu.memory_space<vmem>>[vector<16xi32>], vector<16xi32>,
      %parallel_loop3A_231 = arith.constant 224 : i32
      %parallel_loop3A_232 = arith.addi %parallel_loop3A_76, %parallel_loop3A_231 : i32
      %parallel_loop3A_233 = arith.index_cast %parallel_loop3A_74 : i32 to index
      %parallel_loop3A_234 = arith.index_cast %parallel_loop3A_232 : i32 to index
      %parallel_loop3A_235 = tpu.vector_load %arg4[%parallel_loop3A_233, %parallel_loop3A_234] {strides = array<i32>} : memref<32x512xi32, #tpu.memory_space<vmem>>, vector<16xi32>,
      %parallel_loop3A_236 = arith.constant 65535 : i32
      %parallel_loop3A_237 = vector.broadcast %parallel_loop3A_236 : i32 to vector<16xi32>
      %parallel_loop3A_238 = arith.andi %parallel_loop3A_235, %parallel_loop3A_237 : vector<16xi32>
      tpu.vector_store_idx %arg6[%parallel_loop3A_238], %broadcast_in_dim3A_5 {add = true} : memref<32768xi32, #tpu.memory_space<vmem>>[vector<16xi32>], vector<16xi32>,
      %parallel_loop3A_239 = arith.constant 16 : i32
      %parallel_loop3A_240 = vector.broadcast %parallel_loop3A_239 : i32 to vector<16xi32>
      %parallel_loop3A_241 = arith.shrui %parallel_loop3A_235, %parallel_loop3A_240 : vector<16xi32>
      tpu.vector_store_idx %arg6[%parallel_loop3A_241], %broadcast_in_dim3A_5 {add = true} : memref<32768xi32, #tpu.memory_space<vmem>>[vector<16xi32>], vector<16xi32>,
      %parallel_loop3A_242 = arith.constant 240 : i32
      %parallel_loop3A_243 = arith.addi %parallel_loop3A_76, %parallel_loop3A_242 : i32
      %parallel_loop3A_244 = arith.index_cast %parallel_loop3A_74 : i32 to index
      %parallel_loop3A_245 = arith.index_cast %parallel_loop3A_243 : i32 to index
      %parallel_loop3A_246 = tpu.vector_load %arg4[%parallel_loop3A_244, %parallel_loop3A_245] {strides = array<i32>} : memref<32x512xi32, #tpu.memory_space<vmem>>, vector<16xi32>,
      %parallel_loop3A_247 = arith.constant 65535 : i32
      %parallel_loop3A_248 = vector.broadcast %parallel_loop3A_247 : i32 to vector<16xi32>
      %parallel_loop3A_249 = arith.andi %parallel_loop3A_246, %parallel_loop3A_248 : vector<16xi32>
      tpu.vector_store_idx %arg6[%parallel_loop3A_249], %broadcast_in_dim3A_5 {add = true} : memref<32768xi32, #tpu.memory_space<vmem>>[vector<16xi32>], vector<16xi32>,
      %parallel_loop3A_250 = arith.constant 16 : i32
      %parallel_loop3A_251 = vector.broadcast %parallel_loop3A_250 : i32 to vector<16xi32>
      %parallel_loop3A_252 = arith.shrui %parallel_loop3A_246, %parallel_loop3A_251 : vector<16xi32>
      tpu.vector_store_idx %arg6[%parallel_loop3A_252], %broadcast_in_dim3A_5 {add = true} : memref<32768xi32, #tpu.memory_space<vmem>>[vector<16xi32>], vector<16xi32>,
    } {sc.loop_unroll_factor = 2 : i64, sc.parallel_access}
    %add3A_29 = arith.constant 64 : i32
    %add3A_30 = arith.addi %mul3A_2, %add3A_29 : i32
    %dma_start3A_31 = arith.constant 0 : i32
    %dma_start3A_32 = tpu.memref_slice %arg2[%arg1, %add3A_30, %dma_start3A_31] : memref<16x256x512xi32, #tpu.memory_space<hbm>> -> memref<1x32x512xi32, #tpu.memory_space<hbm>>
    %dma_start3A_33 = tpu.memref_squeeze %dma_start3A_32 : memref<1x32x512xi32, #tpu.memory_space<hbm>> -> memref<32x512xi32, #tpu.memory_space<hbm>>
    %dma_start3A_34 = arith.constant 0 : i32
    %dma_start3A_35 = tpu.memref_slice %arg2[%arg1, %add3A_30, %dma_start3A_34] : memref<16x256x512xi32, #tpu.memory_space<hbm>> -> memref<1x32x512xi32, #tpu.memory_space<hbm>>
    %dma_start3A_36 = tpu.memref_squeeze %dma_start3A_35 : memref<1x32x512xi32, #tpu.memory_space<hbm>> -> memref<32x512xi32, #tpu.memory_space<hbm>>
    tpu.enqueue_dma source(%dma_start3A_36 : memref<32x512xi32, #tpu.memory_space<hbm>>) target(%arg4 : memref<32x512xi32, #tpu.memory_space<vmem>>) target_semaphore(%arg7 : memref<!tpu.dma_semaphore, #tpu.memory_space<semaphore_mem>>)
    %dma_wait3A_37 = arith.constant 0 : i32
    %dma_wait3A_38 = tpu.memref_slice %arg2[%arg1, %add3A_14, %dma_wait3A_37] : memref<16x256x512xi32, #tpu.memory_space<hbm>> -> memref<1x32x512xi32, #tpu.memory_space<hbm>>
    %dma_wait3A_39 = tpu.memref_squeeze %dma_wait3A_38 : memref<1x32x512xi32, #tpu.memory_space<hbm>> -> memref<32x512xi32, #tpu.memory_space<hbm>>
    %dma_wait3A_40 = arith.constant 0 : i32
    %dma_wait3A_41 = tpu.memref_slice %arg2[%arg1, %add3A_14, %dma_wait3A_40] : memref<16x256x512xi32, #tpu.memory_space<hbm>> -> memref<1x32x512xi32, #tpu.memory_space<hbm>>
    %dma_wait3A_42 = tpu.memref_squeeze %dma_wait3A_41 : memref<1x32x512xi32, #tpu.memory_space<hbm>> -> memref<32x512xi32, #tpu.memory_space<hbm>>
    tpu.wait_dma2 semaphore(%arg8 : memref<!tpu.dma_semaphore, #tpu.memory_space<semaphore_mem>>) src(%dma_wait3A_42 : memref<32x512xi32, #tpu.memory_space<hbm>>) dst(%arg5 : memref<32x512xi32, #tpu.memory_space<vmem>>)
    %parallel_loop3A_43 = arith.constant 0 : i32
    %parallel_loop3A_44 = arith.constant 16384 : i32
    %parallel_loop3A_45 = arith.constant 256 : i32
    scf.for %parallel_loop3A_72 = %parallel_loop3A_43 to %parallel_loop3A_44 step %parallel_loop3A_45  : i32 {
      %parallel_loop3A_73 = arith.constant 9 : i32
      %parallel_loop3A_74 = arith.shrsi %parallel_loop3A_72, %parallel_loop3A_73 : i32
      %parallel_loop3A_75 = arith.constant 511 : i32
      %parallel_loop3A_76 = arith.andi %parallel_loop3A_72, %parallel_loop3A_75 : i32
      %parallel_loop3A_77 = arith.constant 0 : i32
      %parallel_loop3A_78 = arith.addi %parallel_loop3A_76, %parallel_loop3A_77 : i32
      %parallel_loop3A_79 = arith.index_cast %parallel_loop3A_74 : i32 to index
      %parallel_loop3A_80 = arith.index_cast %parallel_loop3A_78 : i32 to index
      %parallel_loop3A_81 = tpu.vector_load %arg5[%parallel_loop3A_79, %parallel_loop3A_80] {strides = array<i32>} : memref<32x512xi32, #tpu.memory_space<vmem>>, vector<16xi32>,
      %parallel_loop3A_82 = arith.constant 65535 : i32
      %parallel_loop3A_83 = vector.broadcast %parallel_loop3A_82 : i32 to vector<16xi32>
      %parallel_loop3A_84 = arith.andi %parallel_loop3A_81, %parallel_loop3A_83 : vector<16xi32>
      tpu.vector_store_idx %arg6[%parallel_loop3A_84], %broadcast_in_dim3A_5 {add = true} : memref<32768xi32, #tpu.memory_space<vmem>>[vector<16xi32>], vector<16xi32>,
      %parallel_loop3A_85 = arith.constant 16 : i32
      %parallel_loop3A_86 = vector.broadcast %parallel_loop3A_85 : i32 to vector<16xi32>
      %parallel_loop3A_87 = arith.shrui %parallel_loop3A_81, %parallel_loop3A_86 : vector<16xi32>
      tpu.vector_store_idx %arg6[%parallel_loop3A_87], %broadcast_in_dim3A_5 {add = true} : memref<32768xi32, #tpu.memory_space<vmem>>[vector<16xi32>], vector<16xi32>,
      %parallel_loop3A_88 = arith.constant 16 : i32
      %parallel_loop3A_89 = arith.addi %parallel_loop3A_76, %parallel_loop3A_88 : i32
      %parallel_loop3A_90 = arith.index_cast %parallel_loop3A_74 : i32 to index
      %parallel_loop3A_91 = arith.index_cast %parallel_loop3A_89 : i32 to index
      %parallel_loop3A_92 = tpu.vector_load %arg5[%parallel_loop3A_90, %parallel_loop3A_91] {strides = array<i32>} : memref<32x512xi32, #tpu.memory_space<vmem>>, vector<16xi32>,
      %parallel_loop3A_93 = arith.constant 65535 : i32
      %parallel_loop3A_94 = vector.broadcast %parallel_loop3A_93 : i32 to vector<16xi32>
      %parallel_loop3A_95 = arith.andi %parallel_loop3A_92, %parallel_loop3A_94 : vector<16xi32>
      tpu.vector_store_idx %arg6[%parallel_loop3A_95], %broadcast_in_dim3A_5 {add = true} : memref<32768xi32, #tpu.memory_space<vmem>>[vector<16xi32>], vector<16xi32>,
      %parallel_loop3A_96 = arith.constant 16 : i32
      %parallel_loop3A_97 = vector.broadcast %parallel_loop3A_96 : i32 to vector<16xi32>
      %parallel_loop3A_98 = arith.shrui %parallel_loop3A_92, %parallel_loop3A_97 : vector<16xi32>
      tpu.vector_store_idx %arg6[%parallel_loop3A_98], %broadcast_in_dim3A_5 {add = true} : memref<32768xi32, #tpu.memory_space<vmem>>[vector<16xi32>], vector<16xi32>,
      %parallel_loop3A_99 = arith.constant 32 : i32
      %parallel_loop3A_100 = arith.addi %parallel_loop3A_76, %parallel_loop3A_99 : i32
      %parallel_loop3A_101 = arith.index_cast %parallel_loop3A_74 : i32 to index
      %parallel_loop3A_102 = arith.index_cast %parallel_loop3A_100 : i32 to index
      %parallel_loop3A_103 = tpu.vector_load %arg5[%parallel_loop3A_101, %parallel_loop3A_102] {strides = array<i32>} : memref<32x512xi32, #tpu.memory_space<vmem>>, vector<16xi32>,
      %parallel_loop3A_104 = arith.constant 65535 : i32
      %parallel_loop3A_105 = vector.broadcast %parallel_loop3A_104 : i32 to vector<16xi32>
      %parallel_loop3A_106 = arith.andi %parallel_loop3A_103, %parallel_loop3A_105 : vector<16xi32>
      tpu.vector_store_idx %arg6[%parallel_loop3A_106], %broadcast_in_dim3A_5 {add = true} : memref<32768xi32, #tpu.memory_space<vmem>>[vector<16xi32>], vector<16xi32>,
      %parallel_loop3A_107 = arith.constant 16 : i32
      %parallel_loop3A_108 = vector.broadcast %parallel_loop3A_107 : i32 to vector<16xi32>
      %parallel_loop3A_109 = arith.shrui %parallel_loop3A_103, %parallel_loop3A_108 : vector<16xi32>
      tpu.vector_store_idx %arg6[%parallel_loop3A_109], %broadcast_in_dim3A_5 {add = true} : memref<32768xi32, #tpu.memory_space<vmem>>[vector<16xi32>], vector<16xi32>,
      %parallel_loop3A_110 = arith.constant 48 : i32
      %parallel_loop3A_111 = arith.addi %parallel_loop3A_76, %parallel_loop3A_110 : i32
      %parallel_loop3A_112 = arith.index_cast %parallel_loop3A_74 : i32 to index
      %parallel_loop3A_113 = arith.index_cast %parallel_loop3A_111 : i32 to index
      %parallel_loop3A_114 = tpu.vector_load %arg5[%parallel_loop3A_112, %parallel_loop3A_113] {strides = array<i32>} : memref<32x512xi32, #tpu.memory_space<vmem>>, vector<16xi32>,
      %parallel_loop3A_115 = arith.constant 65535 : i32
      %parallel_loop3A_116 = vector.broadcast %parallel_loop3A_115 : i32 to vector<16xi32>
      %parallel_loop3A_117 = arith.andi %parallel_loop3A_114, %parallel_loop3A_116 : vector<16xi32>
      tpu.vector_store_idx %arg6[%parallel_loop3A_117], %broadcast_in_dim3A_5 {add = true} : memref<32768xi32, #tpu.memory_space<vmem>>[vector<16xi32>], vector<16xi32>,
      %parallel_loop3A_118 = arith.constant 16 : i32
      %parallel_loop3A_119 = vector.broadcast %parallel_loop3A_118 : i32 to vector<16xi32>
      %parallel_loop3A_120 = arith.shrui %parallel_loop3A_114, %parallel_loop3A_119 : vector<16xi32>
      tpu.vector_store_idx %arg6[%parallel_loop3A_120], %broadcast_in_dim3A_5 {add = true} : memref<32768xi32, #tpu.memory_space<vmem>>[vector<16xi32>], vector<16xi32>,
      %parallel_loop3A_121 = arith.constant 64 : i32
      %parallel_loop3A_122 = arith.addi %parallel_loop3A_76, %parallel_loop3A_121 : i32
      %parallel_loop3A_123 = arith.index_cast %parallel_loop3A_74 : i32 to index
      %parallel_loop3A_124 = arith.index_cast %parallel_loop3A_122 : i32 to index
      %parallel_loop3A_125 = tpu.vector_load %arg5[%parallel_loop3A_123, %parallel_loop3A_124] {strides = array<i32>} : memref<32x512xi32, #tpu.memory_space<vmem>>, vector<16xi32>,
      %parallel_loop3A_126 = arith.constant 65535 : i32
      %parallel_loop3A_127 = vector.broadcast %parallel_loop3A_126 : i32 to vector<16xi32>
      %parallel_loop3A_128 = arith.andi %parallel_loop3A_125, %parallel_loop3A_127 : vector<16xi32>
      tpu.vector_store_idx %arg6[%parallel_loop3A_128], %broadcast_in_dim3A_5 {add = true} : memref<32768xi32, #tpu.memory_space<vmem>>[vector<16xi32>], vector<16xi32>,
      %parallel_loop3A_129 = arith.constant 16 : i32
      %parallel_loop3A_130 = vector.broadcast %parallel_loop3A_129 : i32 to vector<16xi32>
      %parallel_loop3A_131 = arith.shrui %parallel_loop3A_125, %parallel_loop3A_130 : vector<16xi32>
      tpu.vector_store_idx %arg6[%parallel_loop3A_131], %broadcast_in_dim3A_5 {add = true} : memref<32768xi32, #tpu.memory_space<vmem>>[vector<16xi32>], vector<16xi32>,
      %parallel_loop3A_132 = arith.constant 80 : i32
      %parallel_loop3A_133 = arith.addi %parallel_loop3A_76, %parallel_loop3A_132 : i32
      %parallel_loop3A_134 = arith.index_cast %parallel_loop3A_74 : i32 to index
      %parallel_loop3A_135 = arith.index_cast %parallel_loop3A_133 : i32 to index
      %parallel_loop3A_136 = tpu.vector_load %arg5[%parallel_loop3A_134, %parallel_loop3A_135] {strides = array<i32>} : memref<32x512xi32, #tpu.memory_space<vmem>>, vector<16xi32>,
      %parallel_loop3A_137 = arith.constant 65535 : i32
      %parallel_loop3A_138 = vector.broadcast %parallel_loop3A_137 : i32 to vector<16xi32>
      %parallel_loop3A_139 = arith.andi %parallel_loop3A_136, %parallel_loop3A_138 : vector<16xi32>
      tpu.vector_store_idx %arg6[%parallel_loop3A_139], %broadcast_in_dim3A_5 {add = true} : memref<32768xi32, #tpu.memory_space<vmem>>[vector<16xi32>], vector<16xi32>,
      %parallel_loop3A_140 = arith.constant 16 : i32
      %parallel_loop3A_141 = vector.broadcast %parallel_loop3A_140 : i32 to vector<16xi32>
      %parallel_loop3A_142 = arith.shrui %parallel_loop3A_136, %parallel_loop3A_141 : vector<16xi32>
      tpu.vector_store_idx %arg6[%parallel_loop3A_142], %broadcast_in_dim3A_5 {add = true} : memref<32768xi32, #tpu.memory_space<vmem>>[vector<16xi32>], vector<16xi32>,
      %parallel_loop3A_143 = arith.constant 96 : i32
      %parallel_loop3A_144 = arith.addi %parallel_loop3A_76, %parallel_loop3A_143 : i32
      %parallel_loop3A_145 = arith.index_cast %parallel_loop3A_74 : i32 to index
      %parallel_loop3A_146 = arith.index_cast %parallel_loop3A_144 : i32 to index
      %parallel_loop3A_147 = tpu.vector_load %arg5[%parallel_loop3A_145, %parallel_loop3A_146] {strides = array<i32>} : memref<32x512xi32, #tpu.memory_space<vmem>>, vector<16xi32>,
      %parallel_loop3A_148 = arith.constant 65535 : i32
      %parallel_loop3A_149 = vector.broadcast %parallel_loop3A_148 : i32 to vector<16xi32>
      %parallel_loop3A_150 = arith.andi %parallel_loop3A_147, %parallel_loop3A_149 : vector<16xi32>
      tpu.vector_store_idx %arg6[%parallel_loop3A_150], %broadcast_in_dim3A_5 {add = true} : memref<32768xi32, #tpu.memory_space<vmem>>[vector<16xi32>], vector<16xi32>,
      %parallel_loop3A_151 = arith.constant 16 : i32
      %parallel_loop3A_152 = vector.broadcast %parallel_loop3A_151 : i32 to vector<16xi32>
      %parallel_loop3A_153 = arith.shrui %parallel_loop3A_147, %parallel_loop3A_152 : vector<16xi32>
      tpu.vector_store_idx %arg6[%parallel_loop3A_153], %broadcast_in_dim3A_5 {add = true} : memref<32768xi32, #tpu.memory_space<vmem>>[vector<16xi32>], vector<16xi32>,
      %parallel_loop3A_154 = arith.constant 112 : i32
      %parallel_loop3A_155 = arith.addi %parallel_loop3A_76, %parallel_loop3A_154 : i32
      %parallel_loop3A_156 = arith.index_cast %parallel_loop3A_74 : i32 to index
      %parallel_loop3A_157 = arith.index_cast %parallel_loop3A_155 : i32 to index
      %parallel_loop3A_158 = tpu.vector_load %arg5[%parallel_loop3A_156, %parallel_loop3A_157] {strides = array<i32>} : memref<32x512xi32, #tpu.memory_space<vmem>>, vector<16xi32>,
      %parallel_loop3A_159 = arith.constant 65535 : i32
      %parallel_loop3A_160 = vector.broadcast %parallel_loop3A_159 : i32 to vector<16xi32>
      %parallel_loop3A_161 = arith.andi %parallel_loop3A_158, %parallel_loop3A_160 : vector<16xi32>
      tpu.vector_store_idx %arg6[%parallel_loop3A_161], %broadcast_in_dim3A_5 {add = true} : memref<32768xi32, #tpu.memory_space<vmem>>[vector<16xi32>], vector<16xi32>,
      %parallel_loop3A_162 = arith.constant 16 : i32
      %parallel_loop3A_163 = vector.broadcast %parallel_loop3A_162 : i32 to vector<16xi32>
      %parallel_loop3A_164 = arith.shrui %parallel_loop3A_158, %parallel_loop3A_163 : vector<16xi32>
      tpu.vector_store_idx %arg6[%parallel_loop3A_164], %broadcast_in_dim3A_5 {add = true} : memref<32768xi32, #tpu.memory_space<vmem>>[vector<16xi32>], vector<16xi32>,
      %parallel_loop3A_165 = arith.constant 128 : i32
      %parallel_loop3A_166 = arith.addi %parallel_loop3A_76, %parallel_loop3A_165 : i32
      %parallel_loop3A_167 = arith.index_cast %parallel_loop3A_74 : i32 to index
      %parallel_loop3A_168 = arith.index_cast %parallel_loop3A_166 : i32 to index
      %parallel_loop3A_169 = tpu.vector_load %arg5[%parallel_loop3A_167, %parallel_loop3A_168] {strides = array<i32>} : memref<32x512xi32, #tpu.memory_space<vmem>>, vector<16xi32>,
      %parallel_loop3A_170 = arith.constant 65535 : i32
      %parallel_loop3A_171 = vector.broadcast %parallel_loop3A_170 : i32 to vector<16xi32>
      %parallel_loop3A_172 = arith.andi %parallel_loop3A_169, %parallel_loop3A_171 : vector<16xi32>
      tpu.vector_store_idx %arg6[%parallel_loop3A_172], %broadcast_in_dim3A_5 {add = true} : memref<32768xi32, #tpu.memory_space<vmem>>[vector<16xi32>], vector<16xi32>,
      %parallel_loop3A_173 = arith.constant 16 : i32
      %parallel_loop3A_174 = vector.broadcast %parallel_loop3A_173 : i32 to vector<16xi32>
      %parallel_loop3A_175 = arith.shrui %parallel_loop3A_169, %parallel_loop3A_174 : vector<16xi32>
      tpu.vector_store_idx %arg6[%parallel_loop3A_175], %broadcast_in_dim3A_5 {add = true} : memref<32768xi32, #tpu.memory_space<vmem>>[vector<16xi32>], vector<16xi32>,
      %parallel_loop3A_176 = arith.constant 144 : i32
      %parallel_loop3A_177 = arith.addi %parallel_loop3A_76, %parallel_loop3A_176 : i32
      %parallel_loop3A_178 = arith.index_cast %parallel_loop3A_74 : i32 to index
      %parallel_loop3A_179 = arith.index_cast %parallel_loop3A_177 : i32 to index
      %parallel_loop3A_180 = tpu.vector_load %arg5[%parallel_loop3A_178, %parallel_loop3A_179] {strides = array<i32>} : memref<32x512xi32, #tpu.memory_space<vmem>>, vector<16xi32>,
      %parallel_loop3A_181 = arith.constant 65535 : i32
      %parallel_loop3A_182 = vector.broadcast %parallel_loop3A_181 : i32 to vector<16xi32>
      %parallel_loop3A_183 = arith.andi %parallel_loop3A_180, %parallel_loop3A_182 : vector<16xi32>
      tpu.vector_store_idx %arg6[%parallel_loop3A_183], %broadcast_in_dim3A_5 {add = true} : memref<32768xi32, #tpu.memory_space<vmem>>[vector<16xi32>], vector<16xi32>,
      %parallel_loop3A_184 = arith.constant 16 : i32
      %parallel_loop3A_185 = vector.broadcast %parallel_loop3A_184 : i32 to vector<16xi32>
      %parallel_loop3A_186 = arith.shrui %parallel_loop3A_180, %parallel_loop3A_185 : vector<16xi32>
      tpu.vector_store_idx %arg6[%parallel_loop3A_186], %broadcast_in_dim3A_5 {add = true} : memref<32768xi32, #tpu.memory_space<vmem>>[vector<16xi32>], vector<16xi32>,
      %parallel_loop3A_187 = arith.constant 160 : i32
      %parallel_loop3A_188 = arith.addi %parallel_loop3A_76, %parallel_loop3A_187 : i32
      %parallel_loop3A_189 = arith.index_cast %parallel_loop3A_74 : i32 to index
      %parallel_loop3A_190 = arith.index_cast %parallel_loop3A_188 : i32 to index
      %parallel_loop3A_191 = tpu.vector_load %arg5[%parallel_loop3A_189, %parallel_loop3A_190] {strides = array<i32>} : memref<32x512xi32, #tpu.memory_space<vmem>>, vector<16xi32>,
      %parallel_loop3A_192 = arith.constant 65535 : i32
      %parallel_loop3A_193 = vector.broadcast %parallel_loop3A_192 : i32 to vector<16xi32>
      %parallel_loop3A_194 = arith.andi %parallel_loop3A_191, %parallel_loop3A_193 : vector<16xi32>
      tpu.vector_store_idx %arg6[%parallel_loop3A_194], %broadcast_in_dim3A_5 {add = true} : memref<32768xi32, #tpu.memory_space<vmem>>[vector<16xi32>], vector<16xi32>,
      %parallel_loop3A_195 = arith.constant 16 : i32
      %parallel_loop3A_196 = vector.broadcast %parallel_loop3A_195 : i32 to vector<16xi32>
      %parallel_loop3A_197 = arith.shrui %parallel_loop3A_191, %parallel_loop3A_196 : vector<16xi32>
      tpu.vector_store_idx %arg6[%parallel_loop3A_197], %broadcast_in_dim3A_5 {add = true} : memref<32768xi32, #tpu.memory_space<vmem>>[vector<16xi32>], vector<16xi32>,
      %parallel_loop3A_198 = arith.constant 176 : i32
      %parallel_loop3A_199 = arith.addi %parallel_loop3A_76, %parallel_loop3A_198 : i32
      %parallel_loop3A_200 = arith.index_cast %parallel_loop3A_74 : i32 to index
      %parallel_loop3A_201 = arith.index_cast %parallel_loop3A_199 : i32 to index
      %parallel_loop3A_202 = tpu.vector_load %arg5[%parallel_loop3A_200, %parallel_loop3A_201] {strides = array<i32>} : memref<32x512xi32, #tpu.memory_space<vmem>>, vector<16xi32>,
      %parallel_loop3A_203 = arith.constant 65535 : i32
      %parallel_loop3A_204 = vector.broadcast %parallel_loop3A_203 : i32 to vector<16xi32>
      %parallel_loop3A_205 = arith.andi %parallel_loop3A_202, %parallel_loop3A_204 : vector<16xi32>
      tpu.vector_store_idx %arg6[%parallel_loop3A_205], %broadcast_in_dim3A_5 {add = true} : memref<32768xi32, #tpu.memory_space<vmem>>[vector<16xi32>], vector<16xi32>,
      %parallel_loop3A_206 = arith.constant 16 : i32
      %parallel_loop3A_207 = vector.broadcast %parallel_loop3A_206 : i32 to vector<16xi32>
      %parallel_loop3A_208 = arith.shrui %parallel_loop3A_202, %parallel_loop3A_207 : vector<16xi32>
      tpu.vector_store_idx %arg6[%parallel_loop3A_208], %broadcast_in_dim3A_5 {add = true} : memref<32768xi32, #tpu.memory_space<vmem>>[vector<16xi32>], vector<16xi32>,
      %parallel_loop3A_209 = arith.constant 192 : i32
      %parallel_loop3A_210 = arith.addi %parallel_loop3A_76, %parallel_loop3A_209 : i32
      %parallel_loop3A_211 = arith.index_cast %parallel_loop3A_74 : i32 to index
      %parallel_loop3A_212 = arith.index_cast %parallel_loop3A_210 : i32 to index
      %parallel_loop3A_213 = tpu.vector_load %arg5[%parallel_loop3A_211, %parallel_loop3A_212] {strides = array<i32>} : memref<32x512xi32, #tpu.memory_space<vmem>>, vector<16xi32>,
      %parallel_loop3A_214 = arith.constant 65535 : i32
      %parallel_loop3A_215 = vector.broadcast %parallel_loop3A_214 : i32 to vector<16xi32>
      %parallel_loop3A_216 = arith.andi %parallel_loop3A_213, %parallel_loop3A_215 : vector<16xi32>
      tpu.vector_store_idx %arg6[%parallel_loop3A_216], %broadcast_in_dim3A_5 {add = true} : memref<32768xi32, #tpu.memory_space<vmem>>[vector<16xi32>], vector<16xi32>,
      %parallel_loop3A_217 = arith.constant 16 : i32
      %parallel_loop3A_218 = vector.broadcast %parallel_loop3A_217 : i32 to vector<16xi32>
      %parallel_loop3A_219 = arith.shrui %parallel_loop3A_213, %parallel_loop3A_218 : vector<16xi32>
      tpu.vector_store_idx %arg6[%parallel_loop3A_219], %broadcast_in_dim3A_5 {add = true} : memref<32768xi32, #tpu.memory_space<vmem>>[vector<16xi32>], vector<16xi32>,
      %parallel_loop3A_220 = arith.constant 208 : i32
      %parallel_loop3A_221 = arith.addi %parallel_loop3A_76, %parallel_loop3A_220 : i32
      %parallel_loop3A_222 = arith.index_cast %parallel_loop3A_74 : i32 to index
      %parallel_loop3A_223 = arith.index_cast %parallel_loop3A_221 : i32 to index
      %parallel_loop3A_224 = tpu.vector_load %arg5[%parallel_loop3A_222, %parallel_loop3A_223] {strides = array<i32>} : memref<32x512xi32, #tpu.memory_space<vmem>>, vector<16xi32>,
      %parallel_loop3A_225 = arith.constant 65535 : i32
      %parallel_loop3A_226 = vector.broadcast %parallel_loop3A_225 : i32 to vector<16xi32>
      %parallel_loop3A_227 = arith.andi %parallel_loop3A_224, %parallel_loop3A_226 : vector<16xi32>
      tpu.vector_store_idx %arg6[%parallel_loop3A_227], %broadcast_in_dim3A_5 {add = true} : memref<32768xi32, #tpu.memory_space<vmem>>[vector<16xi32>], vector<16xi32>,
      %parallel_loop3A_228 = arith.constant 16 : i32
      %parallel_loop3A_229 = vector.broadcast %parallel_loop3A_228 : i32 to vector<16xi32>
      %parallel_loop3A_230 = arith.shrui %parallel_loop3A_224, %parallel_loop3A_229 : vector<16xi32>
      tpu.vector_store_idx %arg6[%parallel_loop3A_230], %broadcast_in_dim3A_5 {add = true} : memref<32768xi32, #tpu.memory_space<vmem>>[vector<16xi32>], vector<16xi32>,
      %parallel_loop3A_231 = arith.constant 224 : i32
      %parallel_loop3A_232 = arith.addi %parallel_loop3A_76, %parallel_loop3A_231 : i32
      %parallel_loop3A_233 = arith.index_cast %parallel_loop3A_74 : i32 to index
      %parallel_loop3A_234 = arith.index_cast %parallel_loop3A_232 : i32 to index
      %parallel_loop3A_235 = tpu.vector_load %arg5[%parallel_loop3A_233, %parallel_loop3A_234] {strides = array<i32>} : memref<32x512xi32, #tpu.memory_space<vmem>>, vector<16xi32>,
      %parallel_loop3A_236 = arith.constant 65535 : i32
      %parallel_loop3A_237 = vector.broadcast %parallel_loop3A_236 : i32 to vector<16xi32>
      %parallel_loop3A_238 = arith.andi %parallel_loop3A_235, %parallel_loop3A_237 : vector<16xi32>
      tpu.vector_store_idx %arg6[%parallel_loop3A_238], %broadcast_in_dim3A_5 {add = true} : memref<32768xi32, #tpu.memory_space<vmem>>[vector<16xi32>], vector<16xi32>,
      %parallel_loop3A_239 = arith.constant 16 : i32
      %parallel_loop3A_240 = vector.broadcast %parallel_loop3A_239 : i32 to vector<16xi32>
      %parallel_loop3A_241 = arith.shrui %parallel_loop3A_235, %parallel_loop3A_240 : vector<16xi32>
      tpu.vector_store_idx %arg6[%parallel_loop3A_241], %broadcast_in_dim3A_5 {add = true} : memref<32768xi32, #tpu.memory_space<vmem>>[vector<16xi32>], vector<16xi32>,
      %parallel_loop3A_242 = arith.constant 240 : i32
      %parallel_loop3A_243 = arith.addi %parallel_loop3A_76, %parallel_loop3A_242 : i32
      %parallel_loop3A_244 = arith.index_cast %parallel_loop3A_74 : i32 to index
      %parallel_loop3A_245 = arith.index_cast %parallel_loop3A_243 : i32 to index
      %parallel_loop3A_246 = tpu.vector_load %arg5[%parallel_loop3A_244, %parallel_loop3A_245] {strides = array<i32>} : memref<32x512xi32, #tpu.memory_space<vmem>>, vector<16xi32>,
      %parallel_loop3A_247 = arith.constant 65535 : i32
      %parallel_loop3A_248 = vector.broadcast %parallel_loop3A_247 : i32 to vector<16xi32>
      %parallel_loop3A_249 = arith.andi %parallel_loop3A_246, %parallel_loop3A_248 : vector<16xi32>
      tpu.vector_store_idx %arg6[%parallel_loop3A_249], %broadcast_in_dim3A_5 {add = true} : memref<32768xi32, #tpu.memory_space<vmem>>[vector<16xi32>], vector<16xi32>,
      %parallel_loop3A_250 = arith.constant 16 : i32
      %parallel_loop3A_251 = vector.broadcast %parallel_loop3A_250 : i32 to vector<16xi32>
      %parallel_loop3A_252 = arith.shrui %parallel_loop3A_246, %parallel_loop3A_251 : vector<16xi32>
      tpu.vector_store_idx %arg6[%parallel_loop3A_252], %broadcast_in_dim3A_5 {add = true} : memref<32768xi32, #tpu.memory_space<vmem>>[vector<16xi32>], vector<16xi32>,
    } {sc.loop_unroll_factor = 2 : i64, sc.parallel_access}
    %add3A_46 = arith.constant 96 : i32
    %add3A_47 = arith.addi %mul3A_2, %add3A_46 : i32
    %dma_start3A_48 = arith.constant 0 : i32
    %dma_start3A_49 = tpu.memref_slice %arg2[%arg1, %add3A_47, %dma_start3A_48] : memref<16x256x512xi32, #tpu.memory_space<hbm>> -> memref<1x32x512xi32, #tpu.memory_space<hbm>>
    %dma_start3A_50 = tpu.memref_squeeze %dma_start3A_49 : memref<1x32x512xi32, #tpu.memory_space<hbm>> -> memref<32x512xi32, #tpu.memory_space<hbm>>
    %dma_start3A_51 = arith.constant 0 : i32
    %dma_start3A_52 = tpu.memref_slice %arg2[%arg1, %add3A_47, %dma_start3A_51] : memref<16x256x512xi32, #tpu.memory_space<hbm>> -> memref<1x32x512xi32, #tpu.memory_space<hbm>>
    %dma_start3A_53 = tpu.memref_squeeze %dma_start3A_52 : memref<1x32x512xi32, #tpu.memory_space<hbm>> -> memref<32x512xi32, #tpu.memory_space<hbm>>
    tpu.enqueue_dma source(%dma_start3A_53 : memref<32x512xi32, #tpu.memory_space<hbm>>) target(%arg5 : memref<32x512xi32, #tpu.memory_space<vmem>>) target_semaphore(%arg8 : memref<!tpu.dma_semaphore, #tpu.memory_space<semaphore_mem>>)
    %dma_wait3A_54 = arith.constant 0 : i32
    %dma_wait3A_55 = tpu.memref_slice %arg2[%arg1, %add3A_30, %dma_wait3A_54] : memref<16x256x512xi32, #tpu.memory_space<hbm>> -> memref<1x32x512xi32, #tpu.memory_space<hbm>>
    %dma_wait3A_56 = tpu.memref_squeeze %dma_wait3A_55 : memref<1x32x512xi32, #tpu.memory_space<hbm>> -> memref<32x512xi32, #tpu.memory_space<hbm>>
    %dma_wait3A_57 = arith.constant 0 : i32
    %dma_wait3A_58 = tpu.memref_slice %arg2[%arg1, %add3A_30, %dma_wait3A_57] : memref<16x256x512xi32, #tpu.memory_space<hbm>> -> memref<1x32x512xi32, #tpu.memory_space<hbm>>
    %dma_wait3A_59 = tpu.memref_squeeze %dma_wait3A_58 : memref<1x32x512xi32, #tpu.memory_space<hbm>> -> memref<32x512xi32, #tpu.memory_space<hbm>>
    tpu.wait_dma2 semaphore(%arg7 : memref<!tpu.dma_semaphore, #tpu.memory_space<semaphore_mem>>) src(%dma_wait3A_59 : memref<32x512xi32, #tpu.memory_space<hbm>>) dst(%arg4 : memref<32x512xi32, #tpu.memory_space<vmem>>)
    %parallel_loop3A_60 = arith.constant 0 : i32
    %parallel_loop3A_61 = arith.constant 16384 : i32
    %parallel_loop3A_62 = arith.constant 256 : i32
    scf.for %parallel_loop3A_72 = %parallel_loop3A_60 to %parallel_loop3A_61 step %parallel_loop3A_62  : i32 {
      %parallel_loop3A_73 = arith.constant 9 : i32
      %parallel_loop3A_74 = arith.shrsi %parallel_loop3A_72, %parallel_loop3A_73 : i32
      %parallel_loop3A_75 = arith.constant 511 : i32
      %parallel_loop3A_76 = arith.andi %parallel_loop3A_72, %parallel_loop3A_75 : i32
      %parallel_loop3A_77 = arith.constant 0 : i32
      %parallel_loop3A_78 = arith.addi %parallel_loop3A_76, %parallel_loop3A_77 : i32
      %parallel_loop3A_79 = arith.index_cast %parallel_loop3A_74 : i32 to index
      %parallel_loop3A_80 = arith.index_cast %parallel_loop3A_78 : i32 to index
      %parallel_loop3A_81 = tpu.vector_load %arg4[%parallel_loop3A_79, %parallel_loop3A_80] {strides = array<i32>} : memref<32x512xi32, #tpu.memory_space<vmem>>, vector<16xi32>,
      %parallel_loop3A_82 = arith.constant 65535 : i32
      %parallel_loop3A_83 = vector.broadcast %parallel_loop3A_82 : i32 to vector<16xi32>
      %parallel_loop3A_84 = arith.andi %parallel_loop3A_81, %parallel_loop3A_83 : vector<16xi32>
      tpu.vector_store_idx %arg6[%parallel_loop3A_84], %broadcast_in_dim3A_5 {add = true} : memref<32768xi32, #tpu.memory_space<vmem>>[vector<16xi32>], vector<16xi32>,
      %parallel_loop3A_85 = arith.constant 16 : i32
      %parallel_loop3A_86 = vector.broadcast %parallel_loop3A_85 : i32 to vector<16xi32>
      %parallel_loop3A_87 = arith.shrui %parallel_loop3A_81, %parallel_loop3A_86 : vector<16xi32>
      tpu.vector_store_idx %arg6[%parallel_loop3A_87], %broadcast_in_dim3A_5 {add = true} : memref<32768xi32, #tpu.memory_space<vmem>>[vector<16xi32>], vector<16xi32>,
      %parallel_loop3A_88 = arith.constant 16 : i32
      %parallel_loop3A_89 = arith.addi %parallel_loop3A_76, %parallel_loop3A_88 : i32
      %parallel_loop3A_90 = arith.index_cast %parallel_loop3A_74 : i32 to index
      %parallel_loop3A_91 = arith.index_cast %parallel_loop3A_89 : i32 to index
      %parallel_loop3A_92 = tpu.vector_load %arg4[%parallel_loop3A_90, %parallel_loop3A_91] {strides = array<i32>} : memref<32x512xi32, #tpu.memory_space<vmem>>, vector<16xi32>,
      %parallel_loop3A_93 = arith.constant 65535 : i32
      %parallel_loop3A_94 = vector.broadcast %parallel_loop3A_93 : i32 to vector<16xi32>
      %parallel_loop3A_95 = arith.andi %parallel_loop3A_92, %parallel_loop3A_94 : vector<16xi32>
      tpu.vector_store_idx %arg6[%parallel_loop3A_95], %broadcast_in_dim3A_5 {add = true} : memref<32768xi32, #tpu.memory_space<vmem>>[vector<16xi32>], vector<16xi32>,
      %parallel_loop3A_96 = arith.constant 16 : i32
      %parallel_loop3A_97 = vector.broadcast %parallel_loop3A_96 : i32 to vector<16xi32>
      %parallel_loop3A_98 = arith.shrui %parallel_loop3A_92, %parallel_loop3A_97 : vector<16xi32>
      tpu.vector_store_idx %arg6[%parallel_loop3A_98], %broadcast_in_dim3A_5 {add = true} : memref<32768xi32, #tpu.memory_space<vmem>>[vector<16xi32>], vector<16xi32>,
      %parallel_loop3A_99 = arith.constant 32 : i32
      %parallel_loop3A_100 = arith.addi %parallel_loop3A_76, %parallel_loop3A_99 : i32
      %parallel_loop3A_101 = arith.index_cast %parallel_loop3A_74 : i32 to index
      %parallel_loop3A_102 = arith.index_cast %parallel_loop3A_100 : i32 to index
      %parallel_loop3A_103 = tpu.vector_load %arg4[%parallel_loop3A_101, %parallel_loop3A_102] {strides = array<i32>} : memref<32x512xi32, #tpu.memory_space<vmem>>, vector<16xi32>,
      %parallel_loop3A_104 = arith.constant 65535 : i32
      %parallel_loop3A_105 = vector.broadcast %parallel_loop3A_104 : i32 to vector<16xi32>
      %parallel_loop3A_106 = arith.andi %parallel_loop3A_103, %parallel_loop3A_105 : vector<16xi32>
      tpu.vector_store_idx %arg6[%parallel_loop3A_106], %broadcast_in_dim3A_5 {add = true} : memref<32768xi32, #tpu.memory_space<vmem>>[vector<16xi32>], vector<16xi32>,
      %parallel_loop3A_107 = arith.constant 16 : i32
      %parallel_loop3A_108 = vector.broadcast %parallel_loop3A_107 : i32 to vector<16xi32>
      %parallel_loop3A_109 = arith.shrui %parallel_loop3A_103, %parallel_loop3A_108 : vector<16xi32>
      tpu.vector_store_idx %arg6[%parallel_loop3A_109], %broadcast_in_dim3A_5 {add = true} : memref<32768xi32, #tpu.memory_space<vmem>>[vector<16xi32>], vector<16xi32>,
      %parallel_loop3A_110 = arith.constant 48 : i32
      %parallel_loop3A_111 = arith.addi %parallel_loop3A_76, %parallel_loop3A_110 : i32
      %parallel_loop3A_112 = arith.index_cast %parallel_loop3A_74 : i32 to index
      %parallel_loop3A_113 = arith.index_cast %parallel_loop3A_111 : i32 to index
      %parallel_loop3A_114 = tpu.vector_load %arg4[%parallel_loop3A_112, %parallel_loop3A_113] {strides = array<i32>} : memref<32x512xi32, #tpu.memory_space<vmem>>, vector<16xi32>,
      %parallel_loop3A_115 = arith.constant 65535 : i32
      %parallel_loop3A_116 = vector.broadcast %parallel_loop3A_115 : i32 to vector<16xi32>
      %parallel_loop3A_117 = arith.andi %parallel_loop3A_114, %parallel_loop3A_116 : vector<16xi32>
      tpu.vector_store_idx %arg6[%parallel_loop3A_117], %broadcast_in_dim3A_5 {add = true} : memref<32768xi32, #tpu.memory_space<vmem>>[vector<16xi32>], vector<16xi32>,
      %parallel_loop3A_118 = arith.constant 16 : i32
      %parallel_loop3A_119 = vector.broadcast %parallel_loop3A_118 : i32 to vector<16xi32>
      %parallel_loop3A_120 = arith.shrui %parallel_loop3A_114, %parallel_loop3A_119 : vector<16xi32>
      tpu.vector_store_idx %arg6[%parallel_loop3A_120], %broadcast_in_dim3A_5 {add = true} : memref<32768xi32, #tpu.memory_space<vmem>>[vector<16xi32>], vector<16xi32>,
      %parallel_loop3A_121 = arith.constant 64 : i32
      %parallel_loop3A_122 = arith.addi %parallel_loop3A_76, %parallel_loop3A_121 : i32
      %parallel_loop3A_123 = arith.index_cast %parallel_loop3A_74 : i32 to index
      %parallel_loop3A_124 = arith.index_cast %parallel_loop3A_122 : i32 to index
      %parallel_loop3A_125 = tpu.vector_load %arg4[%parallel_loop3A_123, %parallel_loop3A_124] {strides = array<i32>} : memref<32x512xi32, #tpu.memory_space<vmem>>, vector<16xi32>,
      %parallel_loop3A_126 = arith.constant 65535 : i32
      %parallel_loop3A_127 = vector.broadcast %parallel_loop3A_126 : i32 to vector<16xi32>
      %parallel_loop3A_128 = arith.andi %parallel_loop3A_125, %parallel_loop3A_127 : vector<16xi32>
      tpu.vector_store_idx %arg6[%parallel_loop3A_128], %broadcast_in_dim3A_5 {add = true} : memref<32768xi32, #tpu.memory_space<vmem>>[vector<16xi32>], vector<16xi32>,
      %parallel_loop3A_129 = arith.constant 16 : i32
      %parallel_loop3A_130 = vector.broadcast %parallel_loop3A_129 : i32 to vector<16xi32>
      %parallel_loop3A_131 = arith.shrui %parallel_loop3A_125, %parallel_loop3A_130 : vector<16xi32>
      tpu.vector_store_idx %arg6[%parallel_loop3A_131], %broadcast_in_dim3A_5 {add = true} : memref<32768xi32, #tpu.memory_space<vmem>>[vector<16xi32>], vector<16xi32>,
      %parallel_loop3A_132 = arith.constant 80 : i32
      %parallel_loop3A_133 = arith.addi %parallel_loop3A_76, %parallel_loop3A_132 : i32
      %parallel_loop3A_134 = arith.index_cast %parallel_loop3A_74 : i32 to index
      %parallel_loop3A_135 = arith.index_cast %parallel_loop3A_133 : i32 to index
      %parallel_loop3A_136 = tpu.vector_load %arg4[%parallel_loop3A_134, %parallel_loop3A_135] {strides = array<i32>} : memref<32x512xi32, #tpu.memory_space<vmem>>, vector<16xi32>,
      %parallel_loop3A_137 = arith.constant 65535 : i32
      %parallel_loop3A_138 = vector.broadcast %parallel_loop3A_137 : i32 to vector<16xi32>
      %parallel_loop3A_139 = arith.andi %parallel_loop3A_136, %parallel_loop3A_138 : vector<16xi32>
      tpu.vector_store_idx %arg6[%parallel_loop3A_139], %broadcast_in_dim3A_5 {add = true} : memref<32768xi32, #tpu.memory_space<vmem>>[vector<16xi32>], vector<16xi32>,
      %parallel_loop3A_140 = arith.constant 16 : i32
      %parallel_loop3A_141 = vector.broadcast %parallel_loop3A_140 : i32 to vector<16xi32>
      %parallel_loop3A_142 = arith.shrui %parallel_loop3A_136, %parallel_loop3A_141 : vector<16xi32>
      tpu.vector_store_idx %arg6[%parallel_loop3A_142], %broadcast_in_dim3A_5 {add = true} : memref<32768xi32, #tpu.memory_space<vmem>>[vector<16xi32>], vector<16xi32>,
      %parallel_loop3A_143 = arith.constant 96 : i32
      %parallel_loop3A_144 = arith.addi %parallel_loop3A_76, %parallel_loop3A_143 : i32
      %parallel_loop3A_145 = arith.index_cast %parallel_loop3A_74 : i32 to index
      %parallel_loop3A_146 = arith.index_cast %parallel_loop3A_144 : i32 to index
      %parallel_loop3A_147 = tpu.vector_load %arg4[%parallel_loop3A_145, %parallel_loop3A_146] {strides = array<i32>} : memref<32x512xi32, #tpu.memory_space<vmem>>, vector<16xi32>,
      %parallel_loop3A_148 = arith.constant 65535 : i32
      %parallel_loop3A_149 = vector.broadcast %parallel_loop3A_148 : i32 to vector<16xi32>
      %parallel_loop3A_150 = arith.andi %parallel_loop3A_147, %parallel_loop3A_149 : vector<16xi32>
      tpu.vector_store_idx %arg6[%parallel_loop3A_150], %broadcast_in_dim3A_5 {add = true} : memref<32768xi32, #tpu.memory_space<vmem>>[vector<16xi32>], vector<16xi32>,
      %parallel_loop3A_151 = arith.constant 16 : i32
      %parallel_loop3A_152 = vector.broadcast %parallel_loop3A_151 : i32 to vector<16xi32>
      %parallel_loop3A_153 = arith.shrui %parallel_loop3A_147, %parallel_loop3A_152 : vector<16xi32>
      tpu.vector_store_idx %arg6[%parallel_loop3A_153], %broadcast_in_dim3A_5 {add = true} : memref<32768xi32, #tpu.memory_space<vmem>>[vector<16xi32>], vector<16xi32>,
      %parallel_loop3A_154 = arith.constant 112 : i32
      %parallel_loop3A_155 = arith.addi %parallel_loop3A_76, %parallel_loop3A_154 : i32
      %parallel_loop3A_156 = arith.index_cast %parallel_loop3A_74 : i32 to index
      %parallel_loop3A_157 = arith.index_cast %parallel_loop3A_155 : i32 to index
      %parallel_loop3A_158 = tpu.vector_load %arg4[%parallel_loop3A_156, %parallel_loop3A_157] {strides = array<i32>} : memref<32x512xi32, #tpu.memory_space<vmem>>, vector<16xi32>,
      %parallel_loop3A_159 = arith.constant 65535 : i32
      %parallel_loop3A_160 = vector.broadcast %parallel_loop3A_159 : i32 to vector<16xi32>
      %parallel_loop3A_161 = arith.andi %parallel_loop3A_158, %parallel_loop3A_160 : vector<16xi32>
      tpu.vector_store_idx %arg6[%parallel_loop3A_161], %broadcast_in_dim3A_5 {add = true} : memref<32768xi32, #tpu.memory_space<vmem>>[vector<16xi32>], vector<16xi32>,
      %parallel_loop3A_162 = arith.constant 16 : i32
      %parallel_loop3A_163 = vector.broadcast %parallel_loop3A_162 : i32 to vector<16xi32>
      %parallel_loop3A_164 = arith.shrui %parallel_loop3A_158, %parallel_loop3A_163 : vector<16xi32>
      tpu.vector_store_idx %arg6[%parallel_loop3A_164], %broadcast_in_dim3A_5 {add = true} : memref<32768xi32, #tpu.memory_space<vmem>>[vector<16xi32>], vector<16xi32>,
      %parallel_loop3A_165 = arith.constant 128 : i32
      %parallel_loop3A_166 = arith.addi %parallel_loop3A_76, %parallel_loop3A_165 : i32
      %parallel_loop3A_167 = arith.index_cast %parallel_loop3A_74 : i32 to index
      %parallel_loop3A_168 = arith.index_cast %parallel_loop3A_166 : i32 to index
      %parallel_loop3A_169 = tpu.vector_load %arg4[%parallel_loop3A_167, %parallel_loop3A_168] {strides = array<i32>} : memref<32x512xi32, #tpu.memory_space<vmem>>, vector<16xi32>,
      %parallel_loop3A_170 = arith.constant 65535 : i32
      %parallel_loop3A_171 = vector.broadcast %parallel_loop3A_170 : i32 to vector<16xi32>
      %parallel_loop3A_172 = arith.andi %parallel_loop3A_169, %parallel_loop3A_171 : vector<16xi32>
      tpu.vector_store_idx %arg6[%parallel_loop3A_172], %broadcast_in_dim3A_5 {add = true} : memref<32768xi32, #tpu.memory_space<vmem>>[vector<16xi32>], vector<16xi32>,
      %parallel_loop3A_173 = arith.constant 16 : i32
      %parallel_loop3A_174 = vector.broadcast %parallel_loop3A_173 : i32 to vector<16xi32>
      %parallel_loop3A_175 = arith.shrui %parallel_loop3A_169, %parallel_loop3A_174 : vector<16xi32>
      tpu.vector_store_idx %arg6[%parallel_loop3A_175], %broadcast_in_dim3A_5 {add = true} : memref<32768xi32, #tpu.memory_space<vmem>>[vector<16xi32>], vector<16xi32>,
      %parallel_loop3A_176 = arith.constant 144 : i32
      %parallel_loop3A_177 = arith.addi %parallel_loop3A_76, %parallel_loop3A_176 : i32
      %parallel_loop3A_178 = arith.index_cast %parallel_loop3A_74 : i32 to index
      %parallel_loop3A_179 = arith.index_cast %parallel_loop3A_177 : i32 to index
      %parallel_loop3A_180 = tpu.vector_load %arg4[%parallel_loop3A_178, %parallel_loop3A_179] {strides = array<i32>} : memref<32x512xi32, #tpu.memory_space<vmem>>, vector<16xi32>,
      %parallel_loop3A_181 = arith.constant 65535 : i32
      %parallel_loop3A_182 = vector.broadcast %parallel_loop3A_181 : i32 to vector<16xi32>
      %parallel_loop3A_183 = arith.andi %parallel_loop3A_180, %parallel_loop3A_182 : vector<16xi32>
      tpu.vector_store_idx %arg6[%parallel_loop3A_183], %broadcast_in_dim3A_5 {add = true} : memref<32768xi32, #tpu.memory_space<vmem>>[vector<16xi32>], vector<16xi32>,
      %parallel_loop3A_184 = arith.constant 16 : i32
      %parallel_loop3A_185 = vector.broadcast %parallel_loop3A_184 : i32 to vector<16xi32>
      %parallel_loop3A_186 = arith.shrui %parallel_loop3A_180, %parallel_loop3A_185 : vector<16xi32>
      tpu.vector_store_idx %arg6[%parallel_loop3A_186], %broadcast_in_dim3A_5 {add = true} : memref<32768xi32, #tpu.memory_space<vmem>>[vector<16xi32>], vector<16xi32>,
      %parallel_loop3A_187 = arith.constant 160 : i32
      %parallel_loop3A_188 = arith.addi %parallel_loop3A_76, %parallel_loop3A_187 : i32
      %parallel_loop3A_189 = arith.index_cast %parallel_loop3A_74 : i32 to index
      %parallel_loop3A_190 = arith.index_cast %parallel_loop3A_188 : i32 to index
      %parallel_loop3A_191 = tpu.vector_load %arg4[%parallel_loop3A_189, %parallel_loop3A_190] {strides = array<i32>} : memref<32x512xi32, #tpu.memory_space<vmem>>, vector<16xi32>,
      %parallel_loop3A_192 = arith.constant 65535 : i32
      %parallel_loop3A_193 = vector.broadcast %parallel_loop3A_192 : i32 to vector<16xi32>
      %parallel_loop3A_194 = arith.andi %parallel_loop3A_191, %parallel_loop3A_193 : vector<16xi32>
      tpu.vector_store_idx %arg6[%parallel_loop3A_194], %broadcast_in_dim3A_5 {add = true} : memref<32768xi32, #tpu.memory_space<vmem>>[vector<16xi32>], vector<16xi32>,
      %parallel_loop3A_195 = arith.constant 16 : i32
      %parallel_loop3A_196 = vector.broadcast %parallel_loop3A_195 : i32 to vector<16xi32>
      %parallel_loop3A_197 = arith.shrui %parallel_loop3A_191, %parallel_loop3A_196 : vector<16xi32>
      tpu.vector_store_idx %arg6[%parallel_loop3A_197], %broadcast_in_dim3A_5 {add = true} : memref<32768xi32, #tpu.memory_space<vmem>>[vector<16xi32>], vector<16xi32>,
      %parallel_loop3A_198 = arith.constant 176 : i32
      %parallel_loop3A_199 = arith.addi %parallel_loop3A_76, %parallel_loop3A_198 : i32
      %parallel_loop3A_200 = arith.index_cast %parallel_loop3A_74 : i32 to index
      %parallel_loop3A_201 = arith.index_cast %parallel_loop3A_199 : i32 to index
      %parallel_loop3A_202 = tpu.vector_load %arg4[%parallel_loop3A_200, %parallel_loop3A_201] {strides = array<i32>} : memref<32x512xi32, #tpu.memory_space<vmem>>, vector<16xi32>,
      %parallel_loop3A_203 = arith.constant 65535 : i32
      %parallel_loop3A_204 = vector.broadcast %parallel_loop3A_203 : i32 to vector<16xi32>
      %parallel_loop3A_205 = arith.andi %parallel_loop3A_202, %parallel_loop3A_204 : vector<16xi32>
      tpu.vector_store_idx %arg6[%parallel_loop3A_205], %broadcast_in_dim3A_5 {add = true} : memref<32768xi32, #tpu.memory_space<vmem>>[vector<16xi32>], vector<16xi32>,
      %parallel_loop3A_206 = arith.constant 16 : i32
      %parallel_loop3A_207 = vector.broadcast %parallel_loop3A_206 : i32 to vector<16xi32>
      %parallel_loop3A_208 = arith.shrui %parallel_loop3A_202, %parallel_loop3A_207 : vector<16xi32>
      tpu.vector_store_idx %arg6[%parallel_loop3A_208], %broadcast_in_dim3A_5 {add = true} : memref<32768xi32, #tpu.memory_space<vmem>>[vector<16xi32>], vector<16xi32>,
      %parallel_loop3A_209 = arith.constant 192 : i32
      %parallel_loop3A_210 = arith.addi %parallel_loop3A_76, %parallel_loop3A_209 : i32
      %parallel_loop3A_211 = arith.index_cast %parallel_loop3A_74 : i32 to index
      %parallel_loop3A_212 = arith.index_cast %parallel_loop3A_210 : i32 to index
      %parallel_loop3A_213 = tpu.vector_load %arg4[%parallel_loop3A_211, %parallel_loop3A_212] {strides = array<i32>} : memref<32x512xi32, #tpu.memory_space<vmem>>, vector<16xi32>,
      %parallel_loop3A_214 = arith.constant 65535 : i32
      %parallel_loop3A_215 = vector.broadcast %parallel_loop3A_214 : i32 to vector<16xi32>
      %parallel_loop3A_216 = arith.andi %parallel_loop3A_213, %parallel_loop3A_215 : vector<16xi32>
      tpu.vector_store_idx %arg6[%parallel_loop3A_216], %broadcast_in_dim3A_5 {add = true} : memref<32768xi32, #tpu.memory_space<vmem>>[vector<16xi32>], vector<16xi32>,
      %parallel_loop3A_217 = arith.constant 16 : i32
      %parallel_loop3A_218 = vector.broadcast %parallel_loop3A_217 : i32 to vector<16xi32>
      %parallel_loop3A_219 = arith.shrui %parallel_loop3A_213, %parallel_loop3A_218 : vector<16xi32>
      tpu.vector_store_idx %arg6[%parallel_loop3A_219], %broadcast_in_dim3A_5 {add = true} : memref<32768xi32, #tpu.memory_space<vmem>>[vector<16xi32>], vector<16xi32>,
      %parallel_loop3A_220 = arith.constant 208 : i32
      %parallel_loop3A_221 = arith.addi %parallel_loop3A_76, %parallel_loop3A_220 : i32
      %parallel_loop3A_222 = arith.index_cast %parallel_loop3A_74 : i32 to index
      %parallel_loop3A_223 = arith.index_cast %parallel_loop3A_221 : i32 to index
      %parallel_loop3A_224 = tpu.vector_load %arg4[%parallel_loop3A_222, %parallel_loop3A_223] {strides = array<i32>} : memref<32x512xi32, #tpu.memory_space<vmem>>, vector<16xi32>,
      %parallel_loop3A_225 = arith.constant 65535 : i32
      %parallel_loop3A_226 = vector.broadcast %parallel_loop3A_225 : i32 to vector<16xi32>
      %parallel_loop3A_227 = arith.andi %parallel_loop3A_224, %parallel_loop3A_226 : vector<16xi32>
      tpu.vector_store_idx %arg6[%parallel_loop3A_227], %broadcast_in_dim3A_5 {add = true} : memref<32768xi32, #tpu.memory_space<vmem>>[vector<16xi32>], vector<16xi32>,
      %parallel_loop3A_228 = arith.constant 16 : i32
      %parallel_loop3A_229 = vector.broadcast %parallel_loop3A_228 : i32 to vector<16xi32>
      %parallel_loop3A_230 = arith.shrui %parallel_loop3A_224, %parallel_loop3A_229 : vector<16xi32>
      tpu.vector_store_idx %arg6[%parallel_loop3A_230], %broadcast_in_dim3A_5 {add = true} : memref<32768xi32, #tpu.memory_space<vmem>>[vector<16xi32>], vector<16xi32>,
      %parallel_loop3A_231 = arith.constant 224 : i32
      %parallel_loop3A_232 = arith.addi %parallel_loop3A_76, %parallel_loop3A_231 : i32
      %parallel_loop3A_233 = arith.index_cast %parallel_loop3A_74 : i32 to index
      %parallel_loop3A_234 = arith.index_cast %parallel_loop3A_232 : i32 to index
      %parallel_loop3A_235 = tpu.vector_load %arg4[%parallel_loop3A_233, %parallel_loop3A_234] {strides = array<i32>} : memref<32x512xi32, #tpu.memory_space<vmem>>, vector<16xi32>,
      %parallel_loop3A_236 = arith.constant 65535 : i32
      %parallel_loop3A_237 = vector.broadcast %parallel_loop3A_236 : i32 to vector<16xi32>
      %parallel_loop3A_238 = arith.andi %parallel_loop3A_235, %parallel_loop3A_237 : vector<16xi32>
      tpu.vector_store_idx %arg6[%parallel_loop3A_238], %broadcast_in_dim3A_5 {add = true} : memref<32768xi32, #tpu.memory_space<vmem>>[vector<16xi32>], vector<16xi32>,
      %parallel_loop3A_239 = arith.constant 16 : i32
      %parallel_loop3A_240 = vector.broadcast %parallel_loop3A_239 : i32 to vector<16xi32>
      %parallel_loop3A_241 = arith.shrui %parallel_loop3A_235, %parallel_loop3A_240 : vector<16xi32>
      tpu.vector_store_idx %arg6[%parallel_loop3A_241], %broadcast_in_dim3A_5 {add = true} : memref<32768xi32, #tpu.memory_space<vmem>>[vector<16xi32>], vector<16xi32>,
      %parallel_loop3A_242 = arith.constant 240 : i32
      %parallel_loop3A_243 = arith.addi %parallel_loop3A_76, %parallel_loop3A_242 : i32
      %parallel_loop3A_244 = arith.index_cast %parallel_loop3A_74 : i32 to index
      %parallel_loop3A_245 = arith.index_cast %parallel_loop3A_243 : i32 to index
      %parallel_loop3A_246 = tpu.vector_load %arg4[%parallel_loop3A_244, %parallel_loop3A_245] {strides = array<i32>} : memref<32x512xi32, #tpu.memory_space<vmem>>, vector<16xi32>,
      %parallel_loop3A_247 = arith.constant 65535 : i32
      %parallel_loop3A_248 = vector.broadcast %parallel_loop3A_247 : i32 to vector<16xi32>
      %parallel_loop3A_249 = arith.andi %parallel_loop3A_246, %parallel_loop3A_248 : vector<16xi32>
      tpu.vector_store_idx %arg6[%parallel_loop3A_249], %broadcast_in_dim3A_5 {add = true} : memref<32768xi32, #tpu.memory_space<vmem>>[vector<16xi32>], vector<16xi32>,
      %parallel_loop3A_250 = arith.constant 16 : i32
      %parallel_loop3A_251 = vector.broadcast %parallel_loop3A_250 : i32 to vector<16xi32>
      %parallel_loop3A_252 = arith.shrui %parallel_loop3A_246, %parallel_loop3A_251 : vector<16xi32>
      tpu.vector_store_idx %arg6[%parallel_loop3A_252], %broadcast_in_dim3A_5 {add = true} : memref<32768xi32, #tpu.memory_space<vmem>>[vector<16xi32>], vector<16xi32>,
    } {sc.loop_unroll_factor = 2 : i64, sc.parallel_access}
    %dma_wait3A_63 = arith.constant 0 : i32
    %dma_wait3A_64 = tpu.memref_slice %arg2[%arg1, %add3A_47, %dma_wait3A_63] : memref<16x256x512xi32, #tpu.memory_space<hbm>> -> memref<1x32x512xi32, #tpu.memory_space<hbm>>
    %dma_wait3A_65 = tpu.memref_squeeze %dma_wait3A_64 : memref<1x32x512xi32, #tpu.memory_space<hbm>> -> memref<32x512xi32, #tpu.memory_space<hbm>>
    %dma_wait3A_66 = arith.constant 0 : i32
    %dma_wait3A_67 = tpu.memref_slice %arg2[%arg1, %add3A_47, %dma_wait3A_66] : memref<16x256x512xi32, #tpu.memory_space<hbm>> -> memref<1x32x512xi32, #tpu.memory_space<hbm>>
    %dma_wait3A_68 = tpu.memref_squeeze %dma_wait3A_67 : memref<1x32x512xi32, #tpu.memory_space<hbm>> -> memref<32x512xi32, #tpu.memory_space<hbm>>
    tpu.wait_dma2 semaphore(%arg8 : memref<!tpu.dma_semaphore, #tpu.memory_space<semaphore_mem>>) src(%dma_wait3A_68 : memref<32x512xi32, #tpu.memory_space<hbm>>) dst(%arg5 : memref<32x512xi32, #tpu.memory_space<vmem>>)
    %parallel_loop3A_69 = arith.constant 0 : i32
    %parallel_loop3A_70 = arith.constant 16384 : i32
    %parallel_loop3A_71 = arith.constant 256 : i32
    scf.for %parallel_loop3A_72 = %parallel_loop3A_69 to %parallel_loop3A_70 step %parallel_loop3A_71  : i32 {
      %parallel_loop3A_73 = arith.constant 9 : i32
      %parallel_loop3A_74 = arith.shrsi %parallel_loop3A_72, %parallel_loop3A_73 : i32
      %parallel_loop3A_75 = arith.constant 511 : i32
      %parallel_loop3A_76 = arith.andi %parallel_loop3A_72, %parallel_loop3A_75 : i32
      %parallel_loop3A_77 = arith.constant 0 : i32
      %parallel_loop3A_78 = arith.addi %parallel_loop3A_76, %parallel_loop3A_77 : i32
      %parallel_loop3A_79 = arith.index_cast %parallel_loop3A_74 : i32 to index
      %parallel_loop3A_80 = arith.index_cast %parallel_loop3A_78 : i32 to index
      %parallel_loop3A_81 = tpu.vector_load %arg5[%parallel_loop3A_79, %parallel_loop3A_80] {strides = array<i32>} : memref<32x512xi32, #tpu.memory_space<vmem>>, vector<16xi32>,
      %parallel_loop3A_82 = arith.constant 65535 : i32
      %parallel_loop3A_83 = vector.broadcast %parallel_loop3A_82 : i32 to vector<16xi32>
      %parallel_loop3A_84 = arith.andi %parallel_loop3A_81, %parallel_loop3A_83 : vector<16xi32>
      tpu.vector_store_idx %arg6[%parallel_loop3A_84], %broadcast_in_dim3A_5 {add = true} : memref<32768xi32, #tpu.memory_space<vmem>>[vector<16xi32>], vector<16xi32>,
      %parallel_loop3A_85 = arith.constant 16 : i32
      %parallel_loop3A_86 = vector.broadcast %parallel_loop3A_85 : i32 to vector<16xi32>
      %parallel_loop3A_87 = arith.shrui %parallel_loop3A_81, %parallel_loop3A_86 : vector<16xi32>
      tpu.vector_store_idx %arg6[%parallel_loop3A_87], %broadcast_in_dim3A_5 {add = true} : memref<32768xi32, #tpu.memory_space<vmem>>[vector<16xi32>], vector<16xi32>,
      %parallel_loop3A_88 = arith.constant 16 : i32
      %parallel_loop3A_89 = arith.addi %parallel_loop3A_76, %parallel_loop3A_88 : i32
      %parallel_loop3A_90 = arith.index_cast %parallel_loop3A_74 : i32 to index
      %parallel_loop3A_91 = arith.index_cast %parallel_loop3A_89 : i32 to index
      %parallel_loop3A_92 = tpu.vector_load %arg5[%parallel_loop3A_90, %parallel_loop3A_91] {strides = array<i32>} : memref<32x512xi32, #tpu.memory_space<vmem>>, vector<16xi32>,
      %parallel_loop3A_93 = arith.constant 65535 : i32
      %parallel_loop3A_94 = vector.broadcast %parallel_loop3A_93 : i32 to vector<16xi32>
      %parallel_loop3A_95 = arith.andi %parallel_loop3A_92, %parallel_loop3A_94 : vector<16xi32>
      tpu.vector_store_idx %arg6[%parallel_loop3A_95], %broadcast_in_dim3A_5 {add = true} : memref<32768xi32, #tpu.memory_space<vmem>>[vector<16xi32>], vector<16xi32>,
      %parallel_loop3A_96 = arith.constant 16 : i32
      %parallel_loop3A_97 = vector.broadcast %parallel_loop3A_96 : i32 to vector<16xi32>
      %parallel_loop3A_98 = arith.shrui %parallel_loop3A_92, %parallel_loop3A_97 : vector<16xi32>
      tpu.vector_store_idx %arg6[%parallel_loop3A_98], %broadcast_in_dim3A_5 {add = true} : memref<32768xi32, #tpu.memory_space<vmem>>[vector<16xi32>], vector<16xi32>,
      %parallel_loop3A_99 = arith.constant 32 : i32
      %parallel_loop3A_100 = arith.addi %parallel_loop3A_76, %parallel_loop3A_99 : i32
      %parallel_loop3A_101 = arith.index_cast %parallel_loop3A_74 : i32 to index
      %parallel_loop3A_102 = arith.index_cast %parallel_loop3A_100 : i32 to index
      %parallel_loop3A_103 = tpu.vector_load %arg5[%parallel_loop3A_101, %parallel_loop3A_102] {strides = array<i32>} : memref<32x512xi32, #tpu.memory_space<vmem>>, vector<16xi32>,
      %parallel_loop3A_104 = arith.constant 65535 : i32
      %parallel_loop3A_105 = vector.broadcast %parallel_loop3A_104 : i32 to vector<16xi32>
      %parallel_loop3A_106 = arith.andi %parallel_loop3A_103, %parallel_loop3A_105 : vector<16xi32>
      tpu.vector_store_idx %arg6[%parallel_loop3A_106], %broadcast_in_dim3A_5 {add = true} : memref<32768xi32, #tpu.memory_space<vmem>>[vector<16xi32>], vector<16xi32>,
      %parallel_loop3A_107 = arith.constant 16 : i32
      %parallel_loop3A_108 = vector.broadcast %parallel_loop3A_107 : i32 to vector<16xi32>
      %parallel_loop3A_109 = arith.shrui %parallel_loop3A_103, %parallel_loop3A_108 : vector<16xi32>
      tpu.vector_store_idx %arg6[%parallel_loop3A_109], %broadcast_in_dim3A_5 {add = true} : memref<32768xi32, #tpu.memory_space<vmem>>[vector<16xi32>], vector<16xi32>,
      %parallel_loop3A_110 = arith.constant 48 : i32
      %parallel_loop3A_111 = arith.addi %parallel_loop3A_76, %parallel_loop3A_110 : i32
      %parallel_loop3A_112 = arith.index_cast %parallel_loop3A_74 : i32 to index
      %parallel_loop3A_113 = arith.index_cast %parallel_loop3A_111 : i32 to index
      %parallel_loop3A_114 = tpu.vector_load %arg5[%parallel_loop3A_112, %parallel_loop3A_113] {strides = array<i32>} : memref<32x512xi32, #tpu.memory_space<vmem>>, vector<16xi32>,
      %parallel_loop3A_115 = arith.constant 65535 : i32
      %parallel_loop3A_116 = vector.broadcast %parallel_loop3A_115 : i32 to vector<16xi32>
      %parallel_loop3A_117 = arith.andi %parallel_loop3A_114, %parallel_loop3A_116 : vector<16xi32>
      tpu.vector_store_idx %arg6[%parallel_loop3A_117], %broadcast_in_dim3A_5 {add = true} : memref<32768xi32, #tpu.memory_space<vmem>>[vector<16xi32>], vector<16xi32>,
      %parallel_loop3A_118 = arith.constant 16 : i32
      %parallel_loop3A_119 = vector.broadcast %parallel_loop3A_118 : i32 to vector<16xi32>
      %parallel_loop3A_120 = arith.shrui %parallel_loop3A_114, %parallel_loop3A_119 : vector<16xi32>
      tpu.vector_store_idx %arg6[%parallel_loop3A_120], %broadcast_in_dim3A_5 {add = true} : memref<32768xi32, #tpu.memory_space<vmem>>[vector<16xi32>], vector<16xi32>,
      %parallel_loop3A_121 = arith.constant 64 : i32
      %parallel_loop3A_122 = arith.addi %parallel_loop3A_76, %parallel_loop3A_121 : i32
      %parallel_loop3A_123 = arith.index_cast %parallel_loop3A_74 : i32 to index
      %parallel_loop3A_124 = arith.index_cast %parallel_loop3A_122 : i32 to index
      %parallel_loop3A_125 = tpu.vector_load %arg5[%parallel_loop3A_123, %parallel_loop3A_124] {strides = array<i32>} : memref<32x512xi32, #tpu.memory_space<vmem>>, vector<16xi32>,
      %parallel_loop3A_126 = arith.constant 65535 : i32
      %parallel_loop3A_127 = vector.broadcast %parallel_loop3A_126 : i32 to vector<16xi32>
      %parallel_loop3A_128 = arith.andi %parallel_loop3A_125, %parallel_loop3A_127 : vector<16xi32>
      tpu.vector_store_idx %arg6[%parallel_loop3A_128], %broadcast_in_dim3A_5 {add = true} : memref<32768xi32, #tpu.memory_space<vmem>>[vector<16xi32>], vector<16xi32>,
      %parallel_loop3A_129 = arith.constant 16 : i32
      %parallel_loop3A_130 = vector.broadcast %parallel_loop3A_129 : i32 to vector<16xi32>
      %parallel_loop3A_131 = arith.shrui %parallel_loop3A_125, %parallel_loop3A_130 : vector<16xi32>
      tpu.vector_store_idx %arg6[%parallel_loop3A_131], %broadcast_in_dim3A_5 {add = true} : memref<32768xi32, #tpu.memory_space<vmem>>[vector<16xi32>], vector<16xi32>,
      %parallel_loop3A_132 = arith.constant 80 : i32
      %parallel_loop3A_133 = arith.addi %parallel_loop3A_76, %parallel_loop3A_132 : i32
      %parallel_loop3A_134 = arith.index_cast %parallel_loop3A_74 : i32 to index
      %parallel_loop3A_135 = arith.index_cast %parallel_loop3A_133 : i32 to index
      %parallel_loop3A_136 = tpu.vector_load %arg5[%parallel_loop3A_134, %parallel_loop3A_135] {strides = array<i32>} : memref<32x512xi32, #tpu.memory_space<vmem>>, vector<16xi32>,
      %parallel_loop3A_137 = arith.constant 65535 : i32
      %parallel_loop3A_138 = vector.broadcast %parallel_loop3A_137 : i32 to vector<16xi32>
      %parallel_loop3A_139 = arith.andi %parallel_loop3A_136, %parallel_loop3A_138 : vector<16xi32>
      tpu.vector_store_idx %arg6[%parallel_loop3A_139], %broadcast_in_dim3A_5 {add = true} : memref<32768xi32, #tpu.memory_space<vmem>>[vector<16xi32>], vector<16xi32>,
      %parallel_loop3A_140 = arith.constant 16 : i32
      %parallel_loop3A_141 = vector.broadcast %parallel_loop3A_140 : i32 to vector<16xi32>
      %parallel_loop3A_142 = arith.shrui %parallel_loop3A_136, %parallel_loop3A_141 : vector<16xi32>
      tpu.vector_store_idx %arg6[%parallel_loop3A_142], %broadcast_in_dim3A_5 {add = true} : memref<32768xi32, #tpu.memory_space<vmem>>[vector<16xi32>], vector<16xi32>,
      %parallel_loop3A_143 = arith.constant 96 : i32
      %parallel_loop3A_144 = arith.addi %parallel_loop3A_76, %parallel_loop3A_143 : i32
      %parallel_loop3A_145 = arith.index_cast %parallel_loop3A_74 : i32 to index
      %parallel_loop3A_146 = arith.index_cast %parallel_loop3A_144 : i32 to index
      %parallel_loop3A_147 = tpu.vector_load %arg5[%parallel_loop3A_145, %parallel_loop3A_146] {strides = array<i32>} : memref<32x512xi32, #tpu.memory_space<vmem>>, vector<16xi32>,
      %parallel_loop3A_148 = arith.constant 65535 : i32
      %parallel_loop3A_149 = vector.broadcast %parallel_loop3A_148 : i32 to vector<16xi32>
      %parallel_loop3A_150 = arith.andi %parallel_loop3A_147, %parallel_loop3A_149 : vector<16xi32>
      tpu.vector_store_idx %arg6[%parallel_loop3A_150], %broadcast_in_dim3A_5 {add = true} : memref<32768xi32, #tpu.memory_space<vmem>>[vector<16xi32>], vector<16xi32>,
      %parallel_loop3A_151 = arith.constant 16 : i32
      %parallel_loop3A_152 = vector.broadcast %parallel_loop3A_151 : i32 to vector<16xi32>
      %parallel_loop3A_153 = arith.shrui %parallel_loop3A_147, %parallel_loop3A_152 : vector<16xi32>
      tpu.vector_store_idx %arg6[%parallel_loop3A_153], %broadcast_in_dim3A_5 {add = true} : memref<32768xi32, #tpu.memory_space<vmem>>[vector<16xi32>], vector<16xi32>,
      %parallel_loop3A_154 = arith.constant 112 : i32
      %parallel_loop3A_155 = arith.addi %parallel_loop3A_76, %parallel_loop3A_154 : i32
      %parallel_loop3A_156 = arith.index_cast %parallel_loop3A_74 : i32 to index
      %parallel_loop3A_157 = arith.index_cast %parallel_loop3A_155 : i32 to index
      %parallel_loop3A_158 = tpu.vector_load %arg5[%parallel_loop3A_156, %parallel_loop3A_157] {strides = array<i32>} : memref<32x512xi32, #tpu.memory_space<vmem>>, vector<16xi32>,
      %parallel_loop3A_159 = arith.constant 65535 : i32
      %parallel_loop3A_160 = vector.broadcast %parallel_loop3A_159 : i32 to vector<16xi32>
      %parallel_loop3A_161 = arith.andi %parallel_loop3A_158, %parallel_loop3A_160 : vector<16xi32>
      tpu.vector_store_idx %arg6[%parallel_loop3A_161], %broadcast_in_dim3A_5 {add = true} : memref<32768xi32, #tpu.memory_space<vmem>>[vector<16xi32>], vector<16xi32>,
      %parallel_loop3A_162 = arith.constant 16 : i32
      %parallel_loop3A_163 = vector.broadcast %parallel_loop3A_162 : i32 to vector<16xi32>
      %parallel_loop3A_164 = arith.shrui %parallel_loop3A_158, %parallel_loop3A_163 : vector<16xi32>
      tpu.vector_store_idx %arg6[%parallel_loop3A_164], %broadcast_in_dim3A_5 {add = true} : memref<32768xi32, #tpu.memory_space<vmem>>[vector<16xi32>], vector<16xi32>,
      %parallel_loop3A_165 = arith.constant 128 : i32
      %parallel_loop3A_166 = arith.addi %parallel_loop3A_76, %parallel_loop3A_165 : i32
      %parallel_loop3A_167 = arith.index_cast %parallel_loop3A_74 : i32 to index
      %parallel_loop3A_168 = arith.index_cast %parallel_loop3A_166 : i32 to index
      %parallel_loop3A_169 = tpu.vector_load %arg5[%parallel_loop3A_167, %parallel_loop3A_168] {strides = array<i32>} : memref<32x512xi32, #tpu.memory_space<vmem>>, vector<16xi32>,
      %parallel_loop3A_170 = arith.constant 65535 : i32
      %parallel_loop3A_171 = vector.broadcast %parallel_loop3A_170 : i32 to vector<16xi32>
      %parallel_loop3A_172 = arith.andi %parallel_loop3A_169, %parallel_loop3A_171 : vector<16xi32>
      tpu.vector_store_idx %arg6[%parallel_loop3A_172], %broadcast_in_dim3A_5 {add = true} : memref<32768xi32, #tpu.memory_space<vmem>>[vector<16xi32>], vector<16xi32>,
      %parallel_loop3A_173 = arith.constant 16 : i32
      %parallel_loop3A_174 = vector.broadcast %parallel_loop3A_173 : i32 to vector<16xi32>
      %parallel_loop3A_175 = arith.shrui %parallel_loop3A_169, %parallel_loop3A_174 : vector<16xi32>
      tpu.vector_store_idx %arg6[%parallel_loop3A_175], %broadcast_in_dim3A_5 {add = true} : memref<32768xi32, #tpu.memory_space<vmem>>[vector<16xi32>], vector<16xi32>,
      %parallel_loop3A_176 = arith.constant 144 : i32
      %parallel_loop3A_177 = arith.addi %parallel_loop3A_76, %parallel_loop3A_176 : i32
      %parallel_loop3A_178 = arith.index_cast %parallel_loop3A_74 : i32 to index
      %parallel_loop3A_179 = arith.index_cast %parallel_loop3A_177 : i32 to index
      %parallel_loop3A_180 = tpu.vector_load %arg5[%parallel_loop3A_178, %parallel_loop3A_179] {strides = array<i32>} : memref<32x512xi32, #tpu.memory_space<vmem>>, vector<16xi32>,
      %parallel_loop3A_181 = arith.constant 65535 : i32
      %parallel_loop3A_182 = vector.broadcast %parallel_loop3A_181 : i32 to vector<16xi32>
      %parallel_loop3A_183 = arith.andi %parallel_loop3A_180, %parallel_loop3A_182 : vector<16xi32>
      tpu.vector_store_idx %arg6[%parallel_loop3A_183], %broadcast_in_dim3A_5 {add = true} : memref<32768xi32, #tpu.memory_space<vmem>>[vector<16xi32>], vector<16xi32>,
      %parallel_loop3A_184 = arith.constant 16 : i32
      %parallel_loop3A_185 = vector.broadcast %parallel_loop3A_184 : i32 to vector<16xi32>
      %parallel_loop3A_186 = arith.shrui %parallel_loop3A_180, %parallel_loop3A_185 : vector<16xi32>
      tpu.vector_store_idx %arg6[%parallel_loop3A_186], %broadcast_in_dim3A_5 {add = true} : memref<32768xi32, #tpu.memory_space<vmem>>[vector<16xi32>], vector<16xi32>,
      %parallel_loop3A_187 = arith.constant 160 : i32
      %parallel_loop3A_188 = arith.addi %parallel_loop3A_76, %parallel_loop3A_187 : i32
      %parallel_loop3A_189 = arith.index_cast %parallel_loop3A_74 : i32 to index
      %parallel_loop3A_190 = arith.index_cast %parallel_loop3A_188 : i32 to index
      %parallel_loop3A_191 = tpu.vector_load %arg5[%parallel_loop3A_189, %parallel_loop3A_190] {strides = array<i32>} : memref<32x512xi32, #tpu.memory_space<vmem>>, vector<16xi32>,
      %parallel_loop3A_192 = arith.constant 65535 : i32
      %parallel_loop3A_193 = vector.broadcast %parallel_loop3A_192 : i32 to vector<16xi32>
      %parallel_loop3A_194 = arith.andi %parallel_loop3A_191, %parallel_loop3A_193 : vector<16xi32>
      tpu.vector_store_idx %arg6[%parallel_loop3A_194], %broadcast_in_dim3A_5 {add = true} : memref<32768xi32, #tpu.memory_space<vmem>>[vector<16xi32>], vector<16xi32>,
      %parallel_loop3A_195 = arith.constant 16 : i32
      %parallel_loop3A_196 = vector.broadcast %parallel_loop3A_195 : i32 to vector<16xi32>
      %parallel_loop3A_197 = arith.shrui %parallel_loop3A_191, %parallel_loop3A_196 : vector<16xi32>
      tpu.vector_store_idx %arg6[%parallel_loop3A_197], %broadcast_in_dim3A_5 {add = true} : memref<32768xi32, #tpu.memory_space<vmem>>[vector<16xi32>], vector<16xi32>,
      %parallel_loop3A_198 = arith.constant 176 : i32
      %parallel_loop3A_199 = arith.addi %parallel_loop3A_76, %parallel_loop3A_198 : i32
      %parallel_loop3A_200 = arith.index_cast %parallel_loop3A_74 : i32 to index
      %parallel_loop3A_201 = arith.index_cast %parallel_loop3A_199 : i32 to index
      %parallel_loop3A_202 = tpu.vector_load %arg5[%parallel_loop3A_200, %parallel_loop3A_201] {strides = array<i32>} : memref<32x512xi32, #tpu.memory_space<vmem>>, vector<16xi32>,
      %parallel_loop3A_203 = arith.constant 65535 : i32
      %parallel_loop3A_204 = vector.broadcast %parallel_loop3A_203 : i32 to vector<16xi32>
      %parallel_loop3A_205 = arith.andi %parallel_loop3A_202, %parallel_loop3A_204 : vector<16xi32>
      tpu.vector_store_idx %arg6[%parallel_loop3A_205], %broadcast_in_dim3A_5 {add = true} : memref<32768xi32, #tpu.memory_space<vmem>>[vector<16xi32>], vector<16xi32>,
      %parallel_loop3A_206 = arith.constant 16 : i32
      %parallel_loop3A_207 = vector.broadcast %parallel_loop3A_206 : i32 to vector<16xi32>
      %parallel_loop3A_208 = arith.shrui %parallel_loop3A_202, %parallel_loop3A_207 : vector<16xi32>
      tpu.vector_store_idx %arg6[%parallel_loop3A_208], %broadcast_in_dim3A_5 {add = true} : memref<32768xi32, #tpu.memory_space<vmem>>[vector<16xi32>], vector<16xi32>,
      %parallel_loop3A_209 = arith.constant 192 : i32
      %parallel_loop3A_210 = arith.addi %parallel_loop3A_76, %parallel_loop3A_209 : i32
      %parallel_loop3A_211 = arith.index_cast %parallel_loop3A_74 : i32 to index
      %parallel_loop3A_212 = arith.index_cast %parallel_loop3A_210 : i32 to index
      %parallel_loop3A_213 = tpu.vector_load %arg5[%parallel_loop3A_211, %parallel_loop3A_212] {strides = array<i32>} : memref<32x512xi32, #tpu.memory_space<vmem>>, vector<16xi32>,
      %parallel_loop3A_214 = arith.constant 65535 : i32
      %parallel_loop3A_215 = vector.broadcast %parallel_loop3A_214 : i32 to vector<16xi32>
      %parallel_loop3A_216 = arith.andi %parallel_loop3A_213, %parallel_loop3A_215 : vector<16xi32>
      tpu.vector_store_idx %arg6[%parallel_loop3A_216], %broadcast_in_dim3A_5 {add = true} : memref<32768xi32, #tpu.memory_space<vmem>>[vector<16xi32>], vector<16xi32>,
      %parallel_loop3A_217 = arith.constant 16 : i32
      %parallel_loop3A_218 = vector.broadcast %parallel_loop3A_217 : i32 to vector<16xi32>
      %parallel_loop3A_219 = arith.shrui %parallel_loop3A_213, %parallel_loop3A_218 : vector<16xi32>
      tpu.vector_store_idx %arg6[%parallel_loop3A_219], %broadcast_in_dim3A_5 {add = true} : memref<32768xi32, #tpu.memory_space<vmem>>[vector<16xi32>], vector<16xi32>,
      %parallel_loop3A_220 = arith.constant 208 : i32
      %parallel_loop3A_221 = arith.addi %parallel_loop3A_76, %parallel_loop3A_220 : i32
      %parallel_loop3A_222 = arith.index_cast %parallel_loop3A_74 : i32 to index
      %parallel_loop3A_223 = arith.index_cast %parallel_loop3A_221 : i32 to index
      %parallel_loop3A_224 = tpu.vector_load %arg5[%parallel_loop3A_222, %parallel_loop3A_223] {strides = array<i32>} : memref<32x512xi32, #tpu.memory_space<vmem>>, vector<16xi32>,
      %parallel_loop3A_225 = arith.constant 65535 : i32
      %parallel_loop3A_226 = vector.broadcast %parallel_loop3A_225 : i32 to vector<16xi32>
      %parallel_loop3A_227 = arith.andi %parallel_loop3A_224, %parallel_loop3A_226 : vector<16xi32>
      tpu.vector_store_idx %arg6[%parallel_loop3A_227], %broadcast_in_dim3A_5 {add = true} : memref<32768xi32, #tpu.memory_space<vmem>>[vector<16xi32>], vector<16xi32>,
      %parallel_loop3A_228 = arith.constant 16 : i32
      %parallel_loop3A_229 = vector.broadcast %parallel_loop3A_228 : i32 to vector<16xi32>
      %parallel_loop3A_230 = arith.shrui %parallel_loop3A_224, %parallel_loop3A_229 : vector<16xi32>
      tpu.vector_store_idx %arg6[%parallel_loop3A_230], %broadcast_in_dim3A_5 {add = true} : memref<32768xi32, #tpu.memory_space<vmem>>[vector<16xi32>], vector<16xi32>,
      %parallel_loop3A_231 = arith.constant 224 : i32
      %parallel_loop3A_232 = arith.addi %parallel_loop3A_76, %parallel_loop3A_231 : i32
      %parallel_loop3A_233 = arith.index_cast %parallel_loop3A_74 : i32 to index
      %parallel_loop3A_234 = arith.index_cast %parallel_loop3A_232 : i32 to index
      %parallel_loop3A_235 = tpu.vector_load %arg5[%parallel_loop3A_233, %parallel_loop3A_234] {strides = array<i32>} : memref<32x512xi32, #tpu.memory_space<vmem>>, vector<16xi32>,
      %parallel_loop3A_236 = arith.constant 65535 : i32
      %parallel_loop3A_237 = vector.broadcast %parallel_loop3A_236 : i32 to vector<16xi32>
      %parallel_loop3A_238 = arith.andi %parallel_loop3A_235, %parallel_loop3A_237 : vector<16xi32>
      tpu.vector_store_idx %arg6[%parallel_loop3A_238], %broadcast_in_dim3A_5 {add = true} : memref<32768xi32, #tpu.memory_space<vmem>>[vector<16xi32>], vector<16xi32>,
      %parallel_loop3A_239 = arith.constant 16 : i32
      %parallel_loop3A_240 = vector.broadcast %parallel_loop3A_239 : i32 to vector<16xi32>
      %parallel_loop3A_241 = arith.shrui %parallel_loop3A_235, %parallel_loop3A_240 : vector<16xi32>
      tpu.vector_store_idx %arg6[%parallel_loop3A_241], %broadcast_in_dim3A_5 {add = true} : memref<32768xi32, #tpu.memory_space<vmem>>[vector<16xi32>], vector<16xi32>,
      %parallel_loop3A_242 = arith.constant 240 : i32
      %parallel_loop3A_243 = arith.addi %parallel_loop3A_76, %parallel_loop3A_242 : i32
      %parallel_loop3A_244 = arith.index_cast %parallel_loop3A_74 : i32 to index
      %parallel_loop3A_245 = arith.index_cast %parallel_loop3A_243 : i32 to index
      %parallel_loop3A_246 = tpu.vector_load %arg5[%parallel_loop3A_244, %parallel_loop3A_245] {strides = array<i32>} : memref<32x512xi32, #tpu.memory_space<vmem>>, vector<16xi32>,
      %parallel_loop3A_247 = arith.constant 65535 : i32
      %parallel_loop3A_248 = vector.broadcast %parallel_loop3A_247 : i32 to vector<16xi32>
      %parallel_loop3A_249 = arith.andi %parallel_loop3A_246, %parallel_loop3A_248 : vector<16xi32>
      tpu.vector_store_idx %arg6[%parallel_loop3A_249], %broadcast_in_dim3A_5 {add = true} : memref<32768xi32, #tpu.memory_space<vmem>>[vector<16xi32>], vector<16xi32>,
      %parallel_loop3A_250 = arith.constant 16 : i32
      %parallel_loop3A_251 = vector.broadcast %parallel_loop3A_250 : i32 to vector<16xi32>
      %parallel_loop3A_252 = arith.shrui %parallel_loop3A_246, %parallel_loop3A_251 : vector<16xi32>
      tpu.vector_store_idx %arg6[%parallel_loop3A_252], %broadcast_in_dim3A_5 {add = true} : memref<32768xi32, #tpu.memory_space<vmem>>[vector<16xi32>], vector<16xi32>,
    } {sc.loop_unroll_factor = 2 : i64, sc.parallel_access}
    "tpu.region"() ({
      %run_scoped3A = tpu.sem_alloc : memref<!tpu.dma_semaphore, #tpu.memory_space<semaphore_mem>>
      %dma_start3A_72 = arith.constant 0 : i32
      %dma_start3A_73 = tpu.memref_slice %arg3[%add3A, %dma_start3A_72] : memref<32x32768xi32, #tpu.memory_space<hbm>> -> memref<1x32768xi32, #tpu.memory_space<hbm>>
      %dma_start3A_74 = tpu.memref_squeeze %dma_start3A_73 : memref<1x32768xi32, #tpu.memory_space<hbm>> -> memref<32768xi32, #tpu.memory_space<hbm>>
      %dma_start3A_75 = arith.constant 0 : i32
      %dma_start3A_76 = tpu.memref_slice %arg3[%add3A, %dma_start3A_75] : memref<32x32768xi32, #tpu.memory_space<hbm>> -> memref<1x32768xi32, #tpu.memory_space<hbm>>
      %dma_start3A_77 = tpu.memref_squeeze %dma_start3A_76 : memref<1x32768xi32, #tpu.memory_space<hbm>> -> memref<32768xi32, #tpu.memory_space<hbm>>
      tpu.enqueue_dma source(%arg6 : memref<32768xi32, #tpu.memory_space<vmem>>) target(%dma_start3A_77 : memref<32768xi32, #tpu.memory_space<hbm>>) target_semaphore(%run_scoped3A : memref<!tpu.dma_semaphore, #tpu.memory_space<semaphore_mem>>)
      %dma_wait3A_78 = arith.constant 0 : i32
      %dma_wait3A_79 = tpu.memref_slice %arg3[%add3A, %dma_wait3A_78] : memref<32x32768xi32, #tpu.memory_space<hbm>> -> memref<1x32768xi32, #tpu.memory_space<hbm>>
      %dma_wait3A_80 = tpu.memref_squeeze %dma_wait3A_79 : memref<1x32768xi32, #tpu.memory_space<hbm>> -> memref<32768xi32, #tpu.memory_space<hbm>>
      %dma_wait3A_81 = arith.constant 0 : i32
      %dma_wait3A_82 = tpu.memref_slice %arg3[%add3A, %dma_wait3A_81] : memref<32x32768xi32, #tpu.memory_space<hbm>> -> memref<1x32768xi32, #tpu.memory_space<hbm>>
      %dma_wait3A_83 = tpu.memref_squeeze %dma_wait3A_82 : memref<1x32768xi32, #tpu.memory_space<hbm>> -> memref<32768xi32, #tpu.memory_space<hbm>>
      tpu.wait_dma2 semaphore(%run_scoped3A : memref<!tpu.dma_semaphore, #tpu.memory_space<semaphore_mem>>) src(%arg6 : memref<32768xi32, #tpu.memory_space<vmem>>) dst(%dma_wait3A_83 : memref<32768xi32, #tpu.memory_space<hbm>>)
      tpu.yield
    }) : () -> ()
    return
  }
}

module attributes {stable_mosaic.version = 14 : i64} {
  func.func @_prep_body(%arg0: i32, %arg1: i32, %arg2: memref<4x1x512x512xf32, #tpu.memory_space<vmem>>, %arg3: memref<4x1x512x512xi32, #tpu.memory_space<vmem>>, %arg4: memref<4x1x128xf32, #tpu.memory_space<vmem>>, %arg5: memref<4x256x512xi32, #tpu.memory_space<vmem>>) attributes {dimension_semantics = [#tpu.dimension_semantics<arbitrary>, #tpu.dimension_semantics<arbitrary>], iteration_bounds = array<i64: 4, 2>, scalar_prefetch = 0 : i64, scratch_operands = 0 : i64, tpu.core_type = #tpu.core_type<tc>, window_params = [{transform_indices = @transform_0, window_bounds = array<i64: 4, 1, 512, 512>}, {transform_indices = @transform_1, window_bounds = array<i64: 4, 1, 512, 512>}, {transform_indices = @transform_2, window_bounds = array<i64: 4, 1, 128>}, {transform_indices = @transform_3, window_bounds = array<i64: 4, 256, 512>}]} {
    %get3A = arith.constant 0 : index
    %get3A_0 = arith.constant 0 : index
    %get3A_1 = arith.constant 0 : index
    %get3A_2 = arith.constant 0 : index
    %get3A_3 = vector.load %arg2[%get3A, %get3A_0, %get3A_1, %get3A_2] : memref<4x1x512x512xf32, #tpu.memory_space<vmem>>, vector<4x1x512x512xf32>
    %get3A_4 = vector.shape_cast %get3A_3 : vector<4x1x512x512xf32> to vector<4x512x512xf32>
    %get3A_5 = arith.constant 0 : index
    %get3A_6 = arith.constant 0 : index
    %get3A_7 = arith.constant 0 : index
    %get3A_8 = arith.constant 0 : index
    %get3A_9 = vector.load %arg3[%get3A_5, %get3A_6, %get3A_7, %get3A_8] : memref<4x1x512x512xi32, #tpu.memory_space<vmem>>, vector<4x1x512x512xi32>
    %get3A_10 = vector.shape_cast %get3A_9 : vector<4x1x512x512xi32> to vector<4x512x512xi32>
    %bitcast_convert_type3A = tpu.bitcast %get3A_4 : vector<4x512x512xf32> -> vector<4x512x512xi32>
    %xor3A = arith.constant 1 : i32
    %xor3A_11 = vector.broadcast %xor3A : i32 to vector<4x512x512xi32>
    %xor3A_12 = arith.xori %get3A_10, %xor3A_11 : vector<4x512x512xi32>
    %shift_left3A = arith.constant 31 : i32
    %shift_left3A_13 = vector.broadcast %shift_left3A : i32 to vector<4x512x512xi32>
    %shift_left3A_14 = arith.shli %xor3A_12, %shift_left3A_13 : vector<4x512x512xi32>
    %xor3A_15 = arith.xori %bitcast_convert_type3A, %shift_left3A_14 : vector<4x512x512xi32>
    %bitcast_convert_type3A_16 = tpu.bitcast %xor3A_15 : vector<4x512x512xi32> -> vector<4x512x512xf32>
    %eq3A = arith.constant 0 : i32
    %eq3A_17 = arith.cmpi eq, %arg1, %eq3A : i32
    %convert_element_type3A = arith.extui %eq3A_17 : i1 to i32
    %cond3A = arith.constant 0 : i32
    %cond3A_18 = arith.cmpi ne, %convert_element_type3A, %cond3A : i32
    scf.if %cond3A_18 {
      %reduce_min3A = arith.constant dense<0x7F800000> : vector<4xf32>
      %reduce_min3A_24 = vector.multi_reduction <minimumf>, %bitcast_convert_type3A_16, %reduce_min3A [1, 2] : vector<4x512x512xf32> to vector<4xf32>
      %sub3A = arith.constant 1.000000e+00 : f32
      %sub3A_25 = vector.broadcast %sub3A : f32 to vector<4xf32>
      %sub3A_26 = arith.subf %sub3A_25, %reduce_min3A_24 : vector<4xf32>
      %broadcast_in_dim3A = vector.shape_cast %sub3A_26 : vector<4xf32> to vector<4x1x1xf32>
      %broadcast_in_dim3A_27 = vector.shape_cast %broadcast_in_dim3A : vector<4x1x1xf32> to vector<4x1x1xf32>
      %broadcast_in_dim3A_28 = vector.broadcast %broadcast_in_dim3A_27 : vector<4x1x1xf32> to vector<4x1x128xf32>
      %swap3A = arith.constant 0 : index
      %swap3A_29 = arith.constant 0 : index
      %swap3A_30 = arith.constant 0 : index
      %swap3A_31 = vector.load %arg4[%swap3A, %swap3A_29, %swap3A_30] : memref<4x1x128xf32, #tpu.memory_space<vmem>>, vector<4x1x128xf32>
      tpu.vector_store %arg4[%swap3A, %swap3A_29, %swap3A_30], %broadcast_in_dim3A_28 {strides = array<i32>} : memref<4x1x128xf32, #tpu.memory_space<vmem>>, vector<4x1x128xf32>,
    } else {
    }
    %eq3A_19 = arith.constant 1 : i32
    %eq3A_20 = arith.cmpi eq, %arg1, %eq3A_19 : i32
    %convert_element_type3A_21 = arith.extui %eq3A_20 : i1 to i32
    %cond3A_22 = arith.constant 0 : i32
    %cond3A_23 = arith.cmpi ne, %convert_element_type3A_21, %cond3A_22 : i32
    scf.if %cond3A_23 {
      %get3A_24 = arith.constant 0 : index
      %get3A_25 = arith.constant 0 : index
      %get3A_26 = arith.constant 0 : index
      %get3A_27 = vector.load %arg4[%get3A_24, %get3A_25, %get3A_26] : memref<4x1x128xf32, #tpu.memory_space<vmem>>, vector<4x1x1xf32>
      %get3A_28 = vector.shape_cast %get3A_27 : vector<4x1x1xf32> to vector<4xf32>
      %broadcast_in_dim3A = vector.shape_cast %get3A_28 : vector<4xf32> to vector<4x1x1xf32>
      %max3A = arith.constant 9.99999968E-21 : f32
      %max3A_29 = vector.broadcast %max3A : f32 to vector<4x1x1xf32>
      %max3A_30 = arith.maximumf %broadcast_in_dim3A, %max3A_29 : vector<4x1x1xf32>
      %div3A = arith.constant 1.023000e+03 : f32
      %div3A_31 = vector.broadcast %div3A : f32 to vector<4x1x1xf32>
      %div3A_32 = arith.divf %div3A_31, %max3A_30 : vector<4x1x1xf32>
      %add3A = arith.constant 5.000000e-01 : f32
      %add3A_33 = vector.broadcast %add3A : f32 to vector<4x1x1xf32>
      %add3A_34 = arith.addf %div3A_32, %add3A_33 : vector<4x1x1xf32>
      %mul3A = vector.broadcast %div3A_32 : vector<4x1x1xf32> to vector<4x512x512xf32>
      %mul3A_35 = arith.mulf %bitcast_convert_type3A_16, %mul3A : vector<4x512x512xf32>
      %sub3A = vector.broadcast %add3A_34 : vector<4x1x1xf32> to vector<4x512x512xf32>
      %sub3A_36 = arith.subf %sub3A, %mul3A_35 : vector<4x512x512xf32>
      %min3A = arith.constant 1.023400e+03 : f32
      %min3A_37 = vector.broadcast %min3A : f32 to vector<4x512x512xf32>
      %min3A_38 = arith.minimumf %sub3A_36, %min3A_37 : vector<4x512x512xf32>
      %max3A_39 = arith.constant 0.000000e+00 : f32
      %max3A_40 = vector.broadcast %max3A_39 : f32 to vector<4x512x512xf32>
      %max3A_41 = arith.maximumf %min3A_38, %max3A_40 : vector<4x512x512xf32>
      %convert_element_type3A_42 = arith.fptosi %max3A_41 : vector<4x512x512xf32> to vector<4x512x512xi32>
      %iota3A = tpu.iota {dimensions = array<i32: 2>} : vector<4x512x512xi32>
      %and3A = arith.constant 15 : i32
      %and3A_43 = vector.broadcast %and3A : i32 to vector<4x512x512xi32>
      %and3A_44 = arith.andi %iota3A, %and3A_43 : vector<4x512x512xi32>
      %shift_left3A_45 = arith.constant 5 : i32
      %shift_left3A_46 = vector.broadcast %shift_left3A_45 : i32 to vector<4x512x512xi32>
      %shift_left3A_47 = arith.shli %convert_element_type3A_42, %shift_left3A_46 : vector<4x512x512xi32>
      %shift_left3A_48 = arith.constant 4 : i32
      %shift_left3A_49 = vector.broadcast %shift_left3A_48 : i32 to vector<4x512x512xi32>
      %shift_left3A_50 = arith.shli %get3A_10, %shift_left3A_49 : vector<4x512x512xi32>
      %or3A = arith.ori %shift_left3A_50, %and3A_44 : vector<4x512x512xi32>
      %add3A_51 = arith.addi %shift_left3A_47, %or3A : vector<4x512x512xi32>
      %slice3A = vector.extract_strided_slice %add3A_51 {offsets = [0, 0, 0], sizes = [4, 128, 512], strides = [1, 1, 1]} : vector<4x512x512xi32> to vector<4x128x512xi32>
      %slice3A_52 = vector.extract_strided_slice %add3A_51 {offsets = [0, 128, 0], sizes = [4, 128, 512], strides = [1, 1, 1]} : vector<4x512x512xi32> to vector<4x128x512xi32>
      %shift_left3A_53 = arith.constant 16 : i32
      %shift_left3A_54 = vector.broadcast %shift_left3A_53 : i32 to vector<4x128x512xi32>
      %shift_left3A_55 = arith.shli %slice3A_52, %shift_left3A_54 : vector<4x128x512xi32>
      %or3A_56 = arith.ori %slice3A, %shift_left3A_55 : vector<4x128x512xi32>
      %slice3A_57 = vector.extract_strided_slice %add3A_51 {offsets = [0, 256, 0], sizes = [4, 128, 512], strides = [1, 1, 1]} : vector<4x512x512xi32> to vector<4x128x512xi32>
      %slice3A_58 = vector.extract_strided_slice %add3A_51 {offsets = [0, 384, 0], sizes = [4, 128, 512], strides = [1, 1, 1]} : vector<4x512x512xi32> to vector<4x128x512xi32>
      %shift_left3A_59 = arith.constant 16 : i32
      %shift_left3A_60 = vector.broadcast %shift_left3A_59 : i32 to vector<4x128x512xi32>
      %shift_left3A_61 = arith.shli %slice3A_58, %shift_left3A_60 : vector<4x128x512xi32>
      %or3A_62 = arith.ori %slice3A_57, %shift_left3A_61 : vector<4x128x512xi32>
      %concatenate3A = tpu.concatenate %or3A_56, %or3A_62 in 1 : vector<4x128x512xi32>, vector<4x128x512xi32> -> vector<4x256x512xi32>
      %swap3A = arith.constant 0 : index
      %swap3A_63 = arith.constant 0 : index
      %swap3A_64 = arith.constant 0 : index
      %swap3A_65 = vector.load %arg5[%swap3A, %swap3A_63, %swap3A_64] : memref<4x256x512xi32, #tpu.memory_space<vmem>>, vector<4x256x512xi32>
      tpu.vector_store %arg5[%swap3A, %swap3A_63, %swap3A_64], %concatenate3A {strides = array<i32>} : memref<4x256x512xi32, #tpu.memory_space<vmem>>, vector<4x256x512xi32>,
    } else {
    }
    return
  }
  func.func @transform_0(%arg0: i32, %arg1: i32) -> (i32, i32, i32, i32) {
    %c0_i32 = arith.constant 0 : i32
    %c0_i32_0 = arith.constant 0 : i32
    %c0_i32_1 = arith.constant 0 : i32
    %c0_i32_2 = arith.constant 0 : i32
    return %arg0, %c0_i32, %c0_i32_0, %c0_i32_1 : i32, i32, i32, i32
  }
  func.func @transform_1(%arg0: i32, %arg1: i32) -> (i32, i32, i32, i32) {
    %c0_i32 = arith.constant 0 : i32
    %c0_i32_0 = arith.constant 0 : i32
    %c0_i32_1 = arith.constant 0 : i32
    %c0_i32_2 = arith.constant 0 : i32
    return %arg0, %c0_i32, %c0_i32_0, %c0_i32_1 : i32, i32, i32, i32
  }
  func.func @transform_2(%arg0: i32, %arg1: i32) -> (i32, i32, i32) {
    %c0_i32 = arith.constant 0 : i32
    %c0_i32_0 = arith.constant 0 : i32
    %c0_i32_1 = arith.constant 0 : i32
    return %arg0, %c0_i32, %c0_i32_0 : i32, i32, i32
  }
  func.func @transform_3(%arg0: i32, %arg1: i32) -> (i32, i32, i32) {
    %c0_i32 = arith.constant 0 : i32
    %c0_i32_0 = arith.constant 0 : i32
    %c0_i32_1 = arith.constant 0 : i32
    return %arg0, %c0_i32, %c0_i32_0 : i32, i32, i32
  }
}

module attributes {stable_mosaic.version = 14 : i64} {
  func.func @_finish_body(%arg0: i32, %arg1: memref<32x32768xi32, #tpu.memory_space<vmem>>, %arg2: memref<16x1x128xf32, #tpu.memory_space<vmem>>, %arg3: memref<1x128xf32, #tpu.memory_space<vmem>>) attributes {dimension_semantics = [#tpu.dimension_semantics<arbitrary>], iteration_bounds = array<i64: 1>, scalar_prefetch = 0 : i64, scratch_operands = 0 : i64, tpu.core_type = #tpu.core_type<tc>, window_params = [{pipeline_mode = #tpu.pipeline_mode<synchronous>, transform_indices = @transform_0, window_bounds = array<i64: 32, 32768>}, {pipeline_mode = #tpu.pipeline_mode<synchronous>, transform_indices = @transform_1, window_bounds = array<i64: 16, 1, 128>}, {pipeline_mode = #tpu.pipeline_mode<synchronous>, transform_indices = @transform_2, window_bounds = array<i64: 1, 128>}]} {
    %get3A = arith.constant 0 : index
    %get3A_0 = arith.constant 0 : index
    %get3A_1 = vector.load %arg1[%get3A, %get3A_0] : memref<32x32768xi32, #tpu.memory_space<vmem>>, vector<32x32768xi32>
    %convert_element_type3A = arith.sitofp %get3A_1 : vector<32x32768xi32> to vector<32x32768xf32>
    %reshape3A = vector.shape_cast %convert_element_type3A : vector<32x32768xf32> to vector<16x2x32768xf32>
    %slice3A = vector.extract_strided_slice %reshape3A {offsets = [0, 0, 0], sizes = [16, 1, 32768], strides = [1, 1, 1]} : vector<16x2x32768xf32> to vector<16x1x32768xf32>
    %squeeze3A = vector.shape_cast %slice3A : vector<16x1x32768xf32> to vector<16x32768xf32>
    %slice3A_2 = vector.extract_strided_slice %reshape3A {offsets = [0, 1, 0], sizes = [16, 1, 32768], strides = [1, 1, 1]} : vector<16x2x32768xf32> to vector<16x1x32768xf32>
    %squeeze3A_3 = vector.shape_cast %slice3A_2 : vector<16x1x32768xf32> to vector<16x32768xf32>
    %add3A = arith.addf %squeeze3A, %squeeze3A_3 : vector<16x32768xf32>
    %slice3A_4 = vector.extract_strided_slice %add3A {offsets = [0, 1], sizes = [16, 32767], strides = [1, 1]} : vector<16x32768xf32> to vector<16x32767xf32>
    %broadcast_in_dim3A = arith.constant 0.000000e+00 : f32
    %broadcast_in_dim3A_5 = vector.broadcast %broadcast_in_dim3A : f32 to vector<16x1xf32>
    %concatenate3A = tpu.concatenate %slice3A_4, %broadcast_in_dim3A_5 in 1 : vector<16x32767xf32>, vector<16x1xf32> -> vector<16x32768xf32>
    %add3A_6 = arith.addf %add3A, %concatenate3A : vector<16x32768xf32>
    %slice3A_7 = vector.extract_strided_slice %add3A_6 {offsets = [0, 2], sizes = [16, 32766], strides = [1, 1]} : vector<16x32768xf32> to vector<16x32766xf32>
    %broadcast_in_dim3A_8 = arith.constant 0.000000e+00 : f32
    %broadcast_in_dim3A_9 = vector.broadcast %broadcast_in_dim3A_8 : f32 to vector<16x2xf32>
    %concatenate3A_10 = tpu.concatenate %slice3A_7, %broadcast_in_dim3A_9 in 1 : vector<16x32766xf32>, vector<16x2xf32> -> vector<16x32768xf32>
    %add3A_11 = arith.addf %add3A_6, %concatenate3A_10 : vector<16x32768xf32>
    %slice3A_12 = vector.extract_strided_slice %add3A_11 {offsets = [0, 4], sizes = [16, 32764], strides = [1, 1]} : vector<16x32768xf32> to vector<16x32764xf32>
    %broadcast_in_dim3A_13 = arith.constant 0.000000e+00 : f32
    %broadcast_in_dim3A_14 = vector.broadcast %broadcast_in_dim3A_13 : f32 to vector<16x4xf32>
    %concatenate3A_15 = tpu.concatenate %slice3A_12, %broadcast_in_dim3A_14 in 1 : vector<16x32764xf32>, vector<16x4xf32> -> vector<16x32768xf32>
    %add3A_16 = arith.addf %add3A_11, %concatenate3A_15 : vector<16x32768xf32>
    %slice3A_17 = vector.extract_strided_slice %add3A_16 {offsets = [0, 8], sizes = [16, 32760], strides = [1, 1]} : vector<16x32768xf32> to vector<16x32760xf32>
    %broadcast_in_dim3A_18 = arith.constant 0.000000e+00 : f32
    %broadcast_in_dim3A_19 = vector.broadcast %broadcast_in_dim3A_18 : f32 to vector<16x8xf32>
    %concatenate3A_20 = tpu.concatenate %slice3A_17, %broadcast_in_dim3A_19 in 1 : vector<16x32760xf32>, vector<16x8xf32> -> vector<16x32768xf32>
    %add3A_21 = arith.addf %add3A_16, %concatenate3A_20 : vector<16x32768xf32>
    %iota3A = tpu.iota {dimensions = array<i32: 1>} : vector<16x32768xi32>
    %jit3A = arith.constant 16 : i32
    %eq3A = arith.constant 0 : i32
    %eq3A_22 = arith.cmpi eq, %jit3A, %eq3A : i32
    %jit3A_23 = arith.constant 1 : i32
    %select_n3A = arith.select %eq3A_22, %jit3A_23, %jit3A : i32
    %rem3A = vector.broadcast %select_n3A : i32 to vector<16x32768xi32>
    %rem3A_24 = arith.remsi %iota3A, %rem3A : vector<16x32768xi32>
    %ne3A = arith.constant 0 : i32
    %ne3A_25 = vector.broadcast %ne3A : i32 to vector<16x32768xi32>
    %ne3A_26 = arith.cmpi ne, %rem3A_24, %ne3A_25 : vector<16x32768xi32>
    %lt3A = arith.constant 0 : i32
    %lt3A_27 = vector.broadcast %lt3A : i32 to vector<16x32768xi32>
    %lt3A_28 = arith.cmpi slt, %rem3A_24, %lt3A_27 : vector<16x32768xi32>
    %lt3A_29 = arith.constant 0 : i32
    %lt3A_30 = arith.cmpi slt, %select_n3A, %lt3A_29 : i32
    %ne3A_31 = vector.broadcast %lt3A_30 : i1 to vector<16x32768xi1>
    %ne3A_32 = vector.broadcast %ne3A_31 : vector<16x32768xi1> to vector<16x32768xi1>
    %ne3A_33 = arith.xori %lt3A_28, %ne3A_32 : vector<16x32768xi1>
    %and3A = arith.andi %ne3A_33, %ne3A_26 : vector<16x32768xi1>
    %add3A_34 = vector.broadcast %select_n3A : i32 to vector<16x32768xi32>
    %add3A_35 = arith.addi %rem3A_24, %add3A_34 : vector<16x32768xi32>
    %select_n3A_36 = arith.select %and3A, %add3A_35, %rem3A_24 : vector<16x32768xi1>, vector<16x32768xi32>
    %eq3A_37 = arith.constant 0 : i32
    %eq3A_38 = vector.broadcast %eq3A_37 : i32 to vector<16x32768xi32>
    %eq3A_39 = arith.cmpi eq, %select_n3A_36, %eq3A_38 : vector<16x32768xi32>
    %jit3A_40 = arith.constant 0.000000e+00 : f32
    %broadcast_in_dim3A_41 = vector.broadcast %jit3A_40 : f32 to vector<16x32768xf32>
    %select_n3A_42 = arith.select %eq3A_39, %add3A_21, %broadcast_in_dim3A_41 : vector<16x32768xi1>, vector<16x32768xf32>
    %slice3A_43 = vector.extract_strided_slice %select_n3A_42 {offsets = [0, 32], sizes = [16, 32736], strides = [1, 1]} : vector<16x32768xf32> to vector<16x32736xf32>
    %broadcast_in_dim3A_44 = arith.constant 0.000000e+00 : f32
    %broadcast_in_dim3A_45 = vector.broadcast %broadcast_in_dim3A_44 : f32 to vector<16x32xf32>
    %concatenate3A_46 = tpu.concatenate %slice3A_43, %broadcast_in_dim3A_45 in 1 : vector<16x32736xf32>, vector<16x32xf32> -> vector<16x32768xf32>
    %add3A_47 = arith.addf %select_n3A_42, %concatenate3A_46 : vector<16x32768xf32>
    %slice3A_48 = vector.extract_strided_slice %add3A_47 {offsets = [0, 64], sizes = [16, 32704], strides = [1, 1]} : vector<16x32768xf32> to vector<16x32704xf32>
    %broadcast_in_dim3A_49 = arith.constant 0.000000e+00 : f32
    %broadcast_in_dim3A_50 = vector.broadcast %broadcast_in_dim3A_49 : f32 to vector<16x64xf32>
    %concatenate3A_51 = tpu.concatenate %slice3A_48, %broadcast_in_dim3A_50 in 1 : vector<16x32704xf32>, vector<16x64xf32> -> vector<16x32768xf32>
    %add3A_52 = arith.addf %add3A_47, %concatenate3A_51 : vector<16x32768xf32>
    %slice3A_53 = vector.extract_strided_slice %add3A_52 {offsets = [0, 128], sizes = [16, 32640], strides = [1, 1]} : vector<16x32768xf32> to vector<16x32640xf32>
    %broadcast_in_dim3A_54 = arith.constant 0.000000e+00 : f32
    %broadcast_in_dim3A_55 = vector.broadcast %broadcast_in_dim3A_54 : f32 to vector<16x128xf32>
    %concatenate3A_56 = tpu.concatenate %slice3A_53, %broadcast_in_dim3A_55 in 1 : vector<16x32640xf32>, vector<16x128xf32> -> vector<16x32768xf32>
    %add3A_57 = arith.addf %add3A_52, %concatenate3A_56 : vector<16x32768xf32>
    %slice3A_58 = vector.extract_strided_slice %add3A_57 {offsets = [0, 256], sizes = [16, 32512], strides = [1, 1]} : vector<16x32768xf32> to vector<16x32512xf32>
    %broadcast_in_dim3A_59 = arith.constant 0.000000e+00 : f32
    %broadcast_in_dim3A_60 = vector.broadcast %broadcast_in_dim3A_59 : f32 to vector<16x256xf32>
    %concatenate3A_61 = tpu.concatenate %slice3A_58, %broadcast_in_dim3A_60 in 1 : vector<16x32512xf32>, vector<16x256xf32> -> vector<16x32768xf32>
    %add3A_62 = arith.addf %add3A_57, %concatenate3A_61 : vector<16x32768xf32>
    %slice3A_63 = vector.extract_strided_slice %add3A_62 {offsets = [0, 512], sizes = [16, 32256], strides = [1, 1]} : vector<16x32768xf32> to vector<16x32256xf32>
    %broadcast_in_dim3A_64 = arith.constant 0.000000e+00 : f32
    %broadcast_in_dim3A_65 = vector.broadcast %broadcast_in_dim3A_64 : f32 to vector<16x512xf32>
    %concatenate3A_66 = tpu.concatenate %slice3A_63, %broadcast_in_dim3A_65 in 1 : vector<16x32256xf32>, vector<16x512xf32> -> vector<16x32768xf32>
    %add3A_67 = arith.addf %add3A_62, %concatenate3A_66 : vector<16x32768xf32>
    %slice3A_68 = vector.extract_strided_slice %add3A_67 {offsets = [0, 1024], sizes = [16, 31744], strides = [1, 1]} : vector<16x32768xf32> to vector<16x31744xf32>
    %broadcast_in_dim3A_69 = arith.constant 0.000000e+00 : f32
    %broadcast_in_dim3A_70 = vector.broadcast %broadcast_in_dim3A_69 : f32 to vector<16x1024xf32>
    %concatenate3A_71 = tpu.concatenate %slice3A_68, %broadcast_in_dim3A_70 in 1 : vector<16x31744xf32>, vector<16x1024xf32> -> vector<16x32768xf32>
    %add3A_72 = arith.addf %add3A_67, %concatenate3A_71 : vector<16x32768xf32>
    %slice3A_73 = vector.extract_strided_slice %add3A_72 {offsets = [0, 2048], sizes = [16, 30720], strides = [1, 1]} : vector<16x32768xf32> to vector<16x30720xf32>
    %broadcast_in_dim3A_74 = arith.constant 0.000000e+00 : f32
    %broadcast_in_dim3A_75 = vector.broadcast %broadcast_in_dim3A_74 : f32 to vector<16x2048xf32>
    %concatenate3A_76 = tpu.concatenate %slice3A_73, %broadcast_in_dim3A_75 in 1 : vector<16x30720xf32>, vector<16x2048xf32> -> vector<16x32768xf32>
    %add3A_77 = arith.addf %add3A_72, %concatenate3A_76 : vector<16x32768xf32>
    %slice3A_78 = vector.extract_strided_slice %add3A_77 {offsets = [0, 4096], sizes = [16, 28672], strides = [1, 1]} : vector<16x32768xf32> to vector<16x28672xf32>
    %broadcast_in_dim3A_79 = arith.constant 0.000000e+00 : f32
    %broadcast_in_dim3A_80 = vector.broadcast %broadcast_in_dim3A_79 : f32 to vector<16x4096xf32>
    %concatenate3A_81 = tpu.concatenate %slice3A_78, %broadcast_in_dim3A_80 in 1 : vector<16x28672xf32>, vector<16x4096xf32> -> vector<16x32768xf32>
    %add3A_82 = arith.addf %add3A_77, %concatenate3A_81 : vector<16x32768xf32>
    %slice3A_83 = vector.extract_strided_slice %add3A_82 {offsets = [0, 8192], sizes = [16, 24576], strides = [1, 1]} : vector<16x32768xf32> to vector<16x24576xf32>
    %broadcast_in_dim3A_84 = arith.constant 0.000000e+00 : f32
    %broadcast_in_dim3A_85 = vector.broadcast %broadcast_in_dim3A_84 : f32 to vector<16x8192xf32>
    %concatenate3A_86 = tpu.concatenate %slice3A_83, %broadcast_in_dim3A_85 in 1 : vector<16x24576xf32>, vector<16x8192xf32> -> vector<16x32768xf32>
    %add3A_87 = arith.addf %add3A_82, %concatenate3A_86 : vector<16x32768xf32>
    %slice3A_88 = vector.extract_strided_slice %add3A_87 {offsets = [0, 16384], sizes = [16, 16384], strides = [1, 1]} : vector<16x32768xf32> to vector<16x16384xf32>
    %broadcast_in_dim3A_89 = arith.constant 0.000000e+00 : f32
    %broadcast_in_dim3A_90 = vector.broadcast %broadcast_in_dim3A_89 : f32 to vector<16x16384xf32>
    %concatenate3A_91 = tpu.concatenate %slice3A_88, %broadcast_in_dim3A_90 in 1 : vector<16x16384xf32>, vector<16x16384xf32> -> vector<16x32768xf32>
    %add3A_92 = arith.addf %add3A_87, %concatenate3A_91 : vector<16x32768xf32>
    %slice3A_93 = vector.extract_strided_slice %add3A_92 {offsets = [0, 16], sizes = [16, 32752], strides = [1, 1]} : vector<16x32768xf32> to vector<16x32752xf32>
    %broadcast_in_dim3A_94 = arith.constant 0.000000e+00 : f32
    %broadcast_in_dim3A_95 = vector.broadcast %broadcast_in_dim3A_94 : f32 to vector<16x16xf32>
    %concatenate3A_96 = tpu.concatenate %slice3A_93, %broadcast_in_dim3A_95 in 1 : vector<16x32752xf32>, vector<16x16xf32> -> vector<16x32768xf32>
    %slice3A_97 = vector.extract_strided_slice %add3A_92 {offsets = [0, 16], sizes = [16, 1], strides = [1, 1]} : vector<16x32768xf32> to vector<16x1xf32>
    %slice3A_98 = vector.extract_strided_slice %add3A_92 {offsets = [0, 0], sizes = [16, 1], strides = [1, 1]} : vector<16x32768xf32> to vector<16x1xf32>
    %add3A_99 = vector.broadcast %slice3A_97 : vector<16x1xf32> to vector<16x32768xf32>
    %add3A_100 = arith.addf %add3A_99, %add3A_92 : vector<16x32768xf32>
    %gt3A = arith.constant 0.000000e+00 : f32
    %gt3A_101 = vector.broadcast %gt3A : f32 to vector<16x32768xf32>
    %gt3A_102 = arith.cmpf ogt, %add3A_100, %gt3A_101 : vector<16x32768xf32>
    %sub3A = vector.broadcast %slice3A_97 : vector<16x1xf32> to vector<16x32768xf32>
    %sub3A_103 = arith.subf %sub3A, %concatenate3A_96 : vector<16x32768xf32>
    %max3A = arith.constant 5.000000e-01 : f32
    %max3A_104 = vector.broadcast %max3A : f32 to vector<16x32768xf32>
    %max3A_105 = arith.maximumf %add3A_100, %max3A_104 : vector<16x32768xf32>
    %div3A = arith.divf %sub3A_103, %max3A_105 : vector<16x32768xf32>
    %sub3A_106 = arith.constant 1.000000e+00 : f32
    %sub3A_107 = vector.broadcast %sub3A_106 : f32 to vector<16x32768xf32>
    %sub3A_108 = arith.subf %sub3A_107, %div3A : vector<16x32768xf32>
    %jit3A_109 = arith.constant 0.000000e+00 : f32
    %broadcast_in_dim3A_110 = vector.broadcast %jit3A_109 : f32 to vector<16x32768xf32>
    %select_n3A_111 = arith.select %gt3A_102, %sub3A_108, %broadcast_in_dim3A_110 : vector<16x32768xi1>, vector<16x32768xf32>
    %add3A_112 = vector.broadcast %slice3A_98 : vector<16x1xf32> to vector<16x32768xf32>
    %add3A_113 = arith.addf %add3A_112, %concatenate3A_96 : vector<16x32768xf32>
    %gt3A_114 = arith.constant 0.000000e+00 : f32
    %gt3A_115 = vector.broadcast %gt3A_114 : f32 to vector<16x32768xf32>
    %gt3A_116 = arith.cmpf ogt, %add3A_113, %gt3A_115 : vector<16x32768xf32>
    %sub3A_117 = vector.broadcast %slice3A_98 : vector<16x1xf32> to vector<16x32768xf32>
    %sub3A_118 = arith.subf %sub3A_117, %add3A_92 : vector<16x32768xf32>
    %max3A_119 = arith.constant 5.000000e-01 : f32
    %max3A_120 = vector.broadcast %max3A_119 : f32 to vector<16x32768xf32>
    %max3A_121 = arith.maximumf %add3A_113, %max3A_120 : vector<16x32768xf32>
    %div3A_122 = arith.divf %sub3A_118, %max3A_121 : vector<16x32768xf32>
    %sub3A_123 = arith.constant 1.000000e+00 : f32
    %sub3A_124 = vector.broadcast %sub3A_123 : f32 to vector<16x32768xf32>
    %sub3A_125 = arith.subf %sub3A_124, %div3A_122 : vector<16x32768xf32>
    %jit3A_126 = arith.constant 0.000000e+00 : f32
    %broadcast_in_dim3A_127 = vector.broadcast %jit3A_126 : f32 to vector<16x32768xf32>
    %select_n3A_128 = arith.select %gt3A_116, %sub3A_125, %broadcast_in_dim3A_127 : vector<16x32768xi1>, vector<16x32768xf32>
    %jit3A_129 = arith.constant 32 : i32
    %eq3A_130 = arith.constant 0 : i32
    %eq3A_131 = arith.cmpi eq, %jit3A_129, %eq3A_130 : i32
    %jit3A_132 = arith.constant 1 : i32
    %select_n3A_133 = arith.select %eq3A_131, %jit3A_132, %jit3A_129 : i32
    %rem3A_134 = vector.broadcast %select_n3A_133 : i32 to vector<16x32768xi32>
    %rem3A_135 = arith.remsi %iota3A, %rem3A_134 : vector<16x32768xi32>
    %ne3A_136 = arith.constant 0 : i32
    %ne3A_137 = vector.broadcast %ne3A_136 : i32 to vector<16x32768xi32>
    %ne3A_138 = arith.cmpi ne, %rem3A_135, %ne3A_137 : vector<16x32768xi32>
    %lt3A_139 = arith.constant 0 : i32
    %lt3A_140 = vector.broadcast %lt3A_139 : i32 to vector<16x32768xi32>
    %lt3A_141 = arith.cmpi slt, %rem3A_135, %lt3A_140 : vector<16x32768xi32>
    %lt3A_142 = arith.constant 0 : i32
    %lt3A_143 = arith.cmpi slt, %select_n3A_133, %lt3A_142 : i32
    %ne3A_144 = vector.broadcast %lt3A_143 : i1 to vector<16x32768xi1>
    %ne3A_145 = vector.broadcast %ne3A_144 : vector<16x32768xi1> to vector<16x32768xi1>
    %ne3A_146 = arith.xori %lt3A_141, %ne3A_145 : vector<16x32768xi1>
    %and3A_147 = arith.andi %ne3A_146, %ne3A_138 : vector<16x32768xi1>
    %add3A_148 = vector.broadcast %select_n3A_133 : i32 to vector<16x32768xi32>
    %add3A_149 = arith.addi %rem3A_135, %add3A_148 : vector<16x32768xi32>
    %select_n3A_150 = arith.select %and3A_147, %add3A_149, %rem3A_135 : vector<16x32768xi1>, vector<16x32768xi32>
    %eq3A_151 = arith.constant 0 : i32
    %eq3A_152 = vector.broadcast %eq3A_151 : i32 to vector<16x32768xi32>
    %eq3A_153 = arith.cmpi eq, %select_n3A_150, %eq3A_152 : vector<16x32768xi32>
    %ge3A = arith.constant 32 : i32
    %ge3A_154 = vector.broadcast %ge3A : i32 to vector<16x32768xi32>
    %ge3A_155 = arith.cmpi sge, %iota3A, %ge3A_154 : vector<16x32768xi32>
    %and3A_156 = arith.andi %eq3A_153, %ge3A_155 : vector<16x32768xi1>
    %add3A_157 = arith.addf %select_n3A_111, %select_n3A_128 : vector<16x32768xf32>
    %jit3A_158 = arith.constant 0.000000e+00 : f32
    %broadcast_in_dim3A_159 = vector.broadcast %jit3A_158 : f32 to vector<16x32768xf32>
    %select_n3A_160 = arith.select %and3A_156, %add3A_157, %broadcast_in_dim3A_159 : vector<16x32768xi1>, vector<16x32768xf32>
    %reduce_sum3A = arith.constant dense<0.000000e+00> : vector<16xf32>
    %reduce_sum3A_161 = vector.multi_reduction <add>, %select_n3A_160, %reduce_sum3A [1] : vector<16x32768xf32> to vector<16xf32>
    %broadcast_in_dim3A_162 = vector.shape_cast %reduce_sum3A_161 : vector<16xf32> to vector<16x1xf32>
    %get3A_163 = arith.constant 0 : index
    %get3A_164 = arith.constant 0 : index
    %get3A_165 = arith.constant 0 : index
    %get3A_166 = vector.load %arg2[%get3A_163, %get3A_164, %get3A_165] : memref<16x1x128xf32, #tpu.memory_space<vmem>>, vector<16x1x1xf32>
    %get3A_167 = vector.shape_cast %get3A_166 : vector<16x1x1xf32> to vector<16x1xf32>
    %max3A_168 = arith.constant 9.99999968E-21 : f32
    %max3A_169 = vector.broadcast %max3A_168 : f32 to vector<16x1xf32>
    %max3A_170 = arith.maximumf %get3A_167, %max3A_169 : vector<16x1xf32>
    %mul3A = arith.constant 9.77517105E-4 : f32
    %mul3A_171 = vector.broadcast %mul3A : f32 to vector<16x1xf32>
    %mul3A_172 = arith.mulf %max3A_170, %mul3A_171 : vector<16x1xf32>
    %mul3A_173 = arith.mulf %broadcast_in_dim3A_162, %mul3A_172 : vector<16x1xf32>
    %reduce_sum3A_174 = vector.shape_cast %mul3A_173 : vector<16x1xf32> to vector<1x16x1xf32>
    %reduce_sum3A_175 = arith.constant dense<0.000000e+00> : vector<1xf32>
    %reduce_sum3A_176 = vector.multi_reduction <add>, %reduce_sum3A_174, %reduce_sum3A_175 [1, 2] : vector<1x16x1xf32> to vector<1xf32>
    %reduce_sum3A_177 = vector.shape_cast %reduce_sum3A_176 : vector<1xf32> to vector<1x1x1xf32>
    %reduce_sum3A_178 = vector.extract %reduce_sum3A_177[0, 0, 0] : f32 from vector<1x1x1xf32>
    %mul3A_179 = arith.constant 3.125000e-02 : f32
    %mul3A_180 = arith.mulf %reduce_sum3A_178, %mul3A_179 : f32
    %broadcast_in_dim3A_181 = vector.broadcast %mul3A_180 : f32 to vector<1x128xf32>
    %swap3A = arith.constant 0 : index
    %swap3A_182 = arith.constant 0 : index
    %swap3A_183 = vector.load %arg3[%swap3A, %swap3A_182] : memref<1x128xf32, #tpu.memory_space<vmem>>, vector<1x128xf32>
    tpu.vector_store %arg3[%swap3A, %swap3A_182], %broadcast_in_dim3A_181 {strides = array<i32>} : memref<1x128xf32, #tpu.memory_space<vmem>>, vector<1x128xf32>,
    return
  }
  func.func @transform_0(%arg0: i32) -> (i32, i32) {
    %c0_i32 = arith.constant 0 : i32
    %c0_i32_0 = arith.constant 0 : i32
    %c0_i32_1 = arith.constant 0 : i32
    return %c0_i32, %c0_i32_0 : i32, i32
  }
  func.func @transform_1(%arg0: i32) -> (i32, i32, i32) {
    %c0_i32 = arith.constant 0 : i32
    %c0_i32_0 = arith.constant 0 : i32
    %c0_i32_1 = arith.constant 0 : i32
    %c0_i32_2 = arith.constant 0 : i32
    return %c0_i32, %c0_i32_0, %c0_i32_1 : i32, i32, i32
  }
  func.func @transform_2(%arg0: i32) -> (i32, i32) {
    %c0_i32 = arith.constant 0 : i32
    %c0_i32_0 = arith.constant 0 : i32
    %c0_i32_1 = arith.constant 0 : i32
    return %c0_i32, %c0_i32_0 : i32, i32
  }
}

</mosaic_0001>

<sc_bundles>
// kernel: kernel.5.cloned.1.call-start
scs
__scs_entry_jumppad:
0x0: {  	(pc) =	sbr.rel $0x88, $3  }
0x1: {  	(tag) =	ssettag $0x0;
	lr =	simm.s32 $0x1  }
0x2: {  	[smem:$0x3F9F] =	sst lr;
	_ =	strace $0xD0000000  }
0x3: {  	_ = 	snop  }
0x4: {  	_ = 	snop  }
0x5: {  	_ = 	snop  }
0x6: {  	_ = 	snop  }
0x7: {  	_ = 	snop  }
__scs_overlays_trampoline_lowered:
0x8: {  	[smem:$0x3FAE] =	sst s0  }
0x9: {  	[smem:$0x3FAF] =	sst s1  }
0xa: {  	[smem:$0x3FB0] =	sst s2  }
0xb: {  	[smem:$0x3FB1] =	sst s3  }
0xc: {  	[smem:$0x3FB2] =	sst s4  }
0xd: {  	[smem:$0x3FB3] =	sst s5  }
0xe: {  	[smem:$0x3FB4] =	sst s6  }
0xf: {  	[smem:$0x3FB5] =	sst s7  }
0x10: {  	[smem:$0x3FB6] =	sst s8  }
0x11: {  	[smem:$0x3FB7] =	sst s9;
	s0 =	simm.s32 @!p0 $0x0  }
0x12: {  	s1 =	sld [smem:$0x3F9D];
	s0 =	simm.s32 @p0 $0x1  }
0x13: {  	[smem:$0x3FB8] =	sst s0;
	s0 =	simm.s32 @!p1 $0x0  }
0x14: {  	s2 =	sld [smem:$0x3F9C];
	s0 =	simm.s32 @p1 $0x1  }
0x15: {  	[smem:$0x3FB9] =	sst s0;
	s0 =	simm.s32 @!p2 $0x0  }
0x16: {  	s3 =	sld [smem:$0x3FDB];
	s0 =	simm.s32 @p2 $0x1  }
0x17: {  	s4 =	simm.s32 $0x1BF5;
	[smem:$0x3FBB] =	sst s0  }
0x18: {  	s0 =	sld [smem:$0x3F9E];
	_ =	swait.ge [sflag:s4], $0x0  }
0x19: {  	s7 =	sld [smem:$0x3F9F]  }
0x1a: {  	s8 =	sadd.s32 $0xFFFFE003, lr  }
0x1b: {  	s9 =	sadd.s32 $0xFFFFFEF7, lr;
	s5 =	simm.s32 $0xFFFFFFFF;
	p2 =	slt.u32 s8, $0xFFFFF086  }
0x1c: {  	p1 =	slt.u32 s9, $0xF7A;
	s5 =	simm.s32 @!p2 $0x0  }
0x1d: {  	s5 =	simm.s32 @p1 $0x1;
	p0 =	seq.s32 s7, s2  }
0x1e: {  	s7 =	smul.u32 @!p0 $0xF7A, s2;
	p2 =	seq.s32 @!p0 s5, $0x0  }
0x1f: {  	s9 =	smul.u32 $0xF7A, s1;
	s8 =	simm.s32 @!p0 $0x1BF5;
	p2 =	por !p2, p0  }
0x20: {  	[sflag:s8] =	ssyncset.s32 @!p0 $0xFFFFF086;
	s6 =	sadd.s32 @!p0 s3, s7;
	s7 =	simm.s32 @!p0 $0x108  }
0x21: {  	s3 =	sadd.s32 s3, s9;
	s6 =	sadd.s32 @!p0 $0x88, s6;
	s7 =	simm.s32 @p2 $0x1082  }
0x22: {  	[simem:s7], [sflag:s8] =	dma.local @!p0 [hbm:s6], $0xF7A  }
0x23: {  	s9 =	sor.u32 $0xD0000000, s2;
	s6 =	simm.s32 $0x108;
	_ =	swait.ge @!p0 [sflag:s8], $0x0  }
0x24: {  	s3 =	sadd.s32 $0x88, s3;
	s6 =	simm.s32 @!p1 $0x1082;
	[sflag:s4] =	ssyncset.s32 $0xFFFFF086  }
0x25: {  	[simem:s6], [sflag:s4] =	dma.local [hbm:s3], $0xF7A  }
0x26: {  	[smem:$0x3F9F] =	sst s1;
	(tag) =	ssettag s2;
	_ =	strace s9  }
0x27: {  	s1 =	sld [smem:$0x3FAF]  }
0x28: {  	s2 =	sld [smem:$0x3FB0]  }
0x29: {  	s4 =	sld [smem:$0x3FB2]  }
0x2a: {  	p0 =	seq.s32 s5, $0x0;
	s5 =	sld [smem:$0x3FB3]  }
0x2b: {  	s6 =	sld [smem:$0x3FB4]  }
0x2c: {  	s7 =	sld [smem:$0x3FB5]  }
0x2d: {  	s3 =	simm.s32 $0x108;
	s8 =	sld [smem:$0x3FB6]  }
0x2e: {  	s3 =	simm.s32 @!p0 $0x1082;
	s9 =	sld [smem:$0x3FB7]  }
0x2f: {  	lr =	sadd.s32 s0, s3;
	s0 =	sld [smem:$0x3FAE]  }
0x30: {  	s3 =	sld [smem:$0x3FB1]  }
0x31: {  	[smem:$0x3FBA] =	sst s10  }
0x32: {  	s10 =	sld [smem:$0x3FB8];
	_ =	sdelay $0x3  }
0x33: {  	p0 =	seq.s32 s10, $0x1;
	s10 =	sld [smem:$0x3FBA];
	_ =	sdelay $0x3  }
0x34: {  	[smem:$0x3FBA] =	sst s10  }
0x35: {  	s10 =	sld [smem:$0x3FB9];
	_ =	sdelay $0x3  }
0x36: {  	p1 =	seq.s32 s10, $0x1;
	s10 =	sld [smem:$0x3FBA];
	_ =	sdelay $0x3  }
0x37: {  	[smem:$0x3FBA] =	sst s10  }
0x38: {  	s10 =	sld [smem:$0x3FBB]  }
0x39: {  	_ = 	snop;
	(pc) =	sbr.ind lr, $3  }
0x3a: {  	_ = 	snop  }
0x3b: {  	_ = 	snop  }
0x3c: {  	p2 =	seq.s32 s10, $0x1;
	s10 =	sld [smem:$0x3FBA]  }
0x3d: {  	_ =	shalt  }
0x3e: {  	_ =	shalt  }
0x3f: {  	_ =	shalt  }
0x40: {  	_ =	shalt  }
0x41: {  	_ =	shalt  }
0x42: {  	_ =	shalt  }
0x43: {  	_ =	shalt  }
0x44: {  	_ =	shalt  }
0x45: {  	_ =	shalt  }
0x46: {  	_ =	shalt  }
0x47: {  	_ =	shalt  }
0x48: {  	_ =	shalt  }
0x49: {  	_ =	shalt  }
0x4a: {  	_ =	shalt  }
0x4b: {  	_ =	shalt  }
0x4c: {  	_ =	shalt  }
0x4d: {  	_ =	shalt  }
0x4e: {  	_ =	shalt  }
0x4f: {  	_ =	shalt  }
0x50: {  	_ =	shalt  }
0x51: {  	_ =	shalt  }
0x52: {  	_ =	shalt  }
0x53: {  	_ =	shalt  }
0x54: {  	_ =	shalt  }
0x55: {  	_ =	shalt  }
0x56: {  	_ =	shalt  }
0x57: {  	_ =	shalt  }
0x58: {  	_ =	shalt  }
0x59: {  	_ =	shalt  }
0x5a: {  	_ =	shalt  }
0x5b: {  	_ =	shalt  }
0x5c: {  	_ =	shalt  }
0x5d: {  	_ =	shalt  }
0x5e: {  	_ =	shalt  }
0x5f: {  	_ =	shalt  }
0x60: {  	_ =	shalt  }
0x61: {  	_ =	shalt  }
0x62: {  	_ =	shalt  }
0x63: {  	_ =	shalt  }
0x64: {  	_ =	shalt  }
0x65: {  	_ =	shalt  }
0x66: {  	_ =	shalt  }
0x67: {  	_ =	shalt  }
0x68: {  	_ =	shalt  }
0x69: {  	_ =	shalt  }
0x6a: {  	_ =	shalt  }
0x6b: {  	_ =	shalt  }
0x6c: {  	_ =	shalt  }
0x6d: {  	_ =	shalt  }
0x6e: {  	_ =	shalt  }
0x6f: {  	_ =	shalt  }
0x70: {  	_ =	shalt  }
0x71: {  	_ =	shalt  }
0x72: {  	_ =	shalt  }
0x73: {  	_ =	shalt  }
0x74: {  	_ =	shalt  }
0x75: {  	_ =	shalt  }
0x76: {  	_ =	shalt  }
0x77: {  	_ =	shalt  }
0x78: {  	_ =	shalt  }
0x79: {  	_ =	shalt  }
0x7a: {  	_ =	shalt  }
0x7b: {  	_ =	shalt  }
0x7c: {  	_ =	shalt  }
0x7d: {  	_ =	shalt  }
0x7e: {  	_ =	shalt  }
0x7f: {  	_ =	shalt  }
0x80: {  	_ =	shalt  }
0x81: {  	_ =	shalt  }
0x82: {  	_ =	shalt  }
0x83: {  	_ =	shalt  }
0x84: {  	_ =	shalt  }
0x85: {  	_ =	shalt  }
0x86: {  	_ =	shalt  }
0x87: {  	_ =	shalt  }
.Lfunc_end0:
.L_simem_size_0:
called_computation_lowered:
.L_overlay_start_0:
0x88: {  	s2 =	sld [smem:$0x3FD9]  }
0x89: {  	s3 =	sld [smem:$0x3FFE];
	_ =	sdelay $0x1  }
0x8a: {  	s1 =	srdreg.scid  }
0x8b: {  	s0 =	sand.u32 $0x1, s1  }
0x8c: {  	s16 =	sshll.u32 s0, $0xA;
	s2 =	sadd.s32 s3, s2  }
0x8d: {  	s2 =	sadd.s32 s2, s16  }
0x8e: {  	[smem:$0x3FC6] =	sst s2  }
0x8f: {  	_ = 	snop  }
0x90: {  	(tm) =	ssettm $0x1  }
0x91: {  	s17 =	sld [smem:$0x3FFB];
	_ =	sdelay $0x3  }
0x92: {  	_ =	strace s17  }
0x93: {  	s2 =	sld [smem:$0x3FFC];
	_ =	sdelay $0x3  }
0x94: {  	_ =	strace s2  }
0x95: {  	s2 =	sld [smem:$0x3FFD];
	_ =	sdelay $0x3  }
0x96: {  	_ =	strace s2  }
0x97: {  	_ =	strace $0x8FFFFFFF  }
0x98: {  	s18 =	sld [smem:$0x3FDB];
	_ =	sdelay $0x1  }
0x99: {  	s19 =	simm.s32 $_scs_section_size  }
0x9a: {  	s4 =	simm.s32 $_size__tile_overlayer_lowered;
	s5 =	simm.s32 $_tile_overlayer_lowered  }
0x9b: {  	s22 =	simm.s32 $0x1BFF;
	s21 =	sshll.u32 s5, $0x1;
	s2 =	sadd.s32 s19, s18  }
0x9c: {  	s6 =	simm.s32 $0x0;
	s20 =	sshll.u32 s4, $0x1;
	s4 =	sadd.s32 s21, s2  }
0x9d: {  	[timem:s6], [sflag:s22] =	dma.local [hbm:s4], s20  }
0x9e: {  	_ =	swait.ge [sflag:s22], s20  }
0x9f: {  	s3 =	ssub.s32 $0x0, s20;
	[sflag:s22] =	ssyncset.done $0x0  }
0xa0: {  	[sflag:s22] =	ssyncadd.s32 s3;
	_ =	sdelay $0x1  }
0xa1: {  	s23 =	simm.s32 $0x1B8B  }
0xa2: {  	_ =	swait.ge [sflag:s23], $0x1  }
0xa3: {  	[sflag:s23] =	ssyncset.done $0x0  }
0xa4: {  	s25 =	simm.s32 $0x1B8E;
	s24 =	sld [smem:$0x3FFE];
	[sflag:s23] =	ssyncadd.s32 $0xFFFFFFFF  }
0xa5: {  	s26 =	simm.s32 $execute0_lowered;
	[smem:$0x3FD2] =	sst s25  }
0xa6: {  	s4 =	sshll.u32 s26, $0x1;
	_ =	strace $0x80000046;
	[dreg:$0x1] =	wrdreg $0xFFFFFFFF  }
0xa7: {  	s28 =	simm.s32 $_size_execute0_lowered;
	s2 =	sadd.s32 s2, s4;
	[dreg:$0x0] =	wrdreg $0x0  }
0xa8: {  	s4 =	sshll.u32 s28, $0x1;
	[dreg:$0x2] =	wrdreg s2  }
0xa9: {  	[dreg:$0x3] =	wrdreg s4  }
0xaa: {  	[dreg:$0x4] =	wrdreg $0xC0  }
0xab: {  	_ =	task [dreg:s6], $0x5FFFF  }
0xac: {  	[dreg:$0x1] =	wrdreg $0xFFFFFFFF  }
0xad: {  	[dreg:$0x0] =	wrdreg $0x60  }
0xae: {  	[dreg:$0x2] =	wrdreg s24  }
0xaf: {  	[dreg:$0x3] =	wrdreg $0x9  }
0xb0: {  	_ =	task.clear_ibuf [dreg:s6], $0x4FFFF;
	_ =	strace $0x90000046  }
0xb1: {  	s29 =	simm.s32 $0x9;
	_ =	strace $0x80000048  }
0xb2: {  	_ =	swait.ge [sflag:s29], $0x1  }
0xb3: {  	[sflag:s29] =	ssyncadd.s32 $0xFFFFFFFF  }
0xb4: {  	_ =	strace $0x90000048  }
0xb5: {  	_ =	sfence  }
0xb6: {  	s30 =	sld [smem:$0x0];
	_ =	sdelay $0x2  }
0xb7: {  	s31 =	sshll.u32 s1, $0xD;
	s1 =	sshrl.u32 s1, $0x2  }
0xb8: {  	s3 =	sand.u32 $0x4000, s31;
	s1 =	sadd.s32 s1, s30  }
0xb9: {  	s0 =	sor.u32 s3, s0;
	s1 =	sshll.u32 s1, $0x11  }
0xba: {  	s0 =	sor.u32 s1, s0  }
0xbb: {  	s0 =	sadd.s32 $0x8F2B, s0  }
0xbc: {  	[sflag:s0] =	ssyncadd.remote.s32 $0x1  }
0xbd: {  	_ =	sfence.sel $0xFFFF  }
0xbe: {  	[dreg:$0x0] =	wrdreg $0xFFFFFFFF;
	(pc) =	sbr.abs _section_cstart, $3  }
0xbf: {  	[dreg:$0x1] =	wrdreg $0xFFFFFFFF  }
0xc0: {  	_ =	task.clear_ibuf [dreg:s6], $0x2FFFF;
	_ =	strace $0x9FFFFFFF  }
0xc1: {  	(tm) =	ssettm $0x7FFFFFFF  }
tec
execute0_lowered:
.L_overlay_start_1:
0x0: {  	(tag) =	ssettag $0x1  }
0x1: {  	s3 =	rddreg [dreg:$0x0]  }
0x2: {  	s0 =	rddreg [dreg:$0x1];
	s4 =	srdreg.scid  }
0x3: {  	s2 =	simm.s32 $0x0;
	s1 =	stileid.u32;
	s11 =	simm.s32 $0x8000  }
0x4: {  	s12 =	simm.s32 $0x2;
	s13 =	simm.s32 $0x80;
	s14 =	simm.s32 $0x400  }
0x5: {  	s15 =	simm.s32 $0x3;
	s4 =	sand.u32 $0x1, s4;
	[smem:$0x7FF] =	sst s2  }
0x6: {  	s5 =	sshll.u32 s1, $0xE;
	s28 =	sshll.u32 s1, $0x5;
	s29 =	sshll.u32 s1, $0xD  }
0x7: {  	s6 =	sshll.u32 s4, $0xD;
	_ =	strace $0x80000047;
	s25 =	ssub.s32 $0x2, s4  }
0x8: {  	s4 =	sshll.u32 s4, $0x4;
	s30 =	sand.u32 $0x60, s28;
	s10 =	sand.u32 $0x18000, s29  }
0x9: {  	s5 =	sor.u32 s6, s5;
	s26 =	sshrl.u32 s25, $0x1;
	s8 =	sadd.s32 s4, s3  }
0xa: {  	s7 =	sadd.s32 s5, s3;
	s9 =	ssub.s32 s25, s26;
	s8 =	sadd.s32 s30, s8  }
0xb: {  	s3 =	sadd.s32 $0xA00, s7;
	s4 =	sadd.s32 $0x1200, s7;
	s5 =	sadd.s32 $0x1A00, s7  }
0xc: {  	s6 =	sadd.s32 $0x2200, s7;
	s31 =	sadd.s32 s10, s8;
	s8 =	smax.u32 s9, $0x1  }
0xd: {  	v0 =	vimm.s32 $0x0;
	v1 =	vimm.s32 $0x1;
	s9 =	simm.s32 $0x4000;
	s10 =	simm.s32 $0x1;
	s7 =	sadd.s32 $0x40A00, s31  }
.LBB2_1:
0xe: {  	s16 =	simm.s32 $0x8080  }
0xf: {  	[tilespmem:s16+$0xFFFFFF80] =	vst v0  }
0x10: {  	[tilespmem:s16+$0x70] =	vst v0  }
0x11: {  	[tilespmem:s16+$0x60] =	vst v0  }
0x12: {  	[tilespmem:s16+$0x50] =	vst v0  }
0x13: {  	[tilespmem:s16+$0x40] =	vst v0  }
0x14: {  	[tilespmem:s16+$0x30] =	vst v0  }
0x15: {  	[tilespmem:s16+$0x20] =	vst v0  }
0x16: {  	[tilespmem:s16+$0x10] =	vst v0  }
0x17: {  	[tilespmem:s16+$0x0] =	vst v0  }
0x18: {  	[tilespmem:s16+$0xFFFFFFF0] =	vst v0  }
0x19: {  	[tilespmem:s16+$0xFFFFFFE0] =	vst v0  }
0x1a: {  	[tilespmem:s16+$0xFFFFFFD0] =	vst v0  }
0x1b: {  	[tilespmem:s16+$0xFFFFFFC0] =	vst v0  }
0x1c: {  	[tilespmem:s16+$0xFFFFFFB0] =	vst v0  }
0x1d: {  	s17 =	simm.s32 $0x0;
	[tilespmem:s16+$0xFFFFFFA0] =	vst v0  }
.LBB2_2:
0x1e: {  	s17 =	sadd.s32 $0x100, s17;
	[tilespmem:s16+$0xFFFFFF90] =	vst v0;
	s16 =	sadd.s32 $0x100, s16  }
0x1f: {  	[tilespmem:s16+$0xFFFFFF80] =	vst v0;
	p0 =	slt.u32 s17, $0x7F00  }
0x20: {  	[tilespmem:s16+$0x70] =	vst v0  }
0x21: {  	[tilespmem:s16+$0x60] =	vst v0  }
0x22: {  	[tilespmem:s16+$0x50] =	vst v0  }
0x23: {  	[tilespmem:s16+$0x40] =	vst v0  }
0x24: {  	[tilespmem:s16+$0x30] =	vst v0  }
0x25: {  	[tilespmem:s16+$0x20] =	vst v0  }
0x26: {  	[tilespmem:s16+$0x10] =	vst v0  }
0x27: {  	[tilespmem:s16+$0x0] =	vst v0  }
0x28: {  	[tilespmem:s16+$0xFFFFFFF0] =	vst v0  }
.Ltmp0:
0x29: {  	[tilespmem:s16+$0xFFFFFFE0] =	vst v0;
	(pc) =	sbr.rel @p0 .LBB2_2-.Ltmp0, $4  }
0x2a: {  	[tilespmem:s16+$0xFFFFFFD0] =	vst v0  }
0x2b: {  	[tilespmem:s16+$0xFFFFFFC0] =	vst v0  }
0x2c: {  	[tilespmem:s16+$0xFFFFFFB0] =	vst v0  }
0x2d: {  	[tilespmem:s16+$0xFFFFFFA0] =	vst v0  }
0x2e: {  	[tilespmem:s16+$0xFFFFFF90] =	vst v0;
	s30 =	simm.s32 $0x0  }
0x2f: {  	[tilespmem:s30], [sflag:$0x1] =	stream.linear.gather [hbm4b:s3+s30], $0x4000, $0x38;
	[tilespmem:$0x10000] =	vst v63  }
0x30: {  	_ = 	snop  }
0x31: {  	[tilespmem:s9], [sflag:$0x2] =	stream.linear.gather [hbm4b:s4+s30], $0x4000, $0x38;
	[tilespmem:$0x10000] =	vst v63  }
0x32: {  	s17 =	simm.s32 $0x0;
	_ =	swait.ge [sflag:s10], $0x4000  }
0x33: {  	s16 =	sand.u32 $0x380, s30;
	s17 =	sand.u32 $0x3000, s17;
	[sflag:s10] =	ssyncset.done $0x0  }
0x34: {  	s16 =	sor.u32 s16, s17;
	[sflag:s10] =	ssyncadd.s32 $0xFFFFC000  }
0x35: {  	v2 =	vld [tilespmem:s16+$0x800];
	_ =	sdelay $0x4  }
0x36: {  	v3 =	vand.u32 $0xFFFF, v2  }
0x37: {  	v4 =	vld [tilespmem:s16+$0x0];
	v2 =	vshrl.u32 v2, $0x10;
	_ =	sdelay $0x3  }
0x38: {  	[tilespmem:v3+s11+$0x0] =	vst.idx.add.s32.msk $0xffff, v1  }
0x39: {  	v3 =	vand.u32 $0xFFFF, v4;
	[tilespmem:v2+s11+$0x0] =	vst.idx.add.s32.msk $0xffff, v1  }
0x3a: {  	v2 =	vshrl.u32 v4, $0x10;
	v4 =	vld [tilespmem:s16+$0x810];
	_ =	sdelay $0x3  }
0x3b: {  	[tilespmem:v3+s11+$0x0] =	vst.idx.add.s32.msk $0xffff, v1  }
0x3c: {  	[tilespmem:v2+s11+$0x0] =	vst.idx.add.s32.msk $0xffff, v1;
	v2 =	vand.u32 $0xFFFF, v4  }
0x3d: {  	v3 =	vld [tilespmem:s16+$0x10];
	v4 =	vshrl.u32 v4, $0x10;
	_ =	sdelay $0x3  }
0x3e: {  	[tilespmem:v2+s11+$0x0] =	vst.idx.add.s32.msk $0xffff, v1  }
0x3f: {  	v2 =	vand.u32 $0xFFFF, v3;
	[tilespmem:v4+s11+$0x0] =	vst.idx.add.s32.msk $0xffff, v1  }
0x40: {  	v3 =	vshrl.u32 v3, $0x10;
	v4 =	vld [tilespmem:s16+$0x820];
	_ =	sdelay $0x3  }
0x41: {  	[tilespmem:v2+s11+$0x0] =	vst.idx.add.s32.msk $0xffff, v1  }
0x42: {  	[tilespmem:v3+s11+$0x0] =	vst.idx.add.s32.msk $0xffff, v1;
	v2 =	vand.u32 $0xFFFF, v4  }
0x43: {  	v3 =	vld [tilespmem:s16+$0x20];
	v4 =	vshrl.u32 v4, $0x10;
	_ =	sdelay $0x3  }
0x44: {  	[tilespmem:v2+s11+$0x0] =	vst.idx.add.s32.msk $0xffff, v1  }
0x45: {  	v2 =	vand.u32 $0xFFFF, v3;
	[tilespmem:v4+s11+$0x0] =	vst.idx.add.s32.msk $0xffff, v1  }
0x46: {  	v3 =	vshrl.u32 v3, $0x10;
	v4 =	vld [tilespmem:s16+$0x830];
	_ =	sdelay $0x3  }
0x47: {  	[tilespmem:v2+s11+$0x0] =	vst.idx.add.s32.msk $0xffff, v1  }
0x48: {  	[tilespmem:v3+s11+$0x0] =	vst.idx.add.s32.msk $0xffff, v1;
	v2 =	vand.u32 $0xFFFF, v4  }
0x49: {  	v3 =	vld [tilespmem:s16+$0x30];
	v4 =	vshrl.u32 v4, $0x10;
	_ =	sdelay $0x3  }
0x4a: {  	[tilespmem:v2+s11+$0x0] =	vst.idx.add.s32.msk $0xffff, v1  }
0x4b: {  	v2 =	vand.u32 $0xFFFF, v3;
	[tilespmem:v4+s11+$0x0] =	vst.idx.add.s32.msk $0xffff, v1  }
0x4c: {  	v3 =	vshrl.u32 v3, $0x10;
	v4 =	vld [tilespmem:s16+$0x840];
	_ =	sdelay $0x3  }
0x4d: {  	[tilespmem:v2+s11+$0x0] =	vst.idx.add.s32.msk $0xffff, v1  }
0x4e: {  	[tilespmem:v3+s11+$0x0] =	vst.idx.add.s32.msk $0xffff, v1;
	v2 =	vand.u32 $0xFFFF, v4  }
0x4f: {  	v3 =	vld [tilespmem:s16+$0x40];
	v4 =	vshrl.u32 v4, $0x10;
	_ =	sdelay $0x3  }
0x50: {  	[tilespmem:v2+s11+$0x0] =	vst.idx.add.s32.msk $0xffff, v1  }
0x51: {  	v2 =	vand.u32 $0xFFFF, v3;
	[tilespmem:v4+s11+$0x0] =	vst.idx.add.s32.msk $0xffff, v1  }
0x52: {  	v3 =	vshrl.u32 v3, $0x10;
	v4 =	vld [tilespmem:s16+$0x850];
	_ =	sdelay $0x3  }
0x53: {  	[tilespmem:v2+s11+$0x0] =	vst.idx.add.s32.msk $0xffff, v1  }
0x54: {  	[tilespmem:v3+s11+$0x0] =	vst.idx.add.s32.msk $0xffff, v1;
	v2 =	vand.u32 $0xFFFF, v4  }
0x55: {  	v3 =	vld [tilespmem:s16+$0x50];
	v4 =	vshrl.u32 v4, $0x10;
	_ =	sdelay $0x3  }
0x56: {  	[tilespmem:v2+s11+$0x0] =	vst.idx.add.s32.msk $0xffff, v1  }
0x57: {  	v2 =	vand.u32 $0xFFFF, v3;
	[tilespmem:v4+s11+$0x0] =	vst.idx.add.s32.msk $0xffff, v1  }
0x58: {  	v3 =	vshrl.u32 v3, $0x10;
	v4 =	vld [tilespmem:s16+$0x860];
	_ =	sdelay $0x3  }
0x59: {  	[tilespmem:v2+s11+$0x0] =	vst.idx.add.s32.msk $0xffff, v1  }
0x5a: {  	[tilespmem:v3+s11+$0x0] =	vst.idx.add.s32.msk $0xffff, v1;
	v2 =	vand.u32 $0xFFFF, v4  }
0x5b: {  	v3 =	vld [tilespmem:s16+$0x60];
	v4 =	vshrl.u32 v4, $0x10;
	_ =	sdelay $0x3  }
0x5c: {  	[tilespmem:v2+s11+$0x0] =	vst.idx.add.s32.msk $0xffff, v1  }
0x5d: {  	v2 =	vand.u32 $0xFFFF, v3;
	[tilespmem:v4+s11+$0x0] =	vst.idx.add.s32.msk $0xffff, v1  }
0x5e: {  	v3 =	vshrl.u32 v3, $0x10;
	v4 =	vld [tilespmem:s16+$0x870];
	_ =	sdelay $0x3  }
0x5f: {  	[tilespmem:v2+s11+$0x0] =	vst.idx.add.s32.msk $0xffff, v1  }
0x60: {  	[tilespmem:v3+s11+$0x0] =	vst.idx.add.s32.msk $0xffff, v1;
	v2 =	vand.u32 $0xFFFF, v4  }
0x61: {  	s18 =	simm.s32 $0x200;
	s19 =	simm.s32 $0x80;
	v3 =	vld [tilespmem:s16+$0x70];
	v4 =	vshrl.u32 v4, $0x10  }
0x62: {  	s31 =	sand.u32 $0x380, s19;
	s20 =	sand.u32 $0x3000, s18  }
0x63: {  	s17 =	sor.u32 s31, s20  }
0x64: {  	v5 =	vld [tilespmem:s17+$0x800]  }
0x65: {  	[tilespmem:v2+s11+$0x0] =	vst.idx.add.s32.msk $0xffff, v1  }
0x66: {  	v2 =	vand.u32 $0xFFFF, v3;
	[tilespmem:v4+s11+$0x0] =	vst.idx.add.s32.msk $0xffff, v1  }
0x67: {  	v3 =	vshrl.u32 v3, $0x10;
	v4 =	vld [tilespmem:s16+$0xC00];
	_ =	sdelay $0x1  }
0x68: {  	v6 =	vand.u32 $0xFFFF, v5  }
0x69: {  	v7 =	vld [tilespmem:s17+$0x0];
	v5 =	vshrl.u32 v5, $0x10  }
0x6a: {  	[tilespmem:v2+s11+$0x0] =	vst.idx.add.s32.msk $0xffff, v1  }
0x6b: {  	[tilespmem:v3+s11+$0x0] =	vst.idx.add.s32.msk $0xffff, v1;
	v2 =	vand.u32 $0xFFFF, v4  }
0x6c: {  	v3 =	vld [tilespmem:s16+$0x400];
	v4 =	vshrl.u32 v4, $0x10  }
0x6d: {  	[tilespmem:v6+s11+$0x0] =	vst.idx.add.s32.msk $0xffff, v1  }
0x6e: {  	v6 =	vand.u32 $0xFFFF, v7;
	[tilespmem:v5+s11+$0x0] =	vst.idx.add.s32.msk $0xffff, v1  }
0x6f: {  	v5 =	vshrl.u32 v7, $0x10;
	v7 =	vld [tilespmem:s17+$0x810]  }
0x70: {  	[tilespmem:v2+s11+$0x0] =	vst.idx.add.s32.msk $0xffff, v1  }
0x71: {  	v2 =	vand.u32 $0xFFFF, v3;
	[tilespmem:v4+s11+$0x0] =	vst.idx.add.s32.msk $0xffff, v1  }
0x72: {  	v3 =	vshrl.u32 v3, $0x10;
	v4 =	vld [tilespmem:s16+$0xC10]  }
0x73: {  	[tilespmem:v6+s11+$0x0] =	vst.idx.add.s32.msk $0xffff, v1  }
0x74: {  	[tilespmem:v5+s11+$0x0] =	vst.idx.add.s32.msk $0xffff, v1;
	v5 =	vand.u32 $0xFFFF, v7  }
0x75: {  	v6 =	vld [tilespmem:s17+$0x10];
	v7 =	vshrl.u32 v7, $0x10  }
0x76: {  	[tilespmem:v2+s11+$0x0] =	vst.idx.add.s32.msk $0xffff, v1  }
0x77: {  	[tilespmem:v3+s11+$0x0] =	vst.idx.add.s32.msk $0xffff, v1;
	v2 =	vand.u32 $0xFFFF, v4  }
0x78: {  	v3 =	vld [tilespmem:s16+$0x410];
	v4 =	vshrl.u32 v4, $0x10  }
0x79: {  	[tilespmem:v5+s11+$0x0] =	vst.idx.add.s32.msk $0xffff, v1  }
0x7a: {  	v5 =	vand.u32 $0xFFFF, v6;
	[tilespmem:v7+s11+$0x0] =	vst.idx.add.s32.msk $0xffff, v1  }
0x7b: {  	v6 =	vshrl.u32 v6, $0x10;
	v7 =	vld [tilespmem:s17+$0x820]  }
0x7c: {  	[tilespmem:v2+s11+$0x0] =	vst.idx.add.s32.msk $0xffff, v1  }
0x7d: {  	v2 =	vand.u32 $0xFFFF, v3;
	[tilespmem:v4+s11+$0x0] =	vst.idx.add.s32.msk $0xffff, v1  }
0x7e: {  	v3 =	vshrl.u32 v3, $0x10;
	v4 =	vld [tilespmem:s16+$0xC20]  }
0x7f: {  	[tilespmem:v5+s11+$0x0] =	vst.idx.add.s32.msk $0xffff, v1  }
0x80: {  	[tilespmem:v6+s11+$0x0] =	vst.idx.add.s32.msk $0xffff, v1;
	v5 =	vand.u32 $0xFFFF, v7  }
0x81: {  	v6 =	vld [tilespmem:s17+$0x20];
	v7 =	vshrl.u32 v7, $0x10  }
0x82: {  	[tilespmem:v2+s11+$0x0] =	vst.idx.add.s32.msk $0xffff, v1  }
0x83: {  	[tilespmem:v3+s11+$0x0] =	vst.idx.add.s32.msk $0xffff, v1;
	v2 =	vand.u32 $0xFFFF, v4  }
0x84: {  	v3 =	vld [tilespmem:s16+$0x420];
	v4 =	vshrl.u32 v4, $0x10  }
0x85: {  	[tilespmem:v5+s11+$0x0] =	vst.idx.add.s32.msk $0xffff, v1  }
0x86: {  	v5 =	vand.u32 $0xFFFF, v6;
	[tilespmem:v7+s11+$0x0] =	vst.idx.add.s32.msk $0xffff, v1  }
0x87: {  	v6 =	vshrl.u32 v6, $0x10;
	v7 =	vld [tilespmem:s17+$0x830]  }
0x88: {  	[tilespmem:v2+s11+$0x0] =	vst.idx.add.s32.msk $0xffff, v1  }
0x89: {  	v2 =	vand.u32 $0xFFFF, v3;
	[tilespmem:v4+s11+$0x0] =	vst.idx.add.s32.msk $0xffff, v1  }
0x8a: {  	v3 =	vshrl.u32 v3, $0x10;
	v4 =	vld [tilespmem:s16+$0xC30]  }
0x8b: {  	[tilespmem:v5+s11+$0x0] =	vst.idx.add.s32.msk $0xffff, v1  }
0x8c: {  	[tilespmem:v6+s11+$0x0] =	vst.idx.add.s32.msk $0xffff, v1;
	v5 =	vand.u32 $0xFFFF, v7  }
0x8d: {  	v6 =	vld [tilespmem:s17+$0x30];
	v7 =	vshrl.u32 v7, $0x10  }
0x8e: {  	[tilespmem:v2+s11+$0x0] =	vst.idx.add.s32.msk $0xffff, v1  }
0x8f: {  	[tilespmem:v3+s11+$0x0] =	vst.idx.add.s32.msk $0xffff, v1;
	v2 =	vand.u32 $0xFFFF, v4  }
0x90: {  	v3 =	vld [tilespmem:s16+$0x430];
	v4 =	vshrl.u32 v4, $0x10  }
0x91: {  	[tilespmem:v5+s11+$0x0] =	vst.idx.add.s32.msk $0xffff, v1  }
0x92: {  	v5 =	vand.u32 $0xFFFF, v6;
	[tilespmem:v7+s11+$0x0] =	vst.idx.add.s32.msk $0xffff, v1  }
0x93: {  	v6 =	vshrl.u32 v6, $0x10;
	v7 =	vld [tilespmem:s17+$0x840]  }
0x94: {  	[tilespmem:v2+s11+$0x0] =	vst.idx.add.s32.msk $0xffff, v1  }
0x95: {  	v2 =	vand.u32 $0xFFFF, v3;
	[tilespmem:v4+s11+$0x0] =	vst.idx.add.s32.msk $0xffff, v1  }
0x96: {  	v3 =	vshrl.u32 v3, $0x10;
	v4 =	vld [tilespmem:s16+$0xC40]  }
0x97: {  	[tilespmem:v5+s11+$0x0] =	vst.idx.add.s32.msk $0xffff, v1  }
0x98: {  	[tilespmem:v6+s11+$0x0] =	vst.idx.add.s32.msk $0xffff, v1;
	v5 =	vand.u32 $0xFFFF, v7  }
0x99: {  	v6 =	vld [tilespmem:s17+$0x40];
	v7 =	vshrl.u32 v7, $0x10  }
0x9a: {  	[tilespmem:v2+s11+$0x0] =	vst.idx.add.s32.msk $0xffff, v1  }
0x9b: {  	[tilespmem:v3+s11+$0x0] =	vst.idx.add.s32.msk $0xffff, v1;
	v2 =	vand.u32 $0xFFFF, v4  }
0x9c: {  	v3 =	vld [tilespmem:s16+$0x440];
	v4 =	vshrl.u32 v4, $0x10  }
0x9d: {  	[tilespmem:v5+s11+$0x0] =	vst.idx.add.s32.msk $0xffff, v1  }
0x9e: {  	v5 =	vand.u32 $0xFFFF, v6;
	[tilespmem:v7+s11+$0x0] =	vst.idx.add.s32.msk $0xffff, v1  }
0x9f: {  	v6 =	vshrl.u32 v6, $0x10;
	v7 =	vld [tilespmem:s17+$0x850]  }
0xa0: {  	[tilespmem:v2+s11+$0x0] =	vst.idx.add.s32.msk $0xffff, v1  }
0xa1: {  	v2 =	vand.u32 $0xFFFF, v3;
	[tilespmem:v4+s11+$0x0] =	vst.idx.add.s32.msk $0xffff, v1  }
0xa2: {  	v3 =	vshrl.u32 v3, $0x10;
	v4 =	vld [tilespmem:s16+$0xC50]  }
0xa3: {  	[tilespmem:v5+s11+$0x0] =	vst.idx.add.s32.msk $0xffff, v1  }
0xa4: {  	[tilespmem:v6+s11+$0x0] =	vst.idx.add.s32.msk $0xffff, v1;
	v5 =	vand.u32 $0xFFFF, v7  }
0xa5: {  	v6 =	vld [tilespmem:s17+$0x50];
	v7 =	vshrl.u32 v7, $0x10  }
0xa6: {  	[tilespmem:v2+s11+$0x0] =	vst.idx.add.s32.msk $0xffff, v1  }
0xa7: {  	[tilespmem:v3+s11+$0x0] =	vst.idx.add.s32.msk $0xffff, v1;
	v2 =	vand.u32 $0xFFFF, v4  }
0xa8: {  	v3 =	vld [tilespmem:s16+$0x450];
	v4 =	vshrl.u32 v4, $0x10  }
0xa9: {  	[tilespmem:v5+s11+$0x0] =	vst.idx.add.s32.msk $0xffff, v1  }
0xaa: {  	v5 =	vand.u32 $0xFFFF, v6;
	[tilespmem:v7+s11+$0x0] =	vst.idx.add.s32.msk $0xffff, v1  }
0xab: {  	v6 =	vshrl.u32 v6, $0x10;
	v7 =	vld [tilespmem:s17+$0x860]  }
0xac: {  	[tilespmem:v2+s11+$0x0] =	vst.idx.add.s32.msk $0xffff, v1  }
0xad: {  	v2 =	vand.u32 $0xFFFF, v3;
	[tilespmem:v4+s11+$0x0] =	vst.idx.add.s32.msk $0xffff, v1  }
0xae: {  	v3 =	vshrl.u32 v3, $0x10;
	v4 =	vld [tilespmem:s16+$0xC60]  }
0xaf: {  	[tilespmem:v5+s11+$0x0] =	vst.idx.add.s32.msk $0xffff, v1  }
0xb0: {  	[tilespmem:v6+s11+$0x0] =	vst.idx.add.s32.msk $0xffff, v1;
	v5 =	vand.u32 $0xFFFF, v7  }
0xb1: {  	v6 =	vld [tilespmem:s17+$0x60];
	v7 =	vshrl.u32 v7, $0x10  }
0xb2: {  	[tilespmem:v2+s11+$0x0] =	vst.idx.add.s32.msk $0xffff, v1  }
0xb3: {  	[tilespmem:v3+s11+$0x0] =	vst.idx.add.s32.msk $0xffff, v1;
	v2 =	vand.u32 $0xFFFF, v4  }
0xb4: {  	v3 =	vld [tilespmem:s16+$0x460];
	v4 =	vshrl.u32 v4, $0x10  }
0xb5: {  	[tilespmem:v5+s11+$0x0] =	vst.idx.add.s32.msk $0xffff, v1  }
0xb6: {  	v8 =	vand.u32 $0xFFFF, v6;
	[tilespmem:v7+s11+$0x0] =	vst.idx.add.s32.msk $0xffff, v1  }
0xb7: {  	v6 =	vshrl.u32 v6, $0x10;
	v5 =	vld [tilespmem:s17+$0x870]  }
0xb8: {  	[tilespmem:v2+s11+$0x0] =	vst.idx.add.s32.msk $0xffff, v1  }
0xb9: {  	[tilespmem:v4+s11+$0x0] =	vst.idx.add.s32.msk $0xffff, v1;
	v4 =	vand.u32 $0xFFFF, v3  }
0xba: {  	v3 =	vshrl.u32 v3, $0x10;
	v2 =	vld [tilespmem:s16+$0xC70]  }
0xbb: {  	[tilespmem:v8+s11+$0x0] =	vst.idx.add.s32.msk $0xffff, v1  }
0xbc: {  	[tilespmem:v6+s11+$0x0] =	vst.idx.add.s32.msk $0xffff, v1  }
0xbd: {  	v6 =	vld [tilespmem:s17+$0x70];
	v7 =	vand.u32 $0xFFFF, v5  }
.LBB2_4:
0xbe: {  	s18 =	sadd.s32 $0x200, s18;
	v5 =	vshrl.u32 v5, $0x10;
	s19 =	sadd.s32 $0x80, s19;
	[tilespmem:v4+s11+$0x0] =	vst.idx.add.s32.msk $0xffff, v1  }
0xbf: {  	s20 =	sand.u32 $0x380, s19;
	s21 =	sand.u32 $0x3000, s18;
	p0 =	slt.u32 s18, $0x3E00;
	[tilespmem:v3+s11+$0x0] =	vst.idx.add.s32.msk $0xffff, v1;
	v3 =	vand.u32 $0xFFFF, v2  }
0xc0: {  	v2 =	vshrl.u32 v2, $0x10;
	v4 =	vld [tilespmem:s16+$0x470];
	s16 =	smov.u32 s17;
	s17 =	sor.u32 s20, s21  }
0xc1: {  	v8 =	vld [tilespmem:s17+$0x800]  }
0xc2: {  	v9 =	vand.u32 $0xFFFF, v6;
	v6 =	vshrl.u32 v6, $0x10;
	[tilespmem:v7+s11+$0x0] =	vst.idx.add.s32.msk $0xffff, v1  }
0xc3: {  	[tilespmem:v5+s11+$0x0] =	vst.idx.add.s32.msk $0xffff, v1  }
0xc4: {  	[tilespmem:v3+s11+$0x0] =	vst.idx.add.s32.msk $0xffff, v1  }
0xc5: {  	v3 =	vand.u32 $0xFFFF, v4;
	v4 =	vshrl.u32 v4, $0x10;
	[tilespmem:v2+s11+$0x0] =	vst.idx.add.s32.msk $0xffff, v1  }
0xc6: {  	v2 =	vld [tilespmem:s16+$0xC00]  }
0xc7: {  	v5 =	vld [tilespmem:s17+$0x0]  }
0xc8: {  	v7 =	vand.u32 $0xFFFF, v8;
	[tilespmem:v9+s11+$0x0] =	vst.idx.add.s32.msk $0xffff, v1  }
0xc9: {  	v8 =	vshrl.u32 v8, $0x10;
	[tilespmem:v6+s11+$0x0] =	vst.idx.add.s32.msk $0xffff, v1  }
0xca: {  	v6 =	vld [tilespmem:s16+$0x400]  }
0xcb: {  	v9 =	vand.u32 $0xFFFF, v2;
	[tilespmem:v3+s11+$0x0] =	vst.idx.add.s32.msk $0xffff, v1  }
0xcc: {  	v2 =	vshrl.u32 v2, $0x10;
	v3 =	vand.u32 $0xFFFF, v5;
	v5 =	vshrl.u32 v5, $0x10;
	[tilespmem:v4+s11+$0x0] =	vst.idx.add.s32.msk $0xffff, v1  }
0xcd: {  	[tilespmem:v7+s11+$0x0] =	vst.idx.add.s32.msk $0xffff, v1  }
0xce: {  	[tilespmem:v8+s11+$0x0] =	vst.idx.add.s32.msk $0xffff, v1  }
0xcf: {  	v4 =	vld [tilespmem:s17+$0x810];
	v7 =	vand.u32 $0xFFFF, v6;
	v6 =	vshrl.u32 v6, $0x10  }
0xd0: {  	[tilespmem:v9+s11+$0x0] =	vst.idx.add.s32.msk $0xffff, v1  }
0xd1: {  	[tilespmem:v2+s11+$0x0] =	vst.idx.add.s32.msk $0xffff, v1  }
0xd2: {  	v2 =	vld [tilespmem:s16+$0xC10]  }
0xd3: {  	[tilespmem:v3+s11+$0x0] =	vst.idx.add.s32.msk $0xffff, v1  }
0xd4: {  	[tilespmem:v5+s11+$0x0] =	vst.idx.add.s32.msk $0xffff, v1;
	v3 =	vand.u32 $0xFFFF, v4  }
0xd5: {  	v4 =	vshrl.u32 v4, $0x10;
	v5 =	vld [tilespmem:s17+$0x10]  }
0xd6: {  	[tilespmem:v7+s11+$0x0] =	vst.idx.add.s32.msk $0xffff, v1  }
0xd7: {  	[tilespmem:v6+s11+$0x0] =	vst.idx.add.s32.msk $0xffff, v1;
	v6 =	vand.u32 $0xFFFF, v2  }
0xd8: {  	v2 =	vshrl.u32 v2, $0x10;
	v7 =	vld [tilespmem:s16+$0x410]  }
0xd9: {  	[tilespmem:v3+s11+$0x0] =	vst.idx.add.s32.msk $0xffff, v1  }
0xda: {  	v3 =	vand.u32 $0xFFFF, v5;
	v5 =	vshrl.u32 v5, $0x10;
	[tilespmem:v4+s11+$0x0] =	vst.idx.add.s32.msk $0xffff, v1  }
0xdb: {  	v4 =	vld [tilespmem:s17+$0x820]  }
0xdc: {  	[tilespmem:v6+s11+$0x0] =	vst.idx.add.s32.msk $0xffff, v1  }
0xdd: {  	v6 =	vand.u32 $0xFFFF, v7;
	v7 =	vshrl.u32 v7, $0x10;
	[tilespmem:v2+s11+$0x0] =	vst.idx.add.s32.msk $0xffff, v1  }
0xde: {  	v2 =	vld [tilespmem:s16+$0xC20]  }
0xdf: {  	[tilespmem:v3+s11+$0x0] =	vst.idx.add.s32.msk $0xffff, v1  }
0xe0: {  	[tilespmem:v5+s11+$0x0] =	vst.idx.add.s32.msk $0xffff, v1;
	v3 =	vand.u32 $0xFFFF, v4  }
0xe1: {  	v4 =	vshrl.u32 v4, $0x10;
	v5 =	vld [tilespmem:s17+$0x20]  }
0xe2: {  	[tilespmem:v6+s11+$0x0] =	vst.idx.add.s32.msk $0xffff, v1  }
0xe3: {  	[tilespmem:v7+s11+$0x0] =	vst.idx.add.s32.msk $0xffff, v1;
	v6 =	vand.u32 $0xFFFF, v2  }
0xe4: {  	v2 =	vshrl.u32 v2, $0x10;
	v7 =	vld [tilespmem:s16+$0x420]  }
0xe5: {  	[tilespmem:v3+s11+$0x0] =	vst.idx.add.s32.msk $0xffff, v1  }
0xe6: {  	v3 =	vand.u32 $0xFFFF, v5;
	v5 =	vshrl.u32 v5, $0x10;
	[tilespmem:v4+s11+$0x0] =	vst.idx.add.s32.msk $0xffff, v1  }
0xe7: {  	v4 =	vld [tilespmem:s17+$0x830]  }
0xe8: {  	[tilespmem:v6+s11+$0x0] =	vst.idx.add.s32.msk $0xffff, v1  }
0xe9: {  	v6 =	vand.u32 $0xFFFF, v7;
	v7 =	vshrl.u32 v7, $0x10;
	[tilespmem:v2+s11+$0x0] =	vst.idx.add.s32.msk $0xffff, v1  }
0xea: {  	v2 =	vld [tilespmem:s16+$0xC30]  }
0xeb: {  	[tilespmem:v3+s11+$0x0] =	vst.idx.add.s32.msk $0xffff, v1  }
0xec: {  	[tilespmem:v5+s11+$0x0] =	vst.idx.add.s32.msk $0xffff, v1;
	v3 =	vand.u32 $0xFFFF, v4  }
0xed: {  	v4 =	vshrl.u32 v4, $0x10;
	v5 =	vld [tilespmem:s17+$0x30]  }
0xee: {  	[tilespmem:v6+s11+$0x0] =	vst.idx.add.s32.msk $0xffff, v1  }
0xef: {  	[tilespmem:v7+s11+$0x0] =	vst.idx.add.s32.msk $0xffff, v1;
	v6 =	vand.u32 $0xFFFF, v2  }
0xf0: {  	v2 =	vshrl.u32 v2, $0x10;
	v7 =	vld [tilespmem:s16+$0x430]  }
0xf1: {  	[tilespmem:v3+s11+$0x0] =	vst.idx.add.s32.msk $0xffff, v1  }
0xf2: {  	v3 =	vand.u32 $0xFFFF, v5;
	v5 =	vshrl.u32 v5, $0x10;
	[tilespmem:v4+s11+$0x0] =	vst.idx.add.s32.msk $0xffff, v1  }
0xf3: {  	v4 =	vld [tilespmem:s17+$0x840]  }
0xf4: {  	[tilespmem:v6+s11+$0x0] =	vst.idx.add.s32.msk $0xffff, v1  }
0xf5: {  	v6 =	vand.u32 $0xFFFF, v7;
	v7 =	vshrl.u32 v7, $0x10;
	[tilespmem:v2+s11+$0x0] =	vst.idx.add.s32.msk $0xffff, v1  }
0xf6: {  	v2 =	vld [tilespmem:s16+$0xC40]  }
0xf7: {  	[tilespmem:v3+s11+$0x0] =	vst.idx.add.s32.msk $0xffff, v1  }
0xf8: {  	[tilespmem:v5+s11+$0x0] =	vst.idx.add.s32.msk $0xffff, v1;
	v3 =	vand.u32 $0xFFFF, v4  }
0xf9: {  	v4 =	vshrl.u32 v4, $0x10;
	v5 =	vld [tilespmem:s17+$0x40]  }
0xfa: {  	[tilespmem:v6+s11+$0x0] =	vst.idx.add.s32.msk $0xffff, v1  }
0xfb: {  	[tilespmem:v7+s11+$0x0] =	vst.idx.add.s32.msk $0xffff, v1;
	v6 =	vand.u32 $0xFFFF, v2  }
0xfc: {  	v2 =	vshrl.u32 v2, $0x10;
	v7 =	vld [tilespmem:s16+$0x440]  }
0xfd: {  	[tilespmem:v3+s11+$0x0] =	vst.idx.add.s32.msk $0xffff, v1  }
0xfe: {  	v3 =	vand.u32 $0xFFFF, v5;
	v5 =	vshrl.u32 v5, $0x10;
	[tilespmem:v4+s11+$0x0] =	vst.idx.add.s32.msk $0xffff, v1  }
0xff: {  	v4 =	vld [tilespmem:s17+$0x850]  }
0x100: {  	[tilespmem:v6+s11+$0x0] =	vst.idx.add.s32.msk $0xffff, v1  }
0x101: {  	v6 =	vand.u32 $0xFFFF, v7;
	v7 =	vshrl.u32 v7, $0x10;
	[tilespmem:v2+s11+$0x0] =	vst.idx.add.s32.msk $0xffff, v1  }
0x102: {  	v2 =	vld [tilespmem:s16+$0xC50]  }
0x103: {  	[tilespmem:v3+s11+$0x0] =	vst.idx.add.s32.msk $0xffff, v1  }
0x104: {  	[tilespmem:v5+s11+$0x0] =	vst.idx.add.s32.msk $0xffff, v1;
	v3 =	vand.u32 $0xFFFF, v4  }
0x105: {  	v4 =	vshrl.u32 v4, $0x10;
	v5 =	vld [tilespmem:s17+$0x50]  }
0x106: {  	[tilespmem:v6+s11+$0x0] =	vst.idx.add.s32.msk $0xffff, v1  }
0x107: {  	[tilespmem:v7+s11+$0x0] =	vst.idx.add.s32.msk $0xffff, v1;
	v6 =	vand.u32 $0xFFFF, v2  }
0x108: {  	v2 =	vshrl.u32 v2, $0x10;
	v7 =	vld [tilespmem:s16+$0x450]  }
0x109: {  	[tilespmem:v3+s11+$0x0] =	vst.idx.add.s32.msk $0xffff, v1  }
0x10a: {  	v3 =	vand.u32 $0xFFFF, v5;
	v5 =	vshrl.u32 v5, $0x10;
	[tilespmem:v4+s11+$0x0] =	vst.idx.add.s32.msk $0xffff, v1  }
0x10b: {  	v4 =	vld [tilespmem:s17+$0x860]  }
0x10c: {  	[tilespmem:v6+s11+$0x0] =	vst.idx.add.s32.msk $0xffff, v1  }
0x10d: {  	v6 =	vand.u32 $0xFFFF, v7;
	v7 =	vshrl.u32 v7, $0x10;
	[tilespmem:v2+s11+$0x0] =	vst.idx.add.s32.msk $0xffff, v1  }
0x10e: {  	v2 =	vld [tilespmem:s16+$0xC60]  }
0x10f: {  	[tilespmem:v3+s11+$0x0] =	vst.idx.add.s32.msk $0xffff, v1  }
0x110: {  	[tilespmem:v5+s11+$0x0] =	vst.idx.add.s32.msk $0xffff, v1;
	v3 =	vand.u32 $0xFFFF, v4  }
0x111: {  	v4 =	vshrl.u32 v4, $0x10;
	v5 =	vld [tilespmem:s17+$0x60]  }
0x112: {  	[tilespmem:v6+s11+$0x0] =	vst.idx.add.s32.msk $0xffff, v1  }
0x113: {  	[tilespmem:v7+s11+$0x0] =	vst.idx.add.s32.msk $0xffff, v1;
	v6 =	vand.u32 $0xFFFF, v2  }
0x114: {  	v2 =	vshrl.u32 v2, $0x10;
	v7 =	vld [tilespmem:s16+$0x460]  }
0x115: {  	[tilespmem:v3+s11+$0x0] =	vst.idx.add.s32.msk $0xffff, v1  }
0x116: {  	v8 =	vand.u32 $0xFFFF, v5;
	v9 =	vshrl.u32 v5, $0x10;
	[tilespmem:v4+s11+$0x0] =	vst.idx.add.s32.msk $0xffff, v1  }
0x117: {  	v5 =	vld [tilespmem:s17+$0x870]  }
0x118: {  	[tilespmem:v6+s11+$0x0] =	vst.idx.add.s32.msk $0xffff, v1  }
.Ltmp1:
0x119: {  	v4 =	vand.u32 $0xFFFF, v7;
	v3 =	vshrl.u32 v7, $0x10;
	[tilespmem:v2+s11+$0x0] =	vst.idx.add.s32.msk $0xffff, v1;
	(pc) =	sbr.rel @p0 .LBB2_4-.Ltmp1, $4  }
0x11a: {  	v2 =	vld [tilespmem:s16+$0xC70]  }
0x11b: {  	[tilespmem:v8+s11+$0x0] =	vst.idx.add.s32.msk $0xffff, v1  }
0x11c: {  	[tilespmem:v9+s11+$0x0] =	vst.idx.add.s32.msk $0xffff, v1  }
0x11d: {  	v7 =	vand.u32 $0xFFFF, v5;
	v6 =	vld [tilespmem:s17+$0x70]  }
0x11e: {  	_ =	sdelay $0x1  }
0x11f: {  	v5 =	vshrl.u32 v5, $0x10;
	_ =	sdelay $0x1  }
0x120: {  	v8 =	vand.u32 $0xFFFF, v6  }
0x121: {  	v6 =	vshrl.u32 v6, $0x10  }
0x122: {  	[tilespmem:v7+s11+$0x0] =	vst.idx.add.s32.msk $0xffff, v1  }
0x123: {  	[tilespmem:v5+s11+$0x0] =	vst.idx.add.s32.msk $0xffff, v1  }
0x124: {  	v5 =	vld [tilespmem:s17+$0xC00]  }
0x125: {  	[tilespmem:v8+s11+$0x0] =	vst.idx.add.s32.msk $0xffff, v1  }
0x126: {  	[tilespmem:v6+s11+$0x0] =	vst.idx.add.s32.msk $0xffff, v1  }
0x127: {  	v6 =	vld [tilespmem:s17+$0x400];
	_ =	sdelay $0x1  }
0x128: {  	v7 =	vand.u32 $0xFFFF, v5  }
0x129: {  	v5 =	vshrl.u32 v5, $0x10;
	_ =	sdelay $0x1  }
0x12a: {  	v8 =	vand.u32 $0xFFFF, v6  }
0x12b: {  	v6 =	vshrl.u32 v6, $0x10  }
0x12c: {  	[tilespmem:v7+s11+$0x0] =	vst.idx.add.s32.msk $0xffff, v1  }
0x12d: {  	[tilespmem:v5+s11+$0x0] =	vst.idx.add.s32.msk $0xffff, v1  }
0x12e: {  	v5 =	vld [tilespmem:s17+$0xC10]  }
0x12f: {  	[tilespmem:v8+s11+$0x0] =	vst.idx.add.s32.msk $0xffff, v1  }
0x130: {  	[tilespmem:v6+s11+$0x0] =	vst.idx.add.s32.msk $0xffff, v1  }
0x131: {  	v6 =	vld [tilespmem:s17+$0x410];
	_ =	sdelay $0x1  }
0x132: {  	v7 =	vand.u32 $0xFFFF, v5  }
0x133: {  	v5 =	vshrl.u32 v5, $0x10;
	_ =	sdelay $0x1  }
0x134: {  	v8 =	vand.u32 $0xFFFF, v6  }
0x135: {  	v6 =	vshrl.u32 v6, $0x10  }
0x136: {  	[tilespmem:v7+s11+$0x0] =	vst.idx.add.s32.msk $0xffff, v1  }
0x137: {  	[tilespmem:v5+s11+$0x0] =	vst.idx.add.s32.msk $0xffff, v1  }
0x138: {  	v5 =	vld [tilespmem:s17+$0xC20]  }
0x139: {  	[tilespmem:v8+s11+$0x0] =	vst.idx.add.s32.msk $0xffff, v1  }
0x13a: {  	[tilespmem:v6+s11+$0x0] =	vst.idx.add.s32.msk $0xffff, v1  }
0x13b: {  	v6 =	vld [tilespmem:s17+$0x420];
	_ =	sdelay $0x1  }
0x13c: {  	v7 =	vand.u32 $0xFFFF, v5  }
0x13d: {  	v5 =	vshrl.u32 v5, $0x10;
	_ =	sdelay $0x1  }
0x13e: {  	v8 =	vand.u32 $0xFFFF, v6  }
0x13f: {  	v6 =	vshrl.u32 v6, $0x10  }
0x140: {  	[tilespmem:v7+s11+$0x0] =	vst.idx.add.s32.msk $0xffff, v1  }
0x141: {  	[tilespmem:v5+s11+$0x0] =	vst.idx.add.s32.msk $0xffff, v1  }
0x142: {  	v5 =	vld [tilespmem:s17+$0xC30]  }
0x143: {  	[tilespmem:v8+s11+$0x0] =	vst.idx.add.s32.msk $0xffff, v1  }
0x144: {  	[tilespmem:v6+s11+$0x0] =	vst.idx.add.s32.msk $0xffff, v1  }
0x145: {  	v6 =	vld [tilespmem:s17+$0x430];
	_ =	sdelay $0x1  }
0x146: {  	v7 =	vand.u32 $0xFFFF, v5  }
0x147: {  	v5 =	vshrl.u32 v5, $0x10;
	_ =	sdelay $0x1  }
0x148: {  	v8 =	vand.u32 $0xFFFF, v6  }
0x149: {  	v6 =	vshrl.u32 v6, $0x10  }
0x14a: {  	[tilespmem:v7+s11+$0x0] =	vst.idx.add.s32.msk $0xffff, v1  }
0x14b: {  	[tilespmem:v5+s11+$0x0] =	vst.idx.add.s32.msk $0xffff, v1  }
0x14c: {  	v5 =	vld [tilespmem:s17+$0xC40]  }
0x14d: {  	[tilespmem:v8+s11+$0x0] =	vst.idx.add.s32.msk $0xffff, v1  }
0x14e: {  	[tilespmem:v6+s11+$0x0] =	vst.idx.add.s32.msk $0xffff, v1  }
0x14f: {  	v6 =	vld [tilespmem:s17+$0x440];
	_ =	sdelay $0x1  }
0x150: {  	v7 =	vand.u32 $0xFFFF, v5  }
0x151: {  	v5 =	vshrl.u32 v5, $0x10;
	_ =	sdelay $0x1  }
0x152: {  	v8 =	vand.u32 $0xFFFF, v6  }
0x153: {  	v6 =	vshrl.u32 v6, $0x10  }
0x154: {  	[tilespmem:v7+s11+$0x0] =	vst.idx.add.s32.msk $0xffff, v1  }
0x155: {  	[tilespmem:v5+s11+$0x0] =	vst.idx.add.s32.msk $0xffff, v1  }
0x156: {  	v5 =	vld [tilespmem:s17+$0xC50]  }
0x157: {  	[tilespmem:v8+s11+$0x0] =	vst.idx.add.s32.msk $0xffff, v1  }
0x158: {  	[tilespmem:v6+s11+$0x0] =	vst.idx.add.s32.msk $0xffff, v1  }
0x159: {  	v6 =	vld [tilespmem:s17+$0x450];
	_ =	sdelay $0x1  }
0x15a: {  	v7 =	vand.u32 $0xFFFF, v5  }
0x15b: {  	v5 =	vshrl.u32 v5, $0x10;
	_ =	sdelay $0x1  }
0x15c: {  	v8 =	vand.u32 $0xFFFF, v6  }
0x15d: {  	v6 =	vshrl.u32 v6, $0x10  }
0x15e: {  	[tilespmem:v7+s11+$0x0] =	vst.idx.add.s32.msk $0xffff, v1  }
0x15f: {  	[tilespmem:v5+s11+$0x0] =	vst.idx.add.s32.msk $0xffff, v1  }
0x160: {  	v5 =	vld [tilespmem:s17+$0xC60]  }
0x161: {  	[tilespmem:v8+s11+$0x0] =	vst.idx.add.s32.msk $0xffff, v1  }
0x162: {  	[tilespmem:v6+s11+$0x0] =	vst.idx.add.s32.msk $0xffff, v1  }
0x163: {  	v6 =	vld [tilespmem:s17+$0x460];
	_ =	sdelay $0x1  }
0x164: {  	v7 =	vand.u32 $0xFFFF, v5  }
0x165: {  	v5 =	vshrl.u32 v5, $0x10  }
0x166: {  	[tilespmem:v4+s11+$0x0] =	vst.idx.add.s32.msk $0xffff, v1  }
0x167: {  	[tilespmem:v3+s11+$0x0] =	vst.idx.add.s32.msk $0xffff, v1;
	v3 =	vand.u32 $0xFFFF, v6  }
0x168: {  	v4 =	vld [tilespmem:s16+$0x470];
	v6 =	vshrl.u32 v6, $0x10  }
0x169: {  	[tilespmem:v7+s11+$0x0] =	vst.idx.add.s32.msk $0xffff, v1  }
0x16a: {  	[tilespmem:v5+s11+$0x0] =	vst.idx.add.s32.msk $0xffff, v1  }
0x16b: {  	v5 =	vld [tilespmem:s17+$0xC70]  }
0x16c: {  	[tilespmem:v3+s11+$0x0] =	vst.idx.add.s32.msk $0xffff, v1  }
0x16d: {  	v3 =	vand.u32 $0xFFFF, v2;
	[tilespmem:v6+s11+$0x0] =	vst.idx.add.s32.msk $0xffff, v1  }
0x16e: {  	v2 =	vshrl.u32 v2, $0x10;
	v6 =	vld [tilespmem:s17+$0x470]  }
0x16f: {  	v7 =	vand.u32 $0xFFFF, v4  }
0x170: {  	v4 =	vshrl.u32 v4, $0x10  }
0x171: {  	v8 =	vand.u32 $0xFFFF, v5  }
0x172: {  	[tilespmem:v3+s11+$0x0] =	vst.idx.add.s32.msk $0xffff, v1;
	v3 =	vshrl.u32 v5, $0x10  }
0x173: {  	[tilespmem:v2+s11+$0x0] =	vst.idx.add.s32.msk $0xffff, v1;
	v2 =	vand.u32 $0xFFFF, v6  }
0x174: {  	[tilespmem:v7+s11+$0x0] =	vst.idx.add.s32.msk $0xffff, v1;
	v5 =	vshrl.u32 v6, $0x10  }
0x175: {  	[tilespmem:v4+s11+$0x0] =	vst.idx.add.s32.msk $0xffff, v1  }
0x176: {  	[tilespmem:v8+s11+$0x0] =	vst.idx.add.s32.msk $0xffff, v1  }
0x177: {  	[tilespmem:v3+s11+$0x0] =	vst.idx.add.s32.msk $0xffff, v1  }
0x178: {  	[tilespmem:v2+s11+$0x0] =	vst.idx.add.s32.msk $0xffff, v1  }
0x179: {  	s29 =	simm.s32 $0x0;
	[tilespmem:v5+s11+$0x0] =	vst.idx.add.s32.msk $0xffff, v1  }
0x17a: {  	[tilespmem:s29], [sflag:$0x1] =	stream.linear.gather [hbm4b:s5+s29], $0x4000, $0x38;
	[tilespmem:$0x10000] =	vst v63  }
0x17b: {  	s30 =	simm.s32 $0x0;
	_ =	swait.ge [sflag:s12], $0x4000  }
0x17c: {  	s16 =	sand.u32 $0x380, s29;
	s17 =	sand.u32 $0x3000, s30;
	[sflag:s12] =	ssyncset.done $0x0  }
0x17d: {  	s16 =	sor.u32 s16, s17;
	[sflag:s12] =	ssyncadd.s32 $0xFFFFC000  }
0x17e: {  	v2 =	vld [tilespmem:s16+$0x4800];
	_ =	sdelay $0x4  }
0x17f: {  	v3 =	vand.u32 $0xFFFF, v2  }
0x180: {  	v4 =	vld [tilespmem:s16+$0x4000];
	v2 =	vshrl.u32 v2, $0x10;
	_ =	sdelay $0x3  }
0x181: {  	[tilespmem:v3+s11+$0x0] =	vst.idx.add.s32.msk $0xffff, v1  }
0x182: {  	v3 =	vand.u32 $0xFFFF, v4;
	[tilespmem:v2+s11+$0x0] =	vst.idx.add.s32.msk $0xffff, v1  }
0x183: {  	v2 =	vshrl.u32 v4, $0x10;
	v4 =	vld [tilespmem:s16+$0x4810];
	_ =	sdelay $0x3  }
0x184: {  	[tilespmem:v3+s11+$0x0] =	vst.idx.add.s32.msk $0xffff, v1  }
0x185: {  	[tilespmem:v2+s11+$0x0] =	vst.idx.add.s32.msk $0xffff, v1;
	v2 =	vand.u32 $0xFFFF, v4  }
0x186: {  	v3 =	vld [tilespmem:s16+$0x4010];
	v4 =	vshrl.u32 v4, $0x10;
	_ =	sdelay $0x3  }
0x187: {  	[tilespmem:v2+s11+$0x0] =	vst.idx.add.s32.msk $0xffff, v1  }
0x188: {  	v2 =	vand.u32 $0xFFFF, v3;
	[tilespmem:v4+s11+$0x0] =	vst.idx.add.s32.msk $0xffff, v1  }
0x189: {  	v3 =	vshrl.u32 v3, $0x10;
	v4 =	vld [tilespmem:s16+$0x4820];
	_ =	sdelay $0x3  }
0x18a: {  	[tilespmem:v2+s11+$0x0] =	vst.idx.add.s32.msk $0xffff, v1  }
0x18b: {  	[tilespmem:v3+s11+$0x0] =	vst.idx.add.s32.msk $0xffff, v1;
	v2 =	vand.u32 $0xFFFF, v4  }
0x18c: {  	v3 =	vld [tilespmem:s16+$0x4020];
	v4 =	vshrl.u32 v4, $0x10;
	_ =	sdelay $0x3  }
0x18d: {  	[tilespmem:v2+s11+$0x0] =	vst.idx.add.s32.msk $0xffff, v1  }
0x18e: {  	v2 =	vand.u32 $0xFFFF, v3;
	[tilespmem:v4+s11+$0x0] =	vst.idx.add.s32.msk $0xffff, v1  }
0x18f: {  	v3 =	vshrl.u32 v3, $0x10;
	v4 =	vld [tilespmem:s16+$0x4830];
	_ =	sdelay $0x3  }
0x190: {  	[tilespmem:v2+s11+$0x0] =	vst.idx.add.s32.msk $0xffff, v1  }
0x191: {  	[tilespmem:v3+s11+$0x0] =	vst.idx.add.s32.msk $0xffff, v1;
	v2 =	vand.u32 $0xFFFF, v4  }
0x192: {  	v3 =	vld [tilespmem:s16+$0x4030];
	v4 =	vshrl.u32 v4, $0x10;
	_ =	sdelay $0x3  }
0x193: {  	[tilespmem:v2+s11+$0x0] =	vst.idx.add.s32.msk $0xffff, v1  }
0x194: {  	v2 =	vand.u32 $0xFFFF, v3;
	[tilespmem:v4+s11+$0x0] =	vst.idx.add.s32.msk $0xffff, v1  }
0x195: {  	v3 =	vshrl.u32 v3, $0x10;
	v4 =	vld [tilespmem:s16+$0x4840];
	_ =	sdelay $0x3  }
0x196: {  	[tilespmem:v2+s11+$0x0] =	vst.idx.add.s32.msk $0xffff, v1  }
0x197: {  	[tilespmem:v3+s11+$0x0] =	vst.idx.add.s32.msk $0xffff, v1;
	v2 =	vand.u32 $0xFFFF, v4  }
0x198: {  	v3 =	vld [tilespmem:s16+$0x4040];
	v4 =	vshrl.u32 v4, $0x10;
	_ =	sdelay $0x3  }
0x199: {  	[tilespmem:v2+s11+$0x0] =	vst.idx.add.s32.msk $0xffff, v1  }
0x19a: {  	v2 =	vand.u32 $0xFFFF, v3;
	[tilespmem:v4+s11+$0x0] =	vst.idx.add.s32.msk $0xffff, v1  }
0x19b: {  	v3 =	vshrl.u32 v3, $0x10;
	v4 =	vld [tilespmem:s16+$0x4850];
	_ =	sdelay $0x3  }
0x19c: {  	[tilespmem:v2+s11+$0x0] =	vst.idx.add.s32.msk $0xffff, v1  }
0x19d: {  	[tilespmem:v3+s11+$0x0] =	vst.idx.add.s32.msk $0xffff, v1;
	v2 =	vand.u32 $0xFFFF, v4  }
0x19e: {  	v3 =	vld [tilespmem:s16+$0x4050];
	v4 =	vshrl.u32 v4, $0x10;
	_ =	sdelay $0x3  }
0x19f: {  	[tilespmem:v2+s11+$0x0] =	vst.idx.add.s32.msk $0xffff, v1  }
0x1a0: {  	v2 =	vand.u32 $0xFFFF, v3;
	[tilespmem:v4+s11+$0x0] =	vst.idx.add.s32.msk $0xffff, v1  }
0x1a1: {  	v3 =	vshrl.u32 v3, $0x10;
	v4 =	vld [tilespmem:s16+$0x4860];
	_ =	sdelay $0x3  }
0x1a2: {  	[tilespmem:v2+s11+$0x0] =	vst.idx.add.s32.msk $0xffff, v1  }
0x1a3: {  	[tilespmem:v3+s11+$0x0] =	vst.idx.add.s32.msk $0xffff, v1;
	v2 =	vand.u32 $0xFFFF, v4  }
0x1a4: {  	v3 =	vld [tilespmem:s16+$0x4060];
	v4 =	vshrl.u32 v4, $0x10;
	_ =	sdelay $0x3  }
0x1a5: {  	[tilespmem:v2+s11+$0x0] =	vst.idx.add.s32.msk $0xffff, v1  }
0x1a6: {  	v2 =	vand.u32 $0xFFFF, v3;
	[tilespmem:v4+s11+$0x0] =	vst.idx.add.s32.msk $0xffff, v1  }
0x1a7: {  	v3 =	vshrl.u32 v3, $0x10;
	v4 =	vld [tilespmem:s16+$0x4870];
	_ =	sdelay $0x3  }
0x1a8: {  	[tilespmem:v2+s11+$0x0] =	vst.idx.add.s32.msk $0xffff, v1  }
0x1a9: {  	[tilespmem:v3+s11+$0x0] =	vst.idx.add.s32.msk $0xffff, v1;
	v2 =	vand.u32 $0xFFFF, v4  }
0x1aa: {  	s18 =	simm.s32 $0x200;
	s19 =	simm.s32 $0x80;
	v3 =	vld [tilespmem:s16+$0x4070];
	v4 =	vshrl.u32 v4, $0x10  }
0x1ab: {  	s31 =	sand.u32 $0x380, s19;
	s20 =	sand.u32 $0x3000, s18  }
0x1ac: {  	s17 =	sor.u32 s31, s20  }
0x1ad: {  	v5 =	vld [tilespmem:s17+$0x4800]  }
0x1ae: {  	[tilespmem:v2+s11+$0x0] =	vst.idx.add.s32.msk $0xffff, v1  }
0x1af: {  	v2 =	vand.u32 $0xFFFF, v3;
	[tilespmem:v4+s11+$0x0] =	vst.idx.add.s32.msk $0xffff, v1  }
0x1b0: {  	v3 =	vshrl.u32 v3, $0x10;
	v4 =	vld [tilespmem:s16+$0x4C00];
	_ =	sdelay $0x1  }
0x1b1: {  	v6 =	vand.u32 $0xFFFF, v5  }
0x1b2: {  	v7 =	vld [tilespmem:s17+$0x4000];
	v5 =	vshrl.u32 v5, $0x10  }
0x1b3: {  	[tilespmem:v2+s11+$0x0] =	vst.idx.add.s32.msk $0xffff, v1  }
0x1b4: {  	[tilespmem:v3+s11+$0x0] =	vst.idx.add.s32.msk $0xffff, v1;
	v2 =	vand.u32 $0xFFFF, v4  }
0x1b5: {  	v3 =	vld [tilespmem:s16+$0x4400];
	v4 =	vshrl.u32 v4, $0x10  }
0x1b6: {  	[tilespmem:v6+s11+$0x0] =	vst.idx.add.s32.msk $0xffff, v1  }
0x1b7: {  	v6 =	vand.u32 $0xFFFF, v7;
	[tilespmem:v5+s11+$0x0] =	vst.idx.add.s32.msk $0xffff, v1  }
0x1b8: {  	v5 =	vshrl.u32 v7, $0x10;
	v7 =	vld [tilespmem:s17+$0x4810]  }
0x1b9: {  	[tilespmem:v2+s11+$0x0] =	vst.idx.add.s32.msk $0xffff, v1  }
0x1ba: {  	v2 =	vand.u32 $0xFFFF, v3;
	[tilespmem:v4+s11+$0x0] =	vst.idx.add.s32.msk $0xffff, v1  }
0x1bb: {  	v3 =	vshrl.u32 v3, $0x10;
	v4 =	vld [tilespmem:s16+$0x4C10]  }
0x1bc: {  	[tilespmem:v6+s11+$0x0] =	vst.idx.add.s32.msk $0xffff, v1  }
0x1bd: {  	[tilespmem:v5+s11+$0x0] =	vst.idx.add.s32.msk $0xffff, v1;
	v5 =	vand.u32 $0xFFFF, v7  }
0x1be: {  	v6 =	vld [tilespmem:s17+$0x4010];
	v7 =	vshrl.u32 v7, $0x10  }
0x1bf: {  	[tilespmem:v2+s11+$0x0] =	vst.idx.add.s32.msk $0xffff, v1  }
0x1c0: {  	[tilespmem:v3+s11+$0x0] =	vst.idx.add.s32.msk $0xffff, v1;
	v2 =	vand.u32 $0xFFFF, v4  }
0x1c1: {  	v3 =	vld [tilespmem:s16+$0x4410];
	v4 =	vshrl.u32 v4, $0x10  }
0x1c2: {  	[tilespmem:v5+s11+$0x0] =	vst.idx.add.s32.msk $0xffff, v1  }
0x1c3: {  	v5 =	vand.u32 $0xFFFF, v6;
	[tilespmem:v7+s11+$0x0] =	vst.idx.add.s32.msk $0xffff, v1  }
0x1c4: {  	v6 =	vshrl.u32 v6, $0x10;
	v7 =	vld [tilespmem:s17+$0x4820]  }
0x1c5: {  	[tilespmem:v2+s11+$0x0] =	vst.idx.add.s32.msk $0xffff, v1  }
0x1c6: {  	v2 =	vand.u32 $0xFFFF, v3;
	[tilespmem:v4+s11+$0x0] =	vst.idx.add.s32.msk $0xffff, v1  }
0x1c7: {  	v3 =	vshrl.u32 v3, $0x10;
	v4 =	vld [tilespmem:s16+$0x4C20]  }
0x1c8: {  	[tilespmem:v5+s11+$0x0] =	vst.idx.add.s32.msk $0xffff, v1  }
0x1c9: {  	[tilespmem:v6+s11+$0x0] =	vst.idx.add.s32.msk $0xffff, v1;
	v5 =	vand.u32 $0xFFFF, v7  }
0x1ca: {  	v6 =	vld [tilespmem:s17+$0x4020];
	v7 =	vshrl.u32 v7, $0x10  }
0x1cb: {  	[tilespmem:v2+s11+$0x0] =	vst.idx.add.s32.msk $0xffff, v1  }
0x1cc: {  	[tilespmem:v3+s11+$0x0] =	vst.idx.add.s32.msk $0xffff, v1;
	v2 =	vand.u32 $0xFFFF, v4  }
0x1cd: {  	v3 =	vld [tilespmem:s16+$0x4420];
	v4 =	vshrl.u32 v4, $0x10  }
0x1ce: {  	[tilespmem:v5+s11+$0x0] =	vst.idx.add.s32.msk $0xffff, v1  }
0x1cf: {  	v5 =	vand.u32 $0xFFFF, v6;
	[tilespmem:v7+s11+$0x0] =	vst.idx.add.s32.msk $0xffff, v1  }
0x1d0: {  	v6 =	vshrl.u32 v6, $0x10;
	v7 =	vld [tilespmem:s17+$0x4830]  }
0x1d1: {  	[tilespmem:v2+s11+$0x0] =	vst.idx.add.s32.msk $0xffff, v1  }
0x1d2: {  	v2 =	vand.u32 $0xFFFF, v3;
	[tilespmem:v4+s11+$0x0] =	vst.idx.add.s32.msk $0xffff, v1  }
0x1d3: {  	v3 =	vshrl.u32 v3, $0x10;
	v4 =	vld [tilespmem:s16+$0x4C30]  }
0x1d4: {  	[tilespmem:v5+s11+$0x0] =	vst.idx.add.s32.msk $0xffff, v1  }
0x1d5: {  	[tilespmem:v6+s11+$0x0] =	vst.idx.add.s32.msk $0xffff, v1;
	v5 =	vand.u32 $0xFFFF, v7  }
0x1d6: {  	v6 =	vld [tilespmem:s17+$0x4030];
	v7 =	vshrl.u32 v7, $0x10  }
0x1d7: {  	[tilespmem:v2+s11+$0x0] =	vst.idx.add.s32.msk $0xffff, v1  }
0x1d8: {  	[tilespmem:v3+s11+$0x0] =	vst.idx.add.s32.msk $0xffff, v1;
	v2 =	vand.u32 $0xFFFF, v4  }
0x1d9: {  	v3 =	vld [tilespmem:s16+$0x4430];
	v4 =	vshrl.u32 v4, $0x10  }
0x1da: {  	[tilespmem:v5+s11+$0x0] =	vst.idx.add.s32.msk $0xffff, v1  }
0x1db: {  	v5 =	vand.u32 $0xFFFF, v6;
	[tilespmem:v7+s11+$0x0] =	vst.idx.add.s32.msk $0xffff, v1  }
0x1dc: {  	v6 =	vshrl.u32 v6, $0x10;
	v7 =	vld [tilespmem:s17+$0x4840]  }
0x1dd: {  	[tilespmem:v2+s11+$0x0] =	vst.idx.add.s32.msk $0xffff, v1  }
0x1de: {  	v2 =	vand.u32 $0xFFFF, v3;
	[tilespmem:v4+s11+$0x0] =	vst.idx.add.s32.msk $0xffff, v1  }
0x1df: {  	v3 =	vshrl.u32 v3, $0x10;
	v4 =	vld [tilespmem:s16+$0x4C40]  }
0x1e0: {  	[tilespmem:v5+s11+$0x0] =	vst.idx.add.s32.msk $0xffff, v1  }
0x1e1: {  	[tilespmem:v6+s11+$0x0] =	vst.idx.add.s32.msk $0xffff, v1;
	v5 =	vand.u32 $0xFFFF, v7  }
0x1e2: {  	v6 =	vld [tilespmem:s17+$0x4040];
	v7 =	vshrl.u32 v7, $0x10  }
0x1e3: {  	[tilespmem:v2+s11+$0x0] =	vst.idx.add.s32.msk $0xffff, v1  }
0x1e4: {  	[tilespmem:v3+s11+$0x0] =	vst.idx.add.s32.msk $0xffff, v1;
	v2 =	vand.u32 $0xFFFF, v4  }
0x1e5: {  	v3 =	vld [tilespmem:s16+$0x4440];
	v4 =	vshrl.u32 v4, $0x10  }
0x1e6: {  	[tilespmem:v5+s11+$0x0] =	vst.idx.add.s32.msk $0xffff, v1  }
0x1e7: {  	v5 =	vand.u32 $0xFFFF, v6;
	[tilespmem:v7+s11+$0x0] =	vst.idx.add.s32.msk $0xffff, v1  }
0x1e8: {  	v6 =	vshrl.u32 v6, $0x10;
	v7 =	vld [tilespmem:s17+$0x4850]  }
0x1e9: {  	[tilespmem:v2+s11+$0x0] =	vst.idx.add.s32.msk $0xffff, v1  }
0x1ea: {  	v2 =	vand.u32 $0xFFFF, v3;
	[tilespmem:v4+s11+$0x0] =	vst.idx.add.s32.msk $0xffff, v1  }
0x1eb: {  	v3 =	vshrl.u32 v3, $0x10;
	v4 =	vld [tilespmem:s16+$0x4C50]  }
0x1ec: {  	[tilespmem:v5+s11+$0x0] =	vst.idx.add.s32.msk $0xffff, v1  }
0x1ed: {  	[tilespmem:v6+s11+$0x0] =	vst.idx.add.s32.msk $0xffff, v1;
	v5 =	vand.u32 $0xFFFF, v7  }
0x1ee: {  	v6 =	vld [tilespmem:s17+$0x4050];
	v7 =	vshrl.u32 v7, $0x10  }
0x1ef: {  	[tilespmem:v2+s11+$0x0] =	vst.idx.add.s32.msk $0xffff, v1  }
0x1f0: {  	[tilespmem:v3+s11+$0x0] =	vst.idx.add.s32.msk $0xffff, v1;
	v2 =	vand.u32 $0xFFFF, v4  }
0x1f1: {  	v3 =	vld [tilespmem:s16+$0x4450];
	v4 =	vshrl.u32 v4, $0x10  }
0x1f2: {  	[tilespmem:v5+s11+$0x0] =	vst.idx.add.s32.msk $0xffff, v1  }
0x1f3: {  	v5 =	vand.u32 $0xFFFF, v6;
	[tilespmem:v7+s11+$0x0] =	vst.idx.add.s32.msk $0xffff, v1  }
0x1f4: {  	v6 =	vshrl.u32 v6, $0x10;
	v7 =	vld [tilespmem:s17+$0x4860]  }
0x1f5: {  	[tilespmem:v2+s11+$0x0] =	vst.idx.add.s32.msk $0xffff, v1  }
0x1f6: {  	v2 =	vand.u32 $0xFFFF, v3;
	[tilespmem:v4+s11+$0x0] =	vst.idx.add.s32.msk $0xffff, v1  }
0x1f7: {  	v3 =	vshrl.u32 v3, $0x10;
	v4 =	vld [tilespmem:s16+$0x4C60]  }
0x1f8: {  	[tilespmem:v5+s11+$0x0] =	vst.idx.add.s32.msk $0xffff, v1  }
0x1f9: {  	[tilespmem:v6+s11+$0x0] =	vst.idx.add.s32.msk $0xffff, v1;
	v5 =	vand.u32 $0xFFFF, v7  }
0x1fa: {  	v6 =	vld [tilespmem:s17+$0x4060];
	v7 =	vshrl.u32 v7, $0x10  }
0x1fb: {  	[tilespmem:v2+s11+$0x0] =	vst.idx.add.s32.msk $0xffff, v1  }
0x1fc: {  	[tilespmem:v3+s11+$0x0] =	vst.idx.add.s32.msk $0xffff, v1;
	v2 =	vand.u32 $0xFFFF, v4  }
0x1fd: {  	v3 =	vld [tilespmem:s16+$0x4460];
	v4 =	vshrl.u32 v4, $0x10  }
0x1fe: {  	[tilespmem:v5+s11+$0x0] =	vst.idx.add.s32.msk $0xffff, v1  }
0x1ff: {  	v8 =	vand.u32 $0xFFFF, v6;
	[tilespmem:v7+s11+$0x0] =	vst.idx.add.s32.msk $0xffff, v1  }
0x200: {  	v6 =	vshrl.u32 v6, $0x10;
	v5 =	vld [tilespmem:s17+$0x4870]  }
0x201: {  	[tilespmem:v2+s11+$0x0] =	vst.idx.add.s32.msk $0xffff, v1  }
0x202: {  	[tilespmem:v4+s11+$0x0] =	vst.idx.add.s32.msk $0xffff, v1;
	v4 =	vand.u32 $0xFFFF, v3  }
0x203: {  	v3 =	vshrl.u32 v3, $0x10;
	v2 =	vld [tilespmem:s16+$0x4C70]  }
0x204: {  	[tilespmem:v8+s11+$0x0] =	vst.idx.add.s32.msk $0xffff, v1  }
0x205: {  	[tilespmem:v6+s11+$0x0] =	vst.idx.add.s32.msk $0xffff, v1  }
0x206: {  	v6 =	vld [tilespmem:s17+$0x4070];
	v7 =	vand.u32 $0xFFFF, v5  }
.LBB2_6:
0x207: {  	s18 =	sadd.s32 $0x200, s18;
	v5 =	vshrl.u32 v5, $0x10;
	s19 =	sadd.s32 $0x80, s19;
	[tilespmem:v4+s11+$0x0] =	vst.idx.add.s32.msk $0xffff, v1  }
0x208: {  	s20 =	sand.u32 $0x380, s19;
	s21 =	sand.u32 $0x3000, s18;
	p0 =	slt.u32 s18, $0x3E00;
	[tilespmem:v3+s11+$0x0] =	vst.idx.add.s32.msk $0xffff, v1;
	v3 =	vand.u32 $0xFFFF, v2  }
0x209: {  	v2 =	vshrl.u32 v2, $0x10;
	v4 =	vld [tilespmem:s16+$0x4470];
	s16 =	smov.u32 s17;
	s17 =	sor.u32 s20, s21  }
0x20a: {  	v8 =	vld [tilespmem:s17+$0x4800]  }
0x20b: {  	v9 =	vand.u32 $0xFFFF, v6;
	v6 =	vshrl.u32 v6, $0x10;
	[tilespmem:v7+s11+$0x0] =	vst.idx.add.s32.msk $0xffff, v1  }
0x20c: {  	[tilespmem:v5+s11+$0x0] =	vst.idx.add.s32.msk $0xffff, v1  }
0x20d: {  	[tilespmem:v3+s11+$0x0] =	vst.idx.add.s32.msk $0xffff, v1  }
0x20e: {  	v3 =	vand.u32 $0xFFFF, v4;
	v4 =	vshrl.u32 v4, $0x10;
	[tilespmem:v2+s11+$0x0] =	vst.idx.add.s32.msk $0xffff, v1  }
0x20f: {  	v2 =	vld [tilespmem:s16+$0x4C00]  }
0x210: {  	v5 =	vld [tilespmem:s17+$0x4000]  }
0x211: {  	v7 =	vand.u32 $0xFFFF, v8;
	[tilespmem:v9+s11+$0x0] =	vst.idx.add.s32.msk $0xffff, v1  }
0x212: {  	v8 =	vshrl.u32 v8, $0x10;
	[tilespmem:v6+s11+$0x0] =	vst.idx.add.s32.msk $0xffff, v1  }
0x213: {  	v6 =	vld [tilespmem:s16+$0x4400]  }
0x214: {  	v9 =	vand.u32 $0xFFFF, v2;
	[tilespmem:v3+s11+$0x0] =	vst.idx.add.s32.msk $0xffff, v1  }
0x215: {  	v2 =	vshrl.u32 v2, $0x10;
	v3 =	vand.u32 $0xFFFF, v5;
	v5 =	vshrl.u32 v5, $0x10;
	[tilespmem:v4+s11+$0x0] =	vst.idx.add.s32.msk $0xffff, v1  }
0x216: {  	[tilespmem:v7+s11+$0x0] =	vst.idx.add.s32.msk $0xffff, v1  }
0x217: {  	[tilespmem:v8+s11+$0x0] =	vst.idx.add.s32.msk $0xffff, v1  }
0x218: {  	v4 =	vld [tilespmem:s17+$0x4810];
	v7 =	vand.u32 $0xFFFF, v6;
	v6 =	vshrl.u32 v6, $0x10  }
0x219: {  	[tilespmem:v9+s11+$0x0] =	vst.idx.add.s32.msk $0xffff, v1  }
0x21a: {  	[tilespmem:v2+s11+$0x0] =	vst.idx.add.s32.msk $0xffff, v1  }
0x21b: {  	v2 =	vld [tilespmem:s16+$0x4C10]  }
0x21c: {  	[tilespmem:v3+s11+$0x0] =	vst.idx.add.s32.msk $0xffff, v1  }
0x21d: {  	[tilespmem:v5+s11+$0x0] =	vst.idx.add.s32.msk $0xffff, v1;
	v3 =	vand.u32 $0xFFFF, v4  }
0x21e: {  	v4 =	vshrl.u32 v4, $0x10;
	v5 =	vld [tilespmem:s17+$0x4010]  }
0x21f: {  	[tilespmem:v7+s11+$0x0] =	vst.idx.add.s32.msk $0xffff, v1  }
0x220: {  	[tilespmem:v6+s11+$0x0] =	vst.idx.add.s32.msk $0xffff, v1;
	v6 =	vand.u32 $0xFFFF, v2  }
0x221: {  	v2 =	vshrl.u32 v2, $0x10;
	v7 =	vld [tilespmem:s16+$0x4410]  }
0x222: {  	[tilespmem:v3+s11+$0x0] =	vst.idx.add.s32.msk $0xffff, v1  }
0x223: {  	v3 =	vand.u32 $0xFFFF, v5;
	v5 =	vshrl.u32 v5, $0x10;
	[tilespmem:v4+s11+$0x0] =	vst.idx.add.s32.msk $0xffff, v1  }
0x224: {  	v4 =	vld [tilespmem:s17+$0x4820]  }
0x225: {  	[tilespmem:v6+s11+$0x0] =	vst.idx.add.s32.msk $0xffff, v1  }
0x226: {  	v6 =	vand.u32 $0xFFFF, v7;
	v7 =	vshrl.u32 v7, $0x10;
	[tilespmem:v2+s11+$0x0] =	vst.idx.add.s32.msk $0xffff, v1  }
0x227: {  	v2 =	vld [tilespmem:s16+$0x4C20]  }
0x228: {  	[tilespmem:v3+s11+$0x0] =	vst.idx.add.s32.msk $0xffff, v1  }
0x229: {  	[tilespmem:v5+s11+$0x0] =	vst.idx.add.s32.msk $0xffff, v1;
	v3 =	vand.u32 $0xFFFF, v4  }
0x22a: {  	v4 =	vshrl.u32 v4, $0x10;
	v5 =	vld [tilespmem:s17+$0x4020]  }
0x22b: {  	[tilespmem:v6+s11+$0x0] =	vst.idx.add.s32.msk $0xffff, v1  }
0x22c: {  	[tilespmem:v7+s11+$0x0] =	vst.idx.add.s32.msk $0xffff, v1;
	v6 =	vand.u32 $0xFFFF, v2  }
0x22d: {  	v2 =	vshrl.u32 v2, $0x10;
	v7 =	vld [tilespmem:s16+$0x4420]  }
0x22e: {  	[tilespmem:v3+s11+$0x0] =	vst.idx.add.s32.msk $0xffff, v1  }
0x22f: {  	v3 =	vand.u32 $0xFFFF, v5;
	v5 =	vshrl.u32 v5, $0x10;
	[tilespmem:v4+s11+$0x0] =	vst.idx.add.s32.msk $0xffff, v1  }
0x230: {  	v4 =	vld [tilespmem:s17+$0x4830]  }
0x231: {  	[tilespmem:v6+s11+$0x0] =	vst.idx.add.s32.msk $0xffff, v1  }
0x232: {  	v6 =	vand.u32 $0xFFFF, v7;
	v7 =	vshrl.u32 v7, $0x10;
	[tilespmem:v2+s11+$0x0] =	vst.idx.add.s32.msk $0xffff, v1  }
0x233: {  	v2 =	vld [tilespmem:s16+$0x4C30]  }
0x234: {  	[tilespmem:v3+s11+$0x0] =	vst.idx.add.s32.msk $0xffff, v1  }
0x235: {  	[tilespmem:v5+s11+$0x0] =	vst.idx.add.s32.msk $0xffff, v1;
	v3 =	vand.u32 $0xFFFF, v4  }
0x236: {  	v4 =	vshrl.u32 v4, $0x10;
	v5 =	vld [tilespmem:s17+$0x4030]  }
0x237: {  	[tilespmem:v6+s11+$0x0] =	vst.idx.add.s32.msk $0xffff, v1  }
0x238: {  	[tilespmem:v7+s11+$0x0] =	vst.idx.add.s32.msk $0xffff, v1;
	v6 =	vand.u32 $0xFFFF, v2  }
0x239: {  	v2 =	vshrl.u32 v2, $0x10;
	v7 =	vld [tilespmem:s16+$0x4430]  }
0x23a: {  	[tilespmem:v3+s11+$0x0] =	vst.idx.add.s32.msk $0xffff, v1  }
0x23b: {  	v3 =	vand.u32 $0xFFFF, v5;
	v5 =	vshrl.u32 v5, $0x10;
	[tilespmem:v4+s11+$0x0] =	vst.idx.add.s32.msk $0xffff, v1  }
0x23c: {  	v4 =	vld [tilespmem:s17+$0x4840]  }
0x23d: {  	[tilespmem:v6+s11+$0x0] =	vst.idx.add.s32.msk $0xffff, v1  }
0x23e: {  	v6 =	vand.u32 $0xFFFF, v7;
	v7 =	vshrl.u32 v7, $0x10;
	[tilespmem:v2+s11+$0x0] =	vst.idx.add.s32.msk $0xffff, v1  }
0x23f: {  	v2 =	vld [tilespmem:s16+$0x4C40]  }
0x240: {  	[tilespmem:v3+s11+$0x0] =	vst.idx.add.s32.msk $0xffff, v1  }
0x241: {  	[tilespmem:v5+s11+$0x0] =	vst.idx.add.s32.msk $0xffff, v1;
	v3 =	vand.u32 $0xFFFF, v4  }
0x242: {  	v4 =	vshrl.u32 v4, $0x10;
	v5 =	vld [tilespmem:s17+$0x4040]  }
0x243: {  	[tilespmem:v6+s11+$0x0] =	vst.idx.add.s32.msk $0xffff, v1  }
0x244: {  	[tilespmem:v7+s11+$0x0] =	vst.idx.add.s32.msk $0xffff, v1;
	v6 =	vand.u32 $0xFFFF, v2  }
0x245: {  	v2 =	vshrl.u32 v2, $0x10;
	v7 =	vld [tilespmem:s16+$0x4440]  }
0x246: {  	[tilespmem:v3+s11+$0x0] =	vst.idx.add.s32.msk $0xffff, v1  }
0x247: {  	v3 =	vand.u32 $0xFFFF, v5;
	v5 =	vshrl.u32 v5, $0x10;
	[tilespmem:v4+s11+$0x0] =	vst.idx.add.s32.msk $0xffff, v1  }
0x248: {  	v4 =	vld [tilespmem:s17+$0x4850]  }
0x249: {  	[tilespmem:v6+s11+$0x0] =	vst.idx.add.s32.msk $0xffff, v1  }
0x24a: {  	v6 =	vand.u32 $0xFFFF, v7;
	v7 =	vshrl.u32 v7, $0x10;
	[tilespmem:v2+s11+$0x0] =	vst.idx.add.s32.msk $0xffff, v1  }
0x24b: {  	v2 =	vld [tilespmem:s16+$0x4C50]  }
0x24c: {  	[tilespmem:v3+s11+$0x0] =	vst.idx.add.s32.msk $0xffff, v1  }
0x24d: {  	[tilespmem:v5+s11+$0x0] =	vst.idx.add.s32.msk $0xffff, v1;
	v3 =	vand.u32 $0xFFFF, v4  }
0x24e: {  	v4 =	vshrl.u32 v4, $0x10;
	v5 =	vld [tilespmem:s17+$0x4050]  }
0x24f: {  	[tilespmem:v6+s11+$0x0] =	vst.idx.add.s32.msk $0xffff, v1  }
0x250: {  	[tilespmem:v7+s11+$0x0] =	vst.idx.add.s32.msk $0xffff, v1;
	v6 =	vand.u32 $0xFFFF, v2  }
0x251: {  	v2 =	vshrl.u32 v2, $0x10;
	v7 =	vld [tilespmem:s16+$0x4450]  }
0x252: {  	[tilespmem:v3+s11+$0x0] =	vst.idx.add.s32.msk $0xffff, v1  }
0x253: {  	v3 =	vand.u32 $0xFFFF, v5;
	v5 =	vshrl.u32 v5, $0x10;
	[tilespmem:v4+s11+$0x0] =	vst.idx.add.s32.msk $0xffff, v1  }
0x254: {  	v4 =	vld [tilespmem:s17+$0x4860]  }
0x255: {  	[tilespmem:v6+s11+$0x0] =	vst.idx.add.s32.msk $0xffff, v1  }
0x256: {  	v6 =	vand.u32 $0xFFFF, v7;
	v7 =	vshrl.u32 v7, $0x10;
	[tilespmem:v2+s11+$0x0] =	vst.idx.add.s32.msk $0xffff, v1  }
0x257: {  	v2 =	vld [tilespmem:s16+$0x4C60]  }
0x258: {  	[tilespmem:v3+s11+$0x0] =	vst.idx.add.s32.msk $0xffff, v1  }
0x259: {  	[tilespmem:v5+s11+$0x0] =	vst.idx.add.s32.msk $0xffff, v1;
	v3 =	vand.u32 $0xFFFF, v4  }
0x25a: {  	v4 =	vshrl.u32 v4, $0x10;
	v5 =	vld [tilespmem:s17+$0x4060]  }
0x25b: {  	[tilespmem:v6+s11+$0x0] =	vst.idx.add.s32.msk $0xffff, v1  }
0x25c: {  	[tilespmem:v7+s11+$0x0] =	vst.idx.add.s32.msk $0xffff, v1;
	v6 =	vand.u32 $0xFFFF, v2  }
0x25d: {  	v2 =	vshrl.u32 v2, $0x10;
	v7 =	vld [tilespmem:s16+$0x4460]  }
0x25e: {  	[tilespmem:v3+s11+$0x0] =	vst.idx.add.s32.msk $0xffff, v1  }
0x25f: {  	v8 =	vand.u32 $0xFFFF, v5;
	v9 =	vshrl.u32 v5, $0x10;
	[tilespmem:v4+s11+$0x0] =	vst.idx.add.s32.msk $0xffff, v1  }
0x260: {  	v5 =	vld [tilespmem:s17+$0x4870]  }
0x261: {  	[tilespmem:v6+s11+$0x0] =	vst.idx.add.s32.msk $0xffff, v1  }
.Ltmp2:
0x262: {  	v4 =	vand.u32 $0xFFFF, v7;
	v3 =	vshrl.u32 v7, $0x10;
	[tilespmem:v2+s11+$0x0] =	vst.idx.add.s32.msk $0xffff, v1;
	(pc) =	sbr.rel @p0 .LBB2_6-.Ltmp2, $4  }
0x263: {  	v2 =	vld [tilespmem:s16+$0x4C70]  }
0x264: {  	[tilespmem:v8+s11+$0x0] =	vst.idx.add.s32.msk $0xffff, v1  }
0x265: {  	[tilespmem:v9+s11+$0x0] =	vst.idx.add.s32.msk $0xffff, v1  }
0x266: {  	v7 =	vand.u32 $0xFFFF, v5;
	v6 =	vld [tilespmem:s17+$0x4070]  }
0x267: {  	_ =	sdelay $0x1  }
0x268: {  	v5 =	vshrl.u32 v5, $0x10;
	_ =	sdelay $0x1  }
0x269: {  	v8 =	vand.u32 $0xFFFF, v6  }
0x26a: {  	v6 =	vshrl.u32 v6, $0x10  }
0x26b: {  	[tilespmem:v7+s11+$0x0] =	vst.idx.add.s32.msk $0xffff, v1  }
0x26c: {  	[tilespmem:v5+s11+$0x0] =	vst.idx.add.s32.msk $0xffff, v1  }
0x26d: {  	v5 =	vld [tilespmem:s17+$0x4C00]  }
0x26e: {  	[tilespmem:v8+s11+$0x0] =	vst.idx.add.s32.msk $0xffff, v1  }
0x26f: {  	[tilespmem:v6+s11+$0x0] =	vst.idx.add.s32.msk $0xffff, v1  }
0x270: {  	v6 =	vld [tilespmem:s17+$0x4400];
	_ =	sdelay $0x1  }
0x271: {  	v7 =	vand.u32 $0xFFFF, v5  }
0x272: {  	v5 =	vshrl.u32 v5, $0x10;
	_ =	sdelay $0x1  }
0x273: {  	v8 =	vand.u32 $0xFFFF, v6  }
0x274: {  	v6 =	vshrl.u32 v6, $0x10  }
0x275: {  	[tilespmem:v7+s11+$0x0] =	vst.idx.add.s32.msk $0xffff, v1  }
0x276: {  	[tilespmem:v5+s11+$0x0] =	vst.idx.add.s32.msk $0xffff, v1  }
0x277: {  	v5 =	vld [tilespmem:s17+$0x4C10]  }
0x278: {  	[tilespmem:v8+s11+$0x0] =	vst.idx.add.s32.msk $0xffff, v1  }
0x279: {  	[tilespmem:v6+s11+$0x0] =	vst.idx.add.s32.msk $0xffff, v1  }
0x27a: {  	v6 =	vld [tilespmem:s17+$0x4410];
	_ =	sdelay $0x1  }
0x27b: {  	v7 =	vand.u32 $0xFFFF, v5  }
0x27c: {  	v5 =	vshrl.u32 v5, $0x10;
	_ =	sdelay $0x1  }
0x27d: {  	v8 =	vand.u32 $0xFFFF, v6  }
0x27e: {  	v6 =	vshrl.u32 v6, $0x10  }
0x27f: {  	[tilespmem:v7+s11+$0x0] =	vst.idx.add.s32.msk $0xffff, v1  }
0x280: {  	[tilespmem:v5+s11+$0x0] =	vst.idx.add.s32.msk $0xffff, v1  }
0x281: {  	v5 =	vld [tilespmem:s17+$0x4C20]  }
0x282: {  	[tilespmem:v8+s11+$0x0] =	vst.idx.add.s32.msk $0xffff, v1  }
0x283: {  	[tilespmem:v6+s11+$0x0] =	vst.idx.add.s32.msk $0xffff, v1  }
0x284: {  	v6 =	vld [tilespmem:s17+$0x4420];
	_ =	sdelay $0x1  }
0x285: {  	v7 =	vand.u32 $0xFFFF, v5  }
0x286: {  	v5 =	vshrl.u32 v5, $0x10;
	_ =	sdelay $0x1  }
0x287: {  	v8 =	vand.u32 $0xFFFF, v6  }
0x288: {  	v6 =	vshrl.u32 v6, $0x10  }
0x289: {  	[tilespmem:v7+s11+$0x0] =	vst.idx.add.s32.msk $0xffff, v1  }
0x28a: {  	[tilespmem:v5+s11+$0x0] =	vst.idx.add.s32.msk $0xffff, v1  }
0x28b: {  	v5 =	vld [tilespmem:s17+$0x4C30]  }
0x28c: {  	[tilespmem:v8+s11+$0x0] =	vst.idx.add.s32.msk $0xffff, v1  }
0x28d: {  	[tilespmem:v6+s11+$0x0] =	vst.idx.add.s32.msk $0xffff, v1  }
0x28e: {  	v6 =	vld [tilespmem:s17+$0x4430];
	_ =	sdelay $0x1  }
0x28f: {  	v7 =	vand.u32 $0xFFFF, v5  }
0x290: {  	v5 =	vshrl.u32 v5, $0x10;
	_ =	sdelay $0x1  }
0x291: {  	v8 =	vand.u32 $0xFFFF, v6  }
0x292: {  	v6 =	vshrl.u32 v6, $0x10  }
0x293: {  	[tilespmem:v7+s11+$0x0] =	vst.idx.add.s32.msk $0xffff, v1  }
0x294: {  	[tilespmem:v5+s11+$0x0] =	vst.idx.add.s32.msk $0xffff, v1  }
0x295: {  	v5 =	vld [tilespmem:s17+$0x4C40]  }
0x296: {  	[tilespmem:v8+s11+$0x0] =	vst.idx.add.s32.msk $0xffff, v1  }
0x297: {  	[tilespmem:v6+s11+$0x0] =	vst.idx.add.s32.msk $0xffff, v1  }
0x298: {  	v6 =	vld [tilespmem:s17+$0x4440];
	_ =	sdelay $0x1  }
0x299: {  	v7 =	vand.u32 $0xFFFF, v5  }
0x29a: {  	v5 =	vshrl.u32 v5, $0x10;
	_ =	sdelay $0x1  }
0x29b: {  	v8 =	vand.u32 $0xFFFF, v6  }
0x29c: {  	v6 =	vshrl.u32 v6, $0x10  }
0x29d: {  	[tilespmem:v7+s11+$0x0] =	vst.idx.add.s32.msk $0xffff, v1  }
0x29e: {  	[tilespmem:v5+s11+$0x0] =	vst.idx.add.s32.msk $0xffff, v1  }
0x29f: {  	v5 =	vld [tilespmem:s17+$0x4C50]  }
0x2a0: {  	[tilespmem:v8+s11+$0x0] =	vst.idx.add.s32.msk $0xffff, v1  }
0x2a1: {  	[tilespmem:v6+s11+$0x0] =	vst.idx.add.s32.msk $0xffff, v1  }
0x2a2: {  	v6 =	vld [tilespmem:s17+$0x4450];
	_ =	sdelay $0x1  }
0x2a3: {  	v7 =	vand.u32 $0xFFFF, v5  }
0x2a4: {  	v5 =	vshrl.u32 v5, $0x10;
	_ =	sdelay $0x1  }
0x2a5: {  	v8 =	vand.u32 $0xFFFF, v6  }
0x2a6: {  	v6 =	vshrl.u32 v6, $0x10  }
0x2a7: {  	[tilespmem:v7+s11+$0x0] =	vst.idx.add.s32.msk $0xffff, v1  }
0x2a8: {  	[tilespmem:v5+s11+$0x0] =	vst.idx.add.s32.msk $0xffff, v1  }
0x2a9: {  	v5 =	vld [tilespmem:s17+$0x4C60]  }
0x2aa: {  	[tilespmem:v8+s11+$0x0] =	vst.idx.add.s32.msk $0xffff, v1  }
0x2ab: {  	[tilespmem:v6+s11+$0x0] =	vst.idx.add.s32.msk $0xffff, v1  }
0x2ac: {  	v6 =	vld [tilespmem:s17+$0x4460];
	_ =	sdelay $0x1  }
0x2ad: {  	v7 =	vand.u32 $0xFFFF, v5  }
0x2ae: {  	v5 =	vshrl.u32 v5, $0x10  }
0x2af: {  	[tilespmem:v4+s11+$0x0] =	vst.idx.add.s32.msk $0xffff, v1  }
0x2b0: {  	[tilespmem:v3+s11+$0x0] =	vst.idx.add.s32.msk $0xffff, v1;
	v3 =	vand.u32 $0xFFFF, v6  }
0x2b1: {  	v4 =	vld [tilespmem:s16+$0x4470];
	v6 =	vshrl.u32 v6, $0x10  }
0x2b2: {  	[tilespmem:v7+s11+$0x0] =	vst.idx.add.s32.msk $0xffff, v1  }
0x2b3: {  	[tilespmem:v5+s11+$0x0] =	vst.idx.add.s32.msk $0xffff, v1  }
0x2b4: {  	v5 =	vld [tilespmem:s17+$0x4C70]  }
0x2b5: {  	[tilespmem:v3+s11+$0x0] =	vst.idx.add.s32.msk $0xffff, v1  }
0x2b6: {  	v3 =	vand.u32 $0xFFFF, v2;
	[tilespmem:v6+s11+$0x0] =	vst.idx.add.s32.msk $0xffff, v1  }
0x2b7: {  	v2 =	vshrl.u32 v2, $0x10;
	v6 =	vld [tilespmem:s17+$0x4470]  }
0x2b8: {  	v7 =	vand.u32 $0xFFFF, v4  }
0x2b9: {  	v4 =	vshrl.u32 v4, $0x10  }
0x2ba: {  	v8 =	vand.u32 $0xFFFF, v5  }
0x2bb: {  	[tilespmem:v3+s11+$0x0] =	vst.idx.add.s32.msk $0xffff, v1;
	v3 =	vshrl.u32 v5, $0x10  }
0x2bc: {  	[tilespmem:v2+s11+$0x0] =	vst.idx.add.s32.msk $0xffff, v1;
	v2 =	vand.u32 $0xFFFF, v6  }
0x2bd: {  	[tilespmem:v7+s11+$0x0] =	vst.idx.add.s32.msk $0xffff, v1;
	v5 =	vshrl.u32 v6, $0x10  }
0x2be: {  	[tilespmem:v4+s11+$0x0] =	vst.idx.add.s32.msk $0xffff, v1  }
0x2bf: {  	[tilespmem:v8+s11+$0x0] =	vst.idx.add.s32.msk $0xffff, v1  }
0x2c0: {  	[tilespmem:v3+s11+$0x0] =	vst.idx.add.s32.msk $0xffff, v1  }
0x2c1: {  	[tilespmem:v2+s11+$0x0] =	vst.idx.add.s32.msk $0xffff, v1  }
0x2c2: {  	s29 =	simm.s32 $0x0;
	[tilespmem:v5+s11+$0x0] =	vst.idx.add.s32.msk $0xffff, v1  }
0x2c3: {  	[tilespmem:s9], [sflag:$0x2] =	stream.linear.gather [hbm4b:s6+s29], $0x4000, $0x38;
	[tilespmem:$0x10000] =	vst v63  }
0x2c4: {  	s30 =	simm.s32 $0x0;
	_ =	swait.ge [sflag:s10], $0x4000  }
0x2c5: {  	s16 =	sand.u32 $0x380, s29;
	s17 =	sand.u32 $0x3000, s30;
	[sflag:s10] =	ssyncset.done $0x0  }
0x2c6: {  	s16 =	sor.u32 s16, s17;
	[sflag:s10] =	ssyncadd.s32 $0xFFFFC000  }
0x2c7: {  	v2 =	vld [tilespmem:s16+$0x800];
	_ =	sdelay $0x4  }
0x2c8: {  	v3 =	vand.u32 $0xFFFF, v2  }
0x2c9: {  	v4 =	vld [tilespmem:s16+$0x0];
	v2 =	vshrl.u32 v2, $0x10;
	_ =	sdelay $0x3  }
0x2ca: {  	[tilespmem:v3+s11+$0x0] =	vst.idx.add.s32.msk $0xffff, v1  }
0x2cb: {  	v3 =	vand.u32 $0xFFFF, v4;
	[tilespmem:v2+s11+$0x0] =	vst.idx.add.s32.msk $0xffff, v1  }
0x2cc: {  	v2 =	vshrl.u32 v4, $0x10;
	v4 =	vld [tilespmem:s16+$0x810];
	_ =	sdelay $0x3  }
0x2cd: {  	[tilespmem:v3+s11+$0x0] =	vst.idx.add.s32.msk $0xffff, v1  }
0x2ce: {  	[tilespmem:v2+s11+$0x0] =	vst.idx.add.s32.msk $0xffff, v1;
	v2 =	vand.u32 $0xFFFF, v4  }
0x2cf: {  	v3 =	vld [tilespmem:s16+$0x10];
	v4 =	vshrl.u32 v4, $0x10;
	_ =	sdelay $0x3  }
0x2d0: {  	[tilespmem:v2+s11+$0x0] =	vst.idx.add.s32.msk $0xffff, v1  }
0x2d1: {  	v2 =	vand.u32 $0xFFFF, v3;
	[tilespmem:v4+s11+$0x0] =	vst.idx.add.s32.msk $0xffff, v1  }
0x2d2: {  	v3 =	vshrl.u32 v3, $0x10;
	v4 =	vld [tilespmem:s16+$0x820];
	_ =	sdelay $0x3  }
0x2d3: {  	[tilespmem:v2+s11+$0x0] =	vst.idx.add.s32.msk $0xffff, v1  }
0x2d4: {  	[tilespmem:v3+s11+$0x0] =	vst.idx.add.s32.msk $0xffff, v1;
	v2 =	vand.u32 $0xFFFF, v4  }
0x2d5: {  	v3 =	vld [tilespmem:s16+$0x20];
	v4 =	vshrl.u32 v4, $0x10;
	_ =	sdelay $0x3  }
0x2d6: {  	[tilespmem:v2+s11+$0x0] =	vst.idx.add.s32.msk $0xffff, v1  }
0x2d7: {  	v2 =	vand.u32 $0xFFFF, v3;
	[tilespmem:v4+s11+$0x0] =	vst.idx.add.s32.msk $0xffff, v1  }
0x2d8: {  	v3 =	vshrl.u32 v3, $0x10;
	v4 =	vld [tilespmem:s16+$0x830];
	_ =	sdelay $0x3  }
0x2d9: {  	[tilespmem:v2+s11+$0x0] =	vst.idx.add.s32.msk $0xffff, v1  }
0x2da: {  	[tilespmem:v3+s11+$0x0] =	vst.idx.add.s32.msk $0xffff, v1;
	v2 =	vand.u32 $0xFFFF, v4  }
0x2db: {  	v3 =	vld [tilespmem:s16+$0x30];
	v4 =	vshrl.u32 v4, $0x10;
	_ =	sdelay $0x3  }
0x2dc: {  	[tilespmem:v2+s11+$0x0] =	vst.idx.add.s32.msk $0xffff, v1  }
0x2dd: {  	v2 =	vand.u32 $0xFFFF, v3;
	[tilespmem:v4+s11+$0x0] =	vst.idx.add.s32.msk $0xffff, v1  }
0x2de: {  	v3 =	vshrl.u32 v3, $0x10;
	v4 =	vld [tilespmem:s16+$0x840];
	_ =	sdelay $0x3  }
0x2df: {  	[tilespmem:v2+s11+$0x0] =	vst.idx.add.s32.msk $0xffff, v1  }
0x2e0: {  	[tilespmem:v3+s11+$0x0] =	vst.idx.add.s32.msk $0xffff, v1;
	v2 =	vand.u32 $0xFFFF, v4  }
0x2e1: {  	v3 =	vld [tilespmem:s16+$0x40];
	v4 =	vshrl.u32 v4, $0x10;
	_ =	sdelay $0x3  }
0x2e2: {  	[tilespmem:v2+s11+$0x0] =	vst.idx.add.s32.msk $0xffff, v1  }
0x2e3: {  	v2 =	vand.u32 $0xFFFF, v3;
	[tilespmem:v4+s11+$0x0] =	vst.idx.add.s32.msk $0xffff, v1  }
0x2e4: {  	v3 =	vshrl.u32 v3, $0x10;
	v4 =	vld [tilespmem:s16+$0x850];
	_ =	sdelay $0x3  }
0x2e5: {  	[tilespmem:v2+s11+$0x0] =	vst.idx.add.s32.msk $0xffff, v1  }
0x2e6: {  	[tilespmem:v3+s11+$0x0] =	vst.idx.add.s32.msk $0xffff, v1;
	v2 =	vand.u32 $0xFFFF, v4  }
0x2e7: {  	v3 =	vld [tilespmem:s16+$0x50];
	v4 =	vshrl.u32 v4, $0x10;
	_ =	sdelay $0x3  }
0x2e8: {  	[tilespmem:v2+s11+$0x0] =	vst.idx.add.s32.msk $0xffff, v1  }
0x2e9: {  	v2 =	vand.u32 $0xFFFF, v3;
	[tilespmem:v4+s11+$0x0] =	vst.idx.add.s32.msk $0xffff, v1  }
0x2ea: {  	v3 =	vshrl.u32 v3, $0x10;
	v4 =	vld [tilespmem:s16+$0x860];
	_ =	sdelay $0x3  }
0x2eb: {  	[tilespmem:v2+s11+$0x0] =	vst.idx.add.s32.msk $0xffff, v1  }
0x2ec: {  	[tilespmem:v3+s11+$0x0] =	vst.idx.add.s32.msk $0xffff, v1;
	v2 =	vand.u32 $0xFFFF, v4  }
0x2ed: {  	v3 =	vld [tilespmem:s16+$0x60];
	v4 =	vshrl.u32 v4, $0x10;
	_ =	sdelay $0x3  }
0x2ee: {  	[tilespmem:v2+s11+$0x0] =	vst.idx.add.s32.msk $0xffff, v1  }
0x2ef: {  	v2 =	vand.u32 $0xFFFF, v3;
	[tilespmem:v4+s11+$0x0] =	vst.idx.add.s32.msk $0xffff, v1  }
0x2f0: {  	v3 =	vshrl.u32 v3, $0x10;
	v4 =	vld [tilespmem:s16+$0x870];
	_ =	sdelay $0x3  }
0x2f1: {  	[tilespmem:v2+s11+$0x0] =	vst.idx.add.s32.msk $0xffff, v1  }
0x2f2: {  	[tilespmem:v3+s11+$0x0] =	vst.idx.add.s32.msk $0xffff, v1;
	v2 =	vand.u32 $0xFFFF, v4  }
0x2f3: {  	s18 =	simm.s32 $0x200;
	s19 =	simm.s32 $0x80;
	v3 =	vld [tilespmem:s16+$0x70];
	v4 =	vshrl.u32 v4, $0x10  }
0x2f4: {  	s31 =	sand.u32 $0x380, s19;
	s20 =	sand.u32 $0x3000, s18  }
0x2f5: {  	s17 =	sor.u32 s31, s20  }
0x2f6: {  	v5 =	vld [tilespmem:s17+$0x800]  }
0x2f7: {  	[tilespmem:v2+s11+$0x0] =	vst.idx.add.s32.msk $0xffff, v1  }
0x2f8: {  	v2 =	vand.u32 $0xFFFF, v3;
	[tilespmem:v4+s11+$0x0] =	vst.idx.add.s32.msk $0xffff, v1  }
0x2f9: {  	v3 =	vshrl.u32 v3, $0x10;
	v4 =	vld [tilespmem:s16+$0xC00];
	_ =	sdelay $0x1  }
0x2fa: {  	v6 =	vand.u32 $0xFFFF, v5  }
0x2fb: {  	v7 =	vld [tilespmem:s17+$0x0];
	v5 =	vshrl.u32 v5, $0x10  }
0x2fc: {  	[tilespmem:v2+s11+$0x0] =	vst.idx.add.s32.msk $0xffff, v1  }
0x2fd: {  	[tilespmem:v3+s11+$0x0] =	vst.idx.add.s32.msk $0xffff, v1;
	v2 =	vand.u32 $0xFFFF, v4  }
0x2fe: {  	v3 =	vld [tilespmem:s16+$0x400];
	v4 =	vshrl.u32 v4, $0x10  }
0x2ff: {  	[tilespmem:v6+s11+$0x0] =	vst.idx.add.s32.msk $0xffff, v1  }
0x300: {  	v6 =	vand.u32 $0xFFFF, v7;
	[tilespmem:v5+s11+$0x0] =	vst.idx.add.s32.msk $0xffff, v1  }
0x301: {  	v5 =	vshrl.u32 v7, $0x10;
	v7 =	vld [tilespmem:s17+$0x810]  }
0x302: {  	[tilespmem:v2+s11+$0x0] =	vst.idx.add.s32.msk $0xffff, v1  }
0x303: {  	v2 =	vand.u32 $0xFFFF, v3;
	[tilespmem:v4+s11+$0x0] =	vst.idx.add.s32.msk $0xffff, v1  }
0x304: {  	v3 =	vshrl.u32 v3, $0x10;
	v4 =	vld [tilespmem:s16+$0xC10]  }
0x305: {  	[tilespmem:v6+s11+$0x0] =	vst.idx.add.s32.msk $0xffff, v1  }
0x306: {  	[tilespmem:v5+s11+$0x0] =	vst.idx.add.s32.msk $0xffff, v1;
	v5 =	vand.u32 $0xFFFF, v7  }
0x307: {  	v6 =	vld [tilespmem:s17+$0x10];
	v7 =	vshrl.u32 v7, $0x10  }
0x308: {  	[tilespmem:v2+s11+$0x0] =	vst.idx.add.s32.msk $0xffff, v1  }
0x309: {  	[tilespmem:v3+s11+$0x0] =	vst.idx.add.s32.msk $0xffff, v1;
	v2 =	vand.u32 $0xFFFF, v4  }
0x30a: {  	v3 =	vld [tilespmem:s16+$0x410];
	v4 =	vshrl.u32 v4, $0x10  }
0x30b: {  	[tilespmem:v5+s11+$0x0] =	vst.idx.add.s32.msk $0xffff, v1  }
0x30c: {  	v5 =	vand.u32 $0xFFFF, v6;
	[tilespmem:v7+s11+$0x0] =	vst.idx.add.s32.msk $0xffff, v1  }
0x30d: {  	v6 =	vshrl.u32 v6, $0x10;
	v7 =	vld [tilespmem:s17+$0x820]  }
0x30e: {  	[tilespmem:v2+s11+$0x0] =	vst.idx.add.s32.msk $0xffff, v1  }
0x30f: {  	v2 =	vand.u32 $0xFFFF, v3;
	[tilespmem:v4+s11+$0x0] =	vst.idx.add.s32.msk $0xffff, v1  }
0x310: {  	v3 =	vshrl.u32 v3, $0x10;
	v4 =	vld [tilespmem:s16+$0xC20]  }
0x311: {  	[tilespmem:v5+s11+$0x0] =	vst.idx.add.s32.msk $0xffff, v1  }
0x312: {  	[tilespmem:v6+s11+$0x0] =	vst.idx.add.s32.msk $0xffff, v1;
	v5 =	vand.u32 $0xFFFF, v7  }
0x313: {  	v6 =	vld [tilespmem:s17+$0x20];
	v7 =	vshrl.u32 v7, $0x10  }
0x314: {  	[tilespmem:v2+s11+$0x0] =	vst.idx.add.s32.msk $0xffff, v1  }
0x315: {  	[tilespmem:v3+s11+$0x0] =	vst.idx.add.s32.msk $0xffff, v1;
	v2 =	vand.u32 $0xFFFF, v4  }
0x316: {  	v3 =	vld [tilespmem:s16+$0x420];
	v4 =	vshrl.u32 v4, $0x10  }
0x317: {  	[tilespmem:v5+s11+$0x0] =	vst.idx.add.s32.msk $0xffff, v1  }
0x318: {  	v5 =	vand.u32 $0xFFFF, v6;
	[tilespmem:v7+s11+$0x0] =	vst.idx.add.s32.msk $0xffff, v1  }
0x319: {  	v6 =	vshrl.u32 v6, $0x10;
	v7 =	vld [tilespmem:s17+$0x830]  }
0x31a: {  	[tilespmem:v2+s11+$0x0] =	vst.idx.add.s32.msk $0xffff, v1  }
0x31b: {  	v2 =	vand.u32 $0xFFFF, v3;
	[tilespmem:v4+s11+$0x0] =	vst.idx.add.s32.msk $0xffff, v1  }
0x31c: {  	v3 =	vshrl.u32 v3, $0x10;
	v4 =	vld [tilespmem:s16+$0xC30]  }
0x31d: {  	[tilespmem:v5+s11+$0x0] =	vst.idx.add.s32.msk $0xffff, v1  }
0x31e: {  	[tilespmem:v6+s11+$0x0] =	vst.idx.add.s32.msk $0xffff, v1;
	v5 =	vand.u32 $0xFFFF, v7  }
0x31f: {  	v6 =	vld [tilespmem:s17+$0x30];
	v7 =	vshrl.u32 v7, $0x10  }
0x320: {  	[tilespmem:v2+s11+$0x0] =	vst.idx.add.s32.msk $0xffff, v1  }
0x321: {  	[tilespmem:v3+s11+$0x0] =	vst.idx.add.s32.msk $0xffff, v1;
	v2 =	vand.u32 $0xFFFF, v4  }
0x322: {  	v3 =	vld [tilespmem:s16+$0x430];
	v4 =	vshrl.u32 v4, $0x10  }
0x323: {  	[tilespmem:v5+s11+$0x0] =	vst.idx.add.s32.msk $0xffff, v1  }
0x324: {  	v5 =	vand.u32 $0xFFFF, v6;
	[tilespmem:v7+s11+$0x0] =	vst.idx.add.s32.msk $0xffff, v1  }
0x325: {  	v6 =	vshrl.u32 v6, $0x10;
	v7 =	vld [tilespmem:s17+$0x840]  }
0x326: {  	[tilespmem:v2+s11+$0x0] =	vst.idx.add.s32.msk $0xffff, v1  }
0x327: {  	v2 =	vand.u32 $0xFFFF, v3;
	[tilespmem:v4+s11+$0x0] =	vst.idx.add.s32.msk $0xffff, v1  }
0x328: {  	v3 =	vshrl.u32 v3, $0x10;
	v4 =	vld [tilespmem:s16+$0xC40]  }
0x329: {  	[tilespmem:v5+s11+$0x0] =	vst.idx.add.s32.msk $0xffff, v1  }
0x32a: {  	[tilespmem:v6+s11+$0x0] =	vst.idx.add.s32.msk $0xffff, v1;
	v5 =	vand.u32 $0xFFFF, v7  }
0x32b: {  	v6 =	vld [tilespmem:s17+$0x40];
	v7 =	vshrl.u32 v7, $0x10  }
0x32c: {  	[tilespmem:v2+s11+$0x0] =	vst.idx.add.s32.msk $0xffff, v1  }
0x32d: {  	[tilespmem:v3+s11+$0x0] =	vst.idx.add.s32.msk $0xffff, v1;
	v2 =	vand.u32 $0xFFFF, v4  }
0x32e: {  	v3 =	vld [tilespmem:s16+$0x440];
	v4 =	vshrl.u32 v4, $0x10  }
0x32f: {  	[tilespmem:v5+s11+$0x0] =	vst.idx.add.s32.msk $0xffff, v1  }
0x330: {  	v5 =	vand.u32 $0xFFFF, v6;
	[tilespmem:v7+s11+$0x0] =	vst.idx.add.s32.msk $0xffff, v1  }
0x331: {  	v6 =	vshrl.u32 v6, $0x10;
	v7 =	vld [tilespmem:s17+$0x850]  }
0x332: {  	[tilespmem:v2+s11+$0x0] =	vst.idx.add.s32.msk $0xffff, v1  }
0x333: {  	v2 =	vand.u32 $0xFFFF, v3;
	[tilespmem:v4+s11+$0x0] =	vst.idx.add.s32.msk $0xffff, v1  }
0x334: {  	v3 =	vshrl.u32 v3, $0x10;
	v4 =	vld [tilespmem:s16+$0xC50]  }
0x335: {  	[tilespmem:v5+s11+$0x0] =	vst.idx.add.s32.msk $0xffff, v1  }
0x336: {  	[tilespmem:v6+s11+$0x0] =	vst.idx.add.s32.msk $0xffff, v1;
	v5 =	vand.u32 $0xFFFF, v7  }
0x337: {  	v6 =	vld [tilespmem:s17+$0x50];
	v7 =	vshrl.u32 v7, $0x10  }
0x338: {  	[tilespmem:v2+s11+$0x0] =	vst.idx.add.s32.msk $0xffff, v1  }
0x339: {  	[tilespmem:v3+s11+$0x0] =	vst.idx.add.s32.msk $0xffff, v1;
	v2 =	vand.u32 $0xFFFF, v4  }
0x33a: {  	v3 =	vld [tilespmem:s16+$0x450];
	v4 =	vshrl.u32 v4, $0x10  }
0x33b: {  	[tilespmem:v5+s11+$0x0] =	vst.idx.add.s32.msk $0xffff, v1  }
0x33c: {  	v5 =	vand.u32 $0xFFFF, v6;
	[tilespmem:v7+s11+$0x0] =	vst.idx.add.s32.msk $0xffff, v1  }
0x33d: {  	v6 =	vshrl.u32 v6, $0x10;
	v7 =	vld [tilespmem:s17+$0x860]  }
0x33e: {  	[tilespmem:v2+s11+$0x0] =	vst.idx.add.s32.msk $0xffff, v1  }
0x33f: {  	v2 =	vand.u32 $0xFFFF, v3;
	[tilespmem:v4+s11+$0x0] =	vst.idx.add.s32.msk $0xffff, v1  }
0x340: {  	v3 =	vshrl.u32 v3, $0x10;
	v4 =	vld [tilespmem:s16+$0xC60]  }
0x341: {  	[tilespmem:v5+s11+$0x0] =	vst.idx.add.s32.msk $0xffff, v1  }
0x342: {  	[tilespmem:v6+s11+$0x0] =	vst.idx.add.s32.msk $0xffff, v1;
	v5 =	vand.u32 $0xFFFF, v7  }
0x343: {  	v6 =	vld [tilespmem:s17+$0x60];
	v7 =	vshrl.u32 v7, $0x10  }
0x344: {  	[tilespmem:v2+s11+$0x0] =	vst.idx.add.s32.msk $0xffff, v1  }
0x345: {  	[tilespmem:v3+s11+$0x0] =	vst.idx.add.s32.msk $0xffff, v1;
	v2 =	vand.u32 $0xFFFF, v4  }
0x346: {  	v3 =	vld [tilespmem:s16+$0x460];
	v4 =	vshrl.u32 v4, $0x10  }
0x347: {  	[tilespmem:v5+s11+$0x0] =	vst.idx.add.s32.msk $0xffff, v1  }
0x348: {  	v8 =	vand.u32 $0xFFFF, v6;
	[tilespmem:v7+s11+$0x0] =	vst.idx.add.s32.msk $0xffff, v1  }
0x349: {  	v6 =	vshrl.u32 v6, $0x10;
	v5 =	vld [tilespmem:s17+$0x870]  }
0x34a: {  	[tilespmem:v2+s11+$0x0] =	vst.idx.add.s32.msk $0xffff, v1  }
0x34b: {  	[tilespmem:v4+s11+$0x0] =	vst.idx.add.s32.msk $0xffff, v1;
	v4 =	vand.u32 $0xFFFF, v3  }
0x34c: {  	v3 =	vshrl.u32 v3, $0x10;
	v2 =	vld [tilespmem:s16+$0xC70]  }
0x34d: {  	[tilespmem:v8+s11+$0x0] =	vst.idx.add.s32.msk $0xffff, v1  }
0x34e: {  	[tilespmem:v6+s11+$0x0] =	vst.idx.add.s32.msk $0xffff, v1  }
0x34f: {  	v6 =	vld [tilespmem:s17+$0x70];
	v7 =	vand.u32 $0xFFFF, v5  }
.LBB2_8:
0x350: {  	s18 =	sadd.s32 $0x200, s18;
	v5 =	vshrl.u32 v5, $0x10;
	s19 =	sadd.s32 $0x80, s19;
	[tilespmem:v4+s11+$0x0] =	vst.idx.add.s32.msk $0xffff, v1  }
0x351: {  	s20 =	sand.u32 $0x380, s19;
	s21 =	sand.u32 $0x3000, s18;
	p0 =	slt.u32 s18, $0x3E00;
	[tilespmem:v3+s11+$0x0] =	vst.idx.add.s32.msk $0xffff, v1;
	v3 =	vand.u32 $0xFFFF, v2  }
0x352: {  	v2 =	vshrl.u32 v2, $0x10;
	v4 =	vld [tilespmem:s16+$0x470];
	s16 =	smov.u32 s17;
	s17 =	sor.u32 s20, s21  }
0x353: {  	v8 =	vld [tilespmem:s17+$0x800]  }
0x354: {  	v9 =	vand.u32 $0xFFFF, v6;
	v6 =	vshrl.u32 v6, $0x10;
	[tilespmem:v7+s11+$0x0] =	vst.idx.add.s32.msk $0xffff, v1  }
0x355: {  	[tilespmem:v5+s11+$0x0] =	vst.idx.add.s32.msk $0xffff, v1  }
0x356: {  	[tilespmem:v3+s11+$0x0] =	vst.idx.add.s32.msk $0xffff, v1  }
0x357: {  	v3 =	vand.u32 $0xFFFF, v4;
	v4 =	vshrl.u32 v4, $0x10;
	[tilespmem:v2+s11+$0x0] =	vst.idx.add.s32.msk $0xffff, v1  }
0x358: {  	v2 =	vld [tilespmem:s16+$0xC00]  }
0x359: {  	v5 =	vld [tilespmem:s17+$0x0]  }
0x35a: {  	v7 =	vand.u32 $0xFFFF, v8;
	[tilespmem:v9+s11+$0x0] =	vst.idx.add.s32.msk $0xffff, v1  }
0x35b: {  	v8 =	vshrl.u32 v8, $0x10;
	[tilespmem:v6+s11+$0x0] =	vst.idx.add.s32.msk $0xffff, v1  }
0x35c: {  	v6 =	vld [tilespmem:s16+$0x400]  }
0x35d: {  	v9 =	vand.u32 $0xFFFF, v2;
	[tilespmem:v3+s11+$0x0] =	vst.idx.add.s32.msk $0xffff, v1  }
0x35e: {  	v2 =	vshrl.u32 v2, $0x10;
	v3 =	vand.u32 $0xFFFF, v5;
	v5 =	vshrl.u32 v5, $0x10;
	[tilespmem:v4+s11+$0x0] =	vst.idx.add.s32.msk $0xffff, v1  }
0x35f: {  	[tilespmem:v7+s11+$0x0] =	vst.idx.add.s32.msk $0xffff, v1  }
0x360: {  	[tilespmem:v8+s11+$0x0] =	vst.idx.add.s32.msk $0xffff, v1  }
0x361: {  	v4 =	vld [tilespmem:s17+$0x810];
	v7 =	vand.u32 $0xFFFF, v6;
	v6 =	vshrl.u32 v6, $0x10  }
0x362: {  	[tilespmem:v9+s11+$0x0] =	vst.idx.add.s32.msk $0xffff, v1  }
0x363: {  	[tilespmem:v2+s11+$0x0] =	vst.idx.add.s32.msk $0xffff, v1  }
0x364: {  	v2 =	vld [tilespmem:s16+$0xC10]  }
0x365: {  	[tilespmem:v3+s11+$0x0] =	vst.idx.add.s32.msk $0xffff, v1  }
0x366: {  	[tilespmem:v5+s11+$0x0] =	vst.idx.add.s32.msk $0xffff, v1;
	v3 =	vand.u32 $0xFFFF, v4  }
0x367: {  	v4 =	vshrl.u32 v4, $0x10;
	v5 =	vld [tilespmem:s17+$0x10]  }
0x368: {  	[tilespmem:v7+s11+$0x0] =	vst.idx.add.s32.msk $0xffff, v1  }
0x369: {  	[tilespmem:v6+s11+$0x0] =	vst.idx.add.s32.msk $0xffff, v1;
	v6 =	vand.u32 $0xFFFF, v2  }
0x36a: {  	v2 =	vshrl.u32 v2, $0x10;
	v7 =	vld [tilespmem:s16+$0x410]  }
0x36b: {  	[tilespmem:v3+s11+$0x0] =	vst.idx.add.s32.msk $0xffff, v1  }
0x36c: {  	v3 =	vand.u32 $0xFFFF, v5;
	v5 =	vshrl.u32 v5, $0x10;
	[tilespmem:v4+s11+$0x0] =	vst.idx.add.s32.msk $0xffff, v1  }
0x36d: {  	v4 =	vld [tilespmem:s17+$0x820]  }
0x36e: {  	[tilespmem:v6+s11+$0x0] =	vst.idx.add.s32.msk $0xffff, v1  }
0x36f: {  	v6 =	vand.u32 $0xFFFF, v7;
	v7 =	vshrl.u32 v7, $0x10;
	[tilespmem:v2+s11+$0x0] =	vst.idx.add.s32.msk $0xffff, v1  }
0x370: {  	v2 =	vld [tilespmem:s16+$0xC20]  }
0x371: {  	[tilespmem:v3+s11+$0x0] =	vst.idx.add.s32.msk $0xffff, v1  }
0x372: {  	[tilespmem:v5+s11+$0x0] =	vst.idx.add.s32.msk $0xffff, v1;
	v3 =	vand.u32 $0xFFFF, v4  }
0x373: {  	v4 =	vshrl.u32 v4, $0x10;
	v5 =	vld [tilespmem:s17+$0x20]  }
0x374: {  	[tilespmem:v6+s11+$0x0] =	vst.idx.add.s32.msk $0xffff, v1  }
0x375: {  	[tilespmem:v7+s11+$0x0] =	vst.idx.add.s32.msk $0xffff, v1;
	v6 =	vand.u32 $0xFFFF, v2  }
0x376: {  	v2 =	vshrl.u32 v2, $0x10;
	v7 =	vld [tilespmem:s16+$0x420]  }
0x377: {  	[tilespmem:v3+s11+$0x0] =	vst.idx.add.s32.msk $0xffff, v1  }
0x378: {  	v3 =	vand.u32 $0xFFFF, v5;
	v5 =	vshrl.u32 v5, $0x10;
	[tilespmem:v4+s11+$0x0] =	vst.idx.add.s32.msk $0xffff, v1  }
0x379: {  	v4 =	vld [tilespmem:s17+$0x830]  }
0x37a: {  	[tilespmem:v6+s11+$0x0] =	vst.idx.add.s32.msk $0xffff, v1  }
0x37b: {  	v6 =	vand.u32 $0xFFFF, v7;
	v7 =	vshrl.u32 v7, $0x10;
	[tilespmem:v2+s11+$0x0] =	vst.idx.add.s32.msk $0xffff, v1  }
0x37c: {  	v2 =	vld [tilespmem:s16+$0xC30]  }
0x37d: {  	[tilespmem:v3+s11+$0x0] =	vst.idx.add.s32.msk $0xffff, v1  }
0x37e: {  	[tilespmem:v5+s11+$0x0] =	vst.idx.add.s32.msk $0xffff, v1;
	v3 =	vand.u32 $0xFFFF, v4  }
0x37f: {  	v4 =	vshrl.u32 v4, $0x10;
	v5 =	vld [tilespmem:s17+$0x30]  }
0x380: {  	[tilespmem:v6+s11+$0x0] =	vst.idx.add.s32.msk $0xffff, v1  }
0x381: {  	[tilespmem:v7+s11+$0x0] =	vst.idx.add.s32.msk $0xffff, v1;
	v6 =	vand.u32 $0xFFFF, v2  }
0x382: {  	v2 =	vshrl.u32 v2, $0x10;
	v7 =	vld [tilespmem:s16+$0x430]  }
0x383: {  	[tilespmem:v3+s11+$0x0] =	vst.idx.add.s32.msk $0xffff, v1  }
0x384: {  	v3 =	vand.u32 $0xFFFF, v5;
	v5 =	vshrl.u32 v5, $0x10;
	[tilespmem:v4+s11+$0x0] =	vst.idx.add.s32.msk $0xffff, v1  }
0x385: {  	v4 =	vld [tilespmem:s17+$0x840]  }
0x386: {  	[tilespmem:v6+s11+$0x0] =	vst.idx.add.s32.msk $0xffff, v1  }
0x387: {  	v6 =	vand.u32 $0xFFFF, v7;
	v7 =	vshrl.u32 v7, $0x10;
	[tilespmem:v2+s11+$0x0] =	vst.idx.add.s32.msk $0xffff, v1  }
0x388: {  	v2 =	vld [tilespmem:s16+$0xC40]  }
0x389: {  	[tilespmem:v3+s11+$0x0] =	vst.idx.add.s32.msk $0xffff, v1  }
0x38a: {  	[tilespmem:v5+s11+$0x0] =	vst.idx.add.s32.msk $0xffff, v1;
	v3 =	vand.u32 $0xFFFF, v4  }
0x38b: {  	v4 =	vshrl.u32 v4, $0x10;
	v5 =	vld [tilespmem:s17+$0x40]  }
0x38c: {  	[tilespmem:v6+s11+$0x0] =	vst.idx.add.s32.msk $0xffff, v1  }
0x38d: {  	[tilespmem:v7+s11+$0x0] =	vst.idx.add.s32.msk $0xffff, v1;
	v6 =	vand.u32 $0xFFFF, v2  }
0x38e: {  	v2 =	vshrl.u32 v2, $0x10;
	v7 =	vld [tilespmem:s16+$0x440]  }
0x38f: {  	[tilespmem:v3+s11+$0x0] =	vst.idx.add.s32.msk $0xffff, v1  }
0x390: {  	v3 =	vand.u32 $0xFFFF, v5;
	v5 =	vshrl.u32 v5, $0x10;
	[tilespmem:v4+s11+$0x0] =	vst.idx.add.s32.msk $0xffff, v1  }
0x391: {  	v4 =	vld [tilespmem:s17+$0x850]  }
0x392: {  	[tilespmem:v6+s11+$0x0] =	vst.idx.add.s32.msk $0xffff, v1  }
0x393: {  	v6 =	vand.u32 $0xFFFF, v7;
	v7 =	vshrl.u32 v7, $0x10;
	[tilespmem:v2+s11+$0x0] =	vst.idx.add.s32.msk $0xffff, v1  }
0x394: {  	v2 =	vld [tilespmem:s16+$0xC50]  }
0x395: {  	[tilespmem:v3+s11+$0x0] =	vst.idx.add.s32.msk $0xffff, v1  }
0x396: {  	[tilespmem:v5+s11+$0x0] =	vst.idx.add.s32.msk $0xffff, v1;
	v3 =	vand.u32 $0xFFFF, v4  }
0x397: {  	v4 =	vshrl.u32 v4, $0x10;
	v5 =	vld [tilespmem:s17+$0x50]  }
0x398: {  	[tilespmem:v6+s11+$0x0] =	vst.idx.add.s32.msk $0xffff, v1  }
0x399: {  	[tilespmem:v7+s11+$0x0] =	vst.idx.add.s32.msk $0xffff, v1;
	v6 =	vand.u32 $0xFFFF, v2  }
0x39a: {  	v2 =	vshrl.u32 v2, $0x10;
	v7 =	vld [tilespmem:s16+$0x450]  }
0x39b: {  	[tilespmem:v3+s11+$0x0] =	vst.idx.add.s32.msk $0xffff, v1  }
0x39c: {  	v3 =	vand.u32 $0xFFFF, v5;
	v5 =	vshrl.u32 v5, $0x10;
	[tilespmem:v4+s11+$0x0] =	vst.idx.add.s32.msk $0xffff, v1  }
0x39d: {  	v4 =	vld [tilespmem:s17+$0x860]  }
0x39e: {  	[tilespmem:v6+s11+$0x0] =	vst.idx.add.s32.msk $0xffff, v1  }
0x39f: {  	v6 =	vand.u32 $0xFFFF, v7;
	v7 =	vshrl.u32 v7, $0x10;
	[tilespmem:v2+s11+$0x0] =	vst.idx.add.s32.msk $0xffff, v1  }
0x3a0: {  	v2 =	vld [tilespmem:s16+$0xC60]  }
0x3a1: {  	[tilespmem:v3+s11+$0x0] =	vst.idx.add.s32.msk $0xffff, v1  }
0x3a2: {  	[tilespmem:v5+s11+$0x0] =	vst.idx.add.s32.msk $0xffff, v1;
	v3 =	vand.u32 $0xFFFF, v4  }
0x3a3: {  	v4 =	vshrl.u32 v4, $0x10;
	v5 =	vld [tilespmem:s17+$0x60]  }
0x3a4: {  	[tilespmem:v6+s11+$0x0] =	vst.idx.add.s32.msk $0xffff, v1  }
0x3a5: {  	[tilespmem:v7+s11+$0x0] =	vst.idx.add.s32.msk $0xffff, v1;
	v6 =	vand.u32 $0xFFFF, v2  }
0x3a6: {  	v2 =	vshrl.u32 v2, $0x10;
	v7 =	vld [tilespmem:s16+$0x460]  }
0x3a7: {  	[tilespmem:v3+s11+$0x0] =	vst.idx.add.s32.msk $0xffff, v1  }
0x3a8: {  	v8 =	vand.u32 $0xFFFF, v5;
	v9 =	vshrl.u32 v5, $0x10;
	[tilespmem:v4+s11+$0x0] =	vst.idx.add.s32.msk $0xffff, v1  }
0x3a9: {  	v5 =	vld [tilespmem:s17+$0x870]  }
0x3aa: {  	[tilespmem:v6+s11+$0x0] =	vst.idx.add.s32.msk $0xffff, v1  }
.Ltmp3:
0x3ab: {  	v4 =	vand.u32 $0xFFFF, v7;
	v3 =	vshrl.u32 v7, $0x10;
	[tilespmem:v2+s11+$0x0] =	vst.idx.add.s32.msk $0xffff, v1;
	(pc) =	sbr.rel @p0 .LBB2_8-.Ltmp3, $4  }
0x3ac: {  	v2 =	vld [tilespmem:s16+$0xC70]  }
0x3ad: {  	[tilespmem:v8+s11+$0x0] =	vst.idx.add.s32.msk $0xffff, v1  }
0x3ae: {  	[tilespmem:v9+s11+$0x0] =	vst.idx.add.s32.msk $0xffff, v1  }
0x3af: {  	v7 =	vand.u32 $0xFFFF, v5;
	v6 =	vld [tilespmem:s17+$0x70]  }
0x3b0: {  	_ =	sdelay $0x1  }
0x3b1: {  	v5 =	vshrl.u32 v5, $0x10;
	_ =	sdelay $0x1  }
0x3b2: {  	v8 =	vand.u32 $0xFFFF, v6  }
0x3b3: {  	v6 =	vshrl.u32 v6, $0x10  }
0x3b4: {  	[tilespmem:v7+s11+$0x0] =	vst.idx.add.s32.msk $0xffff, v1  }
0x3b5: {  	[tilespmem:v5+s11+$0x0] =	vst.idx.add.s32.msk $0xffff, v1  }
0x3b6: {  	v5 =	vld [tilespmem:s17+$0xC00]  }
0x3b7: {  	[tilespmem:v8+s11+$0x0] =	vst.idx.add.s32.msk $0xffff, v1  }
0x3b8: {  	[tilespmem:v6+s11+$0x0] =	vst.idx.add.s32.msk $0xffff, v1  }
0x3b9: {  	v6 =	vld [tilespmem:s17+$0x400];
	_ =	sdelay $0x1  }
0x3ba: {  	v7 =	vand.u32 $0xFFFF, v5  }
0x3bb: {  	v5 =	vshrl.u32 v5, $0x10;
	_ =	sdelay $0x1  }
0x3bc: {  	v8 =	vand.u32 $0xFFFF, v6  }
0x3bd: {  	v6 =	vshrl.u32 v6, $0x10  }
0x3be: {  	[tilespmem:v7+s11+$0x0] =	vst.idx.add.s32.msk $0xffff, v1  }
0x3bf: {  	[tilespmem:v5+s11+$0x0] =	vst.idx.add.s32.msk $0xffff, v1  }
0x3c0: {  	v5 =	vld [tilespmem:s17+$0xC10]  }
0x3c1: {  	[tilespmem:v8+s11+$0x0] =	vst.idx.add.s32.msk $0xffff, v1  }
0x3c2: {  	[tilespmem:v6+s11+$0x0] =	vst.idx.add.s32.msk $0xffff, v1  }
0x3c3: {  	v6 =	vld [tilespmem:s17+$0x410];
	_ =	sdelay $0x1  }
0x3c4: {  	v7 =	vand.u32 $0xFFFF, v5  }
0x3c5: {  	v5 =	vshrl.u32 v5, $0x10;
	_ =	sdelay $0x1  }
0x3c6: {  	v8 =	vand.u32 $0xFFFF, v6  }
0x3c7: {  	v6 =	vshrl.u32 v6, $0x10  }
0x3c8: {  	[tilespmem:v7+s11+$0x0] =	vst.idx.add.s32.msk $0xffff, v1  }
0x3c9: {  	[tilespmem:v5+s11+$0x0] =	vst.idx.add.s32.msk $0xffff, v1  }
0x3ca: {  	v5 =	vld [tilespmem:s17+$0xC20]  }
0x3cb: {  	[tilespmem:v8+s11+$0x0] =	vst.idx.add.s32.msk $0xffff, v1  }
0x3cc: {  	[tilespmem:v6+s11+$0x0] =	vst.idx.add.s32.msk $0xffff, v1  }
0x3cd: {  	v6 =	vld [tilespmem:s17+$0x420];
	_ =	sdelay $0x1  }
0x3ce: {  	v7 =	vand.u32 $0xFFFF, v5  }
0x3cf: {  	v5 =	vshrl.u32 v5, $0x10;
	_ =	sdelay $0x1  }
0x3d0: {  	v8 =	vand.u32 $0xFFFF, v6  }
0x3d1: {  	v6 =	vshrl.u32 v6, $0x10  }
0x3d2: {  	[tilespmem:v7+s11+$0x0] =	vst.idx.add.s32.msk $0xffff, v1  }
0x3d3: {  	[tilespmem:v5+s11+$0x0] =	vst.idx.add.s32.msk $0xffff, v1  }
0x3d4: {  	v5 =	vld [tilespmem:s17+$0xC30]  }
0x3d5: {  	[tilespmem:v8+s11+$0x0] =	vst.idx.add.s32.msk $0xffff, v1  }
0x3d6: {  	[tilespmem:v6+s11+$0x0] =	vst.idx.add.s32.msk $0xffff, v1  }
0x3d7: {  	v6 =	vld [tilespmem:s17+$0x430];
	_ =	sdelay $0x1  }
0x3d8: {  	v7 =	vand.u32 $0xFFFF, v5  }
0x3d9: {  	v5 =	vshrl.u32 v5, $0x10;
	_ =	sdelay $0x1  }
0x3da: {  	v8 =	vand.u32 $0xFFFF, v6  }
0x3db: {  	v6 =	vshrl.u32 v6, $0x10  }
0x3dc: {  	[tilespmem:v7+s11+$0x0] =	vst.idx.add.s32.msk $0xffff, v1  }
0x3dd: {  	[tilespmem:v5+s11+$0x0] =	vst.idx.add.s32.msk $0xffff, v1  }
0x3de: {  	v5 =	vld [tilespmem:s17+$0xC40]  }
0x3df: {  	[tilespmem:v8+s11+$0x0] =	vst.idx.add.s32.msk $0xffff, v1  }
0x3e0: {  	[tilespmem:v6+s11+$0x0] =	vst.idx.add.s32.msk $0xffff, v1  }
0x3e1: {  	v6 =	vld [tilespmem:s17+$0x440];
	_ =	sdelay $0x1  }
0x3e2: {  	v7 =	vand.u32 $0xFFFF, v5  }
0x3e3: {  	v5 =	vshrl.u32 v5, $0x10;
	_ =	sdelay $0x1  }
0x3e4: {  	v8 =	vand.u32 $0xFFFF, v6  }
0x3e5: {  	v6 =	vshrl.u32 v6, $0x10  }
0x3e6: {  	[tilespmem:v7+s11+$0x0] =	vst.idx.add.s32.msk $0xffff, v1  }
0x3e7: {  	[tilespmem:v5+s11+$0x0] =	vst.idx.add.s32.msk $0xffff, v1  }
0x3e8: {  	v5 =	vld [tilespmem:s17+$0xC50]  }
0x3e9: {  	[tilespmem:v8+s11+$0x0] =	vst.idx.add.s32.msk $0xffff, v1  }
0x3ea: {  	[tilespmem:v6+s11+$0x0] =	vst.idx.add.s32.msk $0xffff, v1  }
0x3eb: {  	v6 =	vld [tilespmem:s17+$0x450];
	_ =	sdelay $0x1  }
0x3ec: {  	v7 =	vand.u32 $0xFFFF, v5  }
0x3ed: {  	v5 =	vshrl.u32 v5, $0x10;
	_ =	sdelay $0x1  }
0x3ee: {  	v8 =	vand.u32 $0xFFFF, v6  }
0x3ef: {  	v6 =	vshrl.u32 v6, $0x10  }
0x3f0: {  	[tilespmem:v7+s11+$0x0] =	vst.idx.add.s32.msk $0xffff, v1  }
0x3f1: {  	[tilespmem:v5+s11+$0x0] =	vst.idx.add.s32.msk $0xffff, v1  }
0x3f2: {  	v5 =	vld [tilespmem:s17+$0xC60]  }
0x3f3: {  	[tilespmem:v8+s11+$0x0] =	vst.idx.add.s32.msk $0xffff, v1  }
0x3f4: {  	[tilespmem:v6+s11+$0x0] =	vst.idx.add.s32.msk $0xffff, v1  }
0x3f5: {  	v6 =	vld [tilespmem:s17+$0x460];
	_ =	sdelay $0x1  }
0x3f6: {  	v7 =	vand.u32 $0xFFFF, v5  }
0x3f7: {  	v5 =	vshrl.u32 v5, $0x10  }
0x3f8: {  	[tilespmem:v4+s11+$0x0] =	vst.idx.add.s32.msk $0xffff, v1  }
0x3f9: {  	[tilespmem:v3+s11+$0x0] =	vst.idx.add.s32.msk $0xffff, v1;
	v3 =	vand.u32 $0xFFFF, v6  }
0x3fa: {  	v4 =	vld [tilespmem:s16+$0x470];
	v6 =	vshrl.u32 v6, $0x10  }
0x3fb: {  	[tilespmem:v7+s11+$0x0] =	vst.idx.add.s32.msk $0xffff, v1  }
0x3fc: {  	[tilespmem:v5+s11+$0x0] =	vst.idx.add.s32.msk $0xffff, v1  }
0x3fd: {  	v5 =	vld [tilespmem:s17+$0xC70]  }
0x3fe: {  	[tilespmem:v3+s11+$0x0] =	vst.idx.add.s32.msk $0xffff, v1  }
0x3ff: {  	v3 =	vand.u32 $0xFFFF, v2;
	[tilespmem:v6+s11+$0x0] =	vst.idx.add.s32.msk $0xffff, v1  }
0x400: {  	v2 =	vshrl.u32 v2, $0x10;
	v6 =	vld [tilespmem:s17+$0x470]  }
0x401: {  	v7 =	vand.u32 $0xFFFF, v4  }
0x402: {  	v4 =	vshrl.u32 v4, $0x10  }
0x403: {  	v8 =	vand.u32 $0xFFFF, v5  }
0x404: {  	[tilespmem:v3+s11+$0x0] =	vst.idx.add.s32.msk $0xffff, v1;
	v3 =	vshrl.u32 v5, $0x10  }
0x405: {  	[tilespmem:v2+s11+$0x0] =	vst.idx.add.s32.msk $0xffff, v1;
	v2 =	vand.u32 $0xFFFF, v6  }
0x406: {  	[tilespmem:v7+s11+$0x0] =	vst.idx.add.s32.msk $0xffff, v1;
	v5 =	vshrl.u32 v6, $0x10  }
0x407: {  	[tilespmem:v4+s11+$0x0] =	vst.idx.add.s32.msk $0xffff, v1  }
0x408: {  	[tilespmem:v8+s11+$0x0] =	vst.idx.add.s32.msk $0xffff, v1  }
0x409: {  	[tilespmem:v3+s11+$0x0] =	vst.idx.add.s32.msk $0xffff, v1  }
0x40a: {  	[tilespmem:v2+s11+$0x0] =	vst.idx.add.s32.msk $0xffff, v1  }
0x40b: {  	[tilespmem:v5+s11+$0x0] =	vst.idx.add.s32.msk $0xffff, v1  }
0x40c: {  	s29 =	simm.s32 $0x0;
	s30 =	simm.s32 $0x0;
	_ =	swait.ge [sflag:s12], $0x4000  }
0x40d: {  	s16 =	sand.u32 $0x380, s29;
	s17 =	sand.u32 $0x3000, s30;
	[sflag:s12] =	ssyncset.done $0x0  }
0x40e: {  	s16 =	sor.u32 s16, s17;
	[sflag:s12] =	ssyncadd.s32 $0xFFFFC000  }
0x40f: {  	v2 =	vld [tilespmem:s16+$0x4800];
	_ =	sdelay $0x4  }
0x410: {  	v3 =	vand.u32 $0xFFFF, v2  }
0x411: {  	v4 =	vld [tilespmem:s16+$0x4000];
	v2 =	vshrl.u32 v2, $0x10;
	_ =	sdelay $0x3  }
0x412: {  	[tilespmem:v3+s11+$0x0] =	vst.idx.add.s32.msk $0xffff, v1  }
0x413: {  	v3 =	vand.u32 $0xFFFF, v4;
	[tilespmem:v2+s11+$0x0] =	vst.idx.add.s32.msk $0xffff, v1  }
0x414: {  	v2 =	vshrl.u32 v4, $0x10;
	v4 =	vld [tilespmem:s16+$0x4810];
	_ =	sdelay $0x3  }
0x415: {  	[tilespmem:v3+s11+$0x0] =	vst.idx.add.s32.msk $0xffff, v1  }
0x416: {  	[tilespmem:v2+s11+$0x0] =	vst.idx.add.s32.msk $0xffff, v1;
	v2 =	vand.u32 $0xFFFF, v4  }
0x417: {  	v3 =	vld [tilespmem:s16+$0x4010];
	v4 =	vshrl.u32 v4, $0x10;
	_ =	sdelay $0x3  }
0x418: {  	[tilespmem:v2+s11+$0x0] =	vst.idx.add.s32.msk $0xffff, v1  }
0x419: {  	v2 =	vand.u32 $0xFFFF, v3;
	[tilespmem:v4+s11+$0x0] =	vst.idx.add.s32.msk $0xffff, v1  }
0x41a: {  	v3 =	vshrl.u32 v3, $0x10;
	v4 =	vld [tilespmem:s16+$0x4820];
	_ =	sdelay $0x3  }
0x41b: {  	[tilespmem:v2+s11+$0x0] =	vst.idx.add.s32.msk $0xffff, v1  }
0x41c: {  	[tilespmem:v3+s11+$0x0] =	vst.idx.add.s32.msk $0xffff, v1;
	v2 =	vand.u32 $0xFFFF, v4  }
0x41d: {  	v3 =	vld [tilespmem:s16+$0x4020];
	v4 =	vshrl.u32 v4, $0x10;
	_ =	sdelay $0x3  }
0x41e: {  	[tilespmem:v2+s11+$0x0] =	vst.idx.add.s32.msk $0xffff, v1  }
0x41f: {  	v2 =	vand.u32 $0xFFFF, v3;
	[tilespmem:v4+s11+$0x0] =	vst.idx.add.s32.msk $0xffff, v1  }
0x420: {  	v3 =	vshrl.u32 v3, $0x10;
	v4 =	vld [tilespmem:s16+$0x4830];
	_ =	sdelay $0x3  }
0x421: {  	[tilespmem:v2+s11+$0x0] =	vst.idx.add.s32.msk $0xffff, v1  }
0x422: {  	[tilespmem:v3+s11+$0x0] =	vst.idx.add.s32.msk $0xffff, v1;
	v2 =	vand.u32 $0xFFFF, v4  }
0x423: {  	v3 =	vld [tilespmem:s16+$0x4030];
	v4 =	vshrl.u32 v4, $0x10;
	_ =	sdelay $0x3  }
0x424: {  	[tilespmem:v2+s11+$0x0] =	vst.idx.add.s32.msk $0xffff, v1  }
0x425: {  	v2 =	vand.u32 $0xFFFF, v3;
	[tilespmem:v4+s11+$0x0] =	vst.idx.add.s32.msk $0xffff, v1  }
0x426: {  	v3 =	vshrl.u32 v3, $0x10;
	v4 =	vld [tilespmem:s16+$0x4840];
	_ =	sdelay $0x3  }
0x427: {  	[tilespmem:v2+s11+$0x0] =	vst.idx.add.s32.msk $0xffff, v1  }
0x428: {  	[tilespmem:v3+s11+$0x0] =	vst.idx.add.s32.msk $0xffff, v1;
	v2 =	vand.u32 $0xFFFF, v4  }
0x429: {  	v3 =	vld [tilespmem:s16+$0x4040];
	v4 =	vshrl.u32 v4, $0x10;
	_ =	sdelay $0x3  }
0x42a: {  	[tilespmem:v2+s11+$0x0] =	vst.idx.add.s32.msk $0xffff, v1  }
0x42b: {  	v2 =	vand.u32 $0xFFFF, v3;
	[tilespmem:v4+s11+$0x0] =	vst.idx.add.s32.msk $0xffff, v1  }
0x42c: {  	v3 =	vshrl.u32 v3, $0x10;
	v4 =	vld [tilespmem:s16+$0x4850];
	_ =	sdelay $0x3  }
0x42d: {  	[tilespmem:v2+s11+$0x0] =	vst.idx.add.s32.msk $0xffff, v1  }
0x42e: {  	[tilespmem:v3+s11+$0x0] =	vst.idx.add.s32.msk $0xffff, v1;
	v2 =	vand.u32 $0xFFFF, v4  }
0x42f: {  	v3 =	vld [tilespmem:s16+$0x4050];
	v4 =	vshrl.u32 v4, $0x10;
	_ =	sdelay $0x3  }
0x430: {  	[tilespmem:v2+s11+$0x0] =	vst.idx.add.s32.msk $0xffff, v1  }
0x431: {  	v2 =	vand.u32 $0xFFFF, v3;
	[tilespmem:v4+s11+$0x0] =	vst.idx.add.s32.msk $0xffff, v1  }
0x432: {  	v3 =	vshrl.u32 v3, $0x10;
	v4 =	vld [tilespmem:s16+$0x4860];
	_ =	sdelay $0x3  }
0x433: {  	[tilespmem:v2+s11+$0x0] =	vst.idx.add.s32.msk $0xffff, v1  }
0x434: {  	[tilespmem:v3+s11+$0x0] =	vst.idx.add.s32.msk $0xffff, v1;
	v2 =	vand.u32 $0xFFFF, v4  }
0x435: {  	v3 =	vld [tilespmem:s16+$0x4060];
	v4 =	vshrl.u32 v4, $0x10;
	_ =	sdelay $0x3  }
0x436: {  	[tilespmem:v2+s11+$0x0] =	vst.idx.add.s32.msk $0xffff, v1  }
0x437: {  	v2 =	vand.u32 $0xFFFF, v3;
	[tilespmem:v4+s11+$0x0] =	vst.idx.add.s32.msk $0xffff, v1  }
0x438: {  	v3 =	vshrl.u32 v3, $0x10;
	v4 =	vld [tilespmem:s16+$0x4870];
	_ =	sdelay $0x3  }
0x439: {  	[tilespmem:v2+s11+$0x0] =	vst.idx.add.s32.msk $0xffff, v1  }
0x43a: {  	[tilespmem:v3+s11+$0x0] =	vst.idx.add.s32.msk $0xffff, v1;
	v2 =	vand.u32 $0xFFFF, v4  }
0x43b: {  	s18 =	simm.s32 $0x200;
	s19 =	simm.s32 $0x80;
	v3 =	vld [tilespmem:s16+$0x4070];
	v4 =	vshrl.u32 v4, $0x10  }
0x43c: {  	s31 =	sand.u32 $0x380, s19;
	s20 =	sand.u32 $0x3000, s18  }
0x43d: {  	s17 =	sor.u32 s31, s20  }
0x43e: {  	v5 =	vld [tilespmem:s17+$0x4800]  }
0x43f: {  	[tilespmem:v2+s11+$0x0] =	vst.idx.add.s32.msk $0xffff, v1  }
0x440: {  	v2 =	vand.u32 $0xFFFF, v3;
	[tilespmem:v4+s11+$0x0] =	vst.idx.add.s32.msk $0xffff, v1  }
0x441: {  	v3 =	vshrl.u32 v3, $0x10;
	v4 =	vld [tilespmem:s16+$0x4C00];
	_ =	sdelay $0x1  }
0x442: {  	v6 =	vand.u32 $0xFFFF, v5  }
0x443: {  	v7 =	vld [tilespmem:s17+$0x4000];
	v5 =	vshrl.u32 v5, $0x10  }
0x444: {  	[tilespmem:v2+s11+$0x0] =	vst.idx.add.s32.msk $0xffff, v1  }
0x445: {  	[tilespmem:v3+s11+$0x0] =	vst.idx.add.s32.msk $0xffff, v1;
	v2 =	vand.u32 $0xFFFF, v4  }
0x446: {  	v3 =	vld [tilespmem:s16+$0x4400];
	v4 =	vshrl.u32 v4, $0x10  }
0x447: {  	[tilespmem:v6+s11+$0x0] =	vst.idx.add.s32.msk $0xffff, v1  }
0x448: {  	v6 =	vand.u32 $0xFFFF, v7;
	[tilespmem:v5+s11+$0x0] =	vst.idx.add.s32.msk $0xffff, v1  }
0x449: {  	v5 =	vshrl.u32 v7, $0x10;
	v7 =	vld [tilespmem:s17+$0x4810]  }
0x44a: {  	[tilespmem:v2+s11+$0x0] =	vst.idx.add.s32.msk $0xffff, v1  }
0x44b: {  	v2 =	vand.u32 $0xFFFF, v3;
	[tilespmem:v4+s11+$0x0] =	vst.idx.add.s32.msk $0xffff, v1  }
0x44c: {  	v3 =	vshrl.u32 v3, $0x10;
	v4 =	vld [tilespmem:s16+$0x4C10]  }
0x44d: {  	[tilespmem:v6+s11+$0x0] =	vst.idx.add.s32.msk $0xffff, v1  }
0x44e: {  	[tilespmem:v5+s11+$0x0] =	vst.idx.add.s32.msk $0xffff, v1;
	v5 =	vand.u32 $0xFFFF, v7  }
0x44f: {  	v6 =	vld [tilespmem:s17+$0x4010];
	v7 =	vshrl.u32 v7, $0x10  }
0x450: {  	[tilespmem:v2+s11+$0x0] =	vst.idx.add.s32.msk $0xffff, v1  }
0x451: {  	[tilespmem:v3+s11+$0x0] =	vst.idx.add.s32.msk $0xffff, v1;
	v2 =	vand.u32 $0xFFFF, v4  }
0x452: {  	v3 =	vld [tilespmem:s16+$0x4410];
	v4 =	vshrl.u32 v4, $0x10  }
0x453: {  	[tilespmem:v5+s11+$0x0] =	vst.idx.add.s32.msk $0xffff, v1  }
0x454: {  	v5 =	vand.u32 $0xFFFF, v6;
	[tilespmem:v7+s11+$0x0] =	vst.idx.add.s32.msk $0xffff, v1  }
0x455: {  	v6 =	vshrl.u32 v6, $0x10;
	v7 =	vld [tilespmem:s17+$0x4820]  }
0x456: {  	[tilespmem:v2+s11+$0x0] =	vst.idx.add.s32.msk $0xffff, v1  }
0x457: {  	v2 =	vand.u32 $0xFFFF, v3;
	[tilespmem:v4+s11+$0x0] =	vst.idx.add.s32.msk $0xffff, v1  }
0x458: {  	v3 =	vshrl.u32 v3, $0x10;
	v4 =	vld [tilespmem:s16+$0x4C20]  }
0x459: {  	[tilespmem:v5+s11+$0x0] =	vst.idx.add.s32.msk $0xffff, v1  }
0x45a: {  	[tilespmem:v6+s11+$0x0] =	vst.idx.add.s32.msk $0xffff, v1;
	v5 =	vand.u32 $0xFFFF, v7  }
0x45b: {  	v6 =	vld [tilespmem:s17+$0x4020];
	v7 =	vshrl.u32 v7, $0x10  }
0x45c: {  	[tilespmem:v2+s11+$0x0] =	vst.idx.add.s32.msk $0xffff, v1  }
0x45d: {  	[tilespmem:v3+s11+$0x0] =	vst.idx.add.s32.msk $0xffff, v1;
	v2 =	vand.u32 $0xFFFF, v4  }
0x45e: {  	v3 =	vld [tilespmem:s16+$0x4420];
	v4 =	vshrl.u32 v4, $0x10  }
0x45f: {  	[tilespmem:v5+s11+$0x0] =	vst.idx.add.s32.msk $0xffff, v1  }
0x460: {  	v5 =	vand.u32 $0xFFFF, v6;
	[tilespmem:v7+s11+$0x0] =	vst.idx.add.s32.msk $0xffff, v1  }
0x461: {  	v6 =	vshrl.u32 v6, $0x10;
	v7 =	vld [tilespmem:s17+$0x4830]  }
0x462: {  	[tilespmem:v2+s11+$0x0] =	vst.idx.add.s32.msk $0xffff, v1  }
0x463: {  	v2 =	vand.u32 $0xFFFF, v3;
	[tilespmem:v4+s11+$0x0] =	vst.idx.add.s32.msk $0xffff, v1  }
0x464: {  	v3 =	vshrl.u32 v3, $0x10;
	v4 =	vld [tilespmem:s16+$0x4C30]  }
0x465: {  	[tilespmem:v5+s11+$0x0] =	vst.idx.add.s32.msk $0xffff, v1  }
0x466: {  	[tilespmem:v6+s11+$0x0] =	vst.idx.add.s32.msk $0xffff, v1;
	v5 =	vand.u32 $0xFFFF, v7  }
0x467: {  	v6 =	vld [tilespmem:s17+$0x4030];
	v7 =	vshrl.u32 v7, $0x10  }
0x468: {  	[tilespmem:v2+s11+$0x0] =	vst.idx.add.s32.msk $0xffff, v1  }
0x469: {  	[tilespmem:v3+s11+$0x0] =	vst.idx.add.s32.msk $0xffff, v1;
	v2 =	vand.u32 $0xFFFF, v4  }
0x46a: {  	v3 =	vld [tilespmem:s16+$0x4430];
	v4 =	vshrl.u32 v4, $0x10  }
0x46b: {  	[tilespmem:v5+s11+$0x0] =	vst.idx.add.s32.msk $0xffff, v1  }
0x46c: {  	v5 =	vand.u32 $0xFFFF, v6;
	[tilespmem:v7+s11+$0x0] =	vst.idx.add.s32.msk $0xffff, v1  }
0x46d: {  	v6 =	vshrl.u32 v6, $0x10;
	v7 =	vld [tilespmem:s17+$0x4840]  }
0x46e: {  	[tilespmem:v2+s11+$0x0] =	vst.idx.add.s32.msk $0xffff, v1  }
0x46f: {  	v2 =	vand.u32 $0xFFFF, v3;
	[tilespmem:v4+s11+$0x0] =	vst.idx.add.s32.msk $0xffff, v1  }
0x470: {  	v3 =	vshrl.u32 v3, $0x10;
	v4 =	vld [tilespmem:s16+$0x4C40]  }
0x471: {  	[tilespmem:v5+s11+$0x0] =	vst.idx.add.s32.msk $0xffff, v1  }
0x472: {  	[tilespmem:v6+s11+$0x0] =	vst.idx.add.s32.msk $0xffff, v1;
	v5 =	vand.u32 $0xFFFF, v7  }
0x473: {  	v6 =	vld [tilespmem:s17+$0x4040];
	v7 =	vshrl.u32 v7, $0x10  }
0x474: {  	[tilespmem:v2+s11+$0x0] =	vst.idx.add.s32.msk $0xffff, v1  }
0x475: {  	[tilespmem:v3+s11+$0x0] =	vst.idx.add.s32.msk $0xffff, v1;
	v2 =	vand.u32 $0xFFFF, v4  }
0x476: {  	v3 =	vld [tilespmem:s16+$0x4440];
	v4 =	vshrl.u32 v4, $0x10  }
0x477: {  	[tilespmem:v5+s11+$0x0] =	vst.idx.add.s32.msk $0xffff, v1  }
0x478: {  	v5 =	vand.u32 $0xFFFF, v6;
	[tilespmem:v7+s11+$0x0] =	vst.idx.add.s32.msk $0xffff, v1  }
0x479: {  	v6 =	vshrl.u32 v6, $0x10;
	v7 =	vld [tilespmem:s17+$0x4850]  }
0x47a: {  	[tilespmem:v2+s11+$0x0] =	vst.idx.add.s32.msk $0xffff, v1  }
0x47b: {  	v2 =	vand.u32 $0xFFFF, v3;
	[tilespmem:v4+s11+$0x0] =	vst.idx.add.s32.msk $0xffff, v1  }
0x47c: {  	v3 =	vshrl.u32 v3, $0x10;
	v4 =	vld [tilespmem:s16+$0x4C50]  }
0x47d: {  	[tilespmem:v5+s11+$0x0] =	vst.idx.add.s32.msk $0xffff, v1  }
0x47e: {  	[tilespmem:v6+s11+$0x0] =	vst.idx.add.s32.msk $0xffff, v1;
	v5 =	vand.u32 $0xFFFF, v7  }
0x47f: {  	v6 =	vld [tilespmem:s17+$0x4050];
	v7 =	vshrl.u32 v7, $0x10  }
0x480: {  	[tilespmem:v2+s11+$0x0] =	vst.idx.add.s32.msk $0xffff, v1  }
0x481: {  	[tilespmem:v3+s11+$0x0] =	vst.idx.add.s32.msk $0xffff, v1;
	v2 =	vand.u32 $0xFFFF, v4  }
0x482: {  	v3 =	vld [tilespmem:s16+$0x4450];
	v4 =	vshrl.u32 v4, $0x10  }
0x483: {  	[tilespmem:v5+s11+$0x0] =	vst.idx.add.s32.msk $0xffff, v1  }
0x484: {  	v5 =	vand.u32 $0xFFFF, v6;
	[tilespmem:v7+s11+$0x0] =	vst.idx.add.s32.msk $0xffff, v1  }
0x485: {  	v6 =	vshrl.u32 v6, $0x10;
	v7 =	vld [tilespmem:s17+$0x4860]  }
0x486: {  	[tilespmem:v2+s11+$0x0] =	vst.idx.add.s32.msk $0xffff, v1  }
0x487: {  	v2 =	vand.u32 $0xFFFF, v3;
	[tilespmem:v4+s11+$0x0] =	vst.idx.add.s32.msk $0xffff, v1  }
0x488: {  	v3 =	vshrl.u32 v3, $0x10;
	v4 =	vld [tilespmem:s16+$0x4C60]  }
0x489: {  	[tilespmem:v5+s11+$0x0] =	vst.idx.add.s32.msk $0xffff, v1  }
0x48a: {  	[tilespmem:v6+s11+$0x0] =	vst.idx.add.s32.msk $0xffff, v1;
	v5 =	vand.u32 $0xFFFF, v7  }
0x48b: {  	v6 =	vld [tilespmem:s17+$0x4060];
	v7 =	vshrl.u32 v7, $0x10  }
0x48c: {  	[tilespmem:v2+s11+$0x0] =	vst.idx.add.s32.msk $0xffff, v1  }
0x48d: {  	[tilespmem:v3+s11+$0x0] =	vst.idx.add.s32.msk $0xffff, v1;
	v2 =	vand.u32 $0xFFFF, v4  }
0x48e: {  	v3 =	vld [tilespmem:s16+$0x4460];
	v4 =	vshrl.u32 v4, $0x10  }
0x48f: {  	[tilespmem:v5+s11+$0x0] =	vst.idx.add.s32.msk $0xffff, v1  }
0x490: {  	v8 =	vand.u32 $0xFFFF, v6;
	[tilespmem:v7+s11+$0x0] =	vst.idx.add.s32.msk $0xffff, v1  }
0x491: {  	v6 =	vshrl.u32 v6, $0x10;
	v5 =	vld [tilespmem:s17+$0x4870]  }
0x492: {  	[tilespmem:v2+s11+$0x0] =	vst.idx.add.s32.msk $0xffff, v1  }
0x493: {  	[tilespmem:v4+s11+$0x0] =	vst.idx.add.s32.msk $0xffff, v1;
	v4 =	vand.u32 $0xFFFF, v3  }
0x494: {  	v3 =	vshrl.u32 v3, $0x10;
	v2 =	vld [tilespmem:s16+$0x4C70]  }
0x495: {  	[tilespmem:v8+s11+$0x0] =	vst.idx.add.s32.msk $0xffff, v1  }
0x496: {  	[tilespmem:v6+s11+$0x0] =	vst.idx.add.s32.msk $0xffff, v1  }
0x497: {  	v6 =	vld [tilespmem:s17+$0x4070];
	v7 =	vand.u32 $0xFFFF, v5  }
.LBB2_10:
0x498: {  	s18 =	sadd.s32 $0x200, s18;
	v5 =	vshrl.u32 v5, $0x10;
	s19 =	sadd.s32 $0x80, s19;
	[tilespmem:v4+s11+$0x0] =	vst.idx.add.s32.msk $0xffff, v1  }
0x499: {  	s20 =	sand.u32 $0x380, s19;
	s21 =	sand.u32 $0x3000, s18;
	p0 =	slt.u32 s18, $0x3E00;
	[tilespmem:v3+s11+$0x0] =	vst.idx.add.s32.msk $0xffff, v1;
	v3 =	vand.u32 $0xFFFF, v2  }
0x49a: {  	v2 =	vshrl.u32 v2, $0x10;
	v4 =	vld [tilespmem:s16+$0x4470];
	s16 =	smov.u32 s17;
	s17 =	sor.u32 s20, s21  }
0x49b: {  	v8 =	vld [tilespmem:s17+$0x4800]  }
0x49c: {  	v9 =	vand.u32 $0xFFFF, v6;
	v6 =	vshrl.u32 v6, $0x10;
	[tilespmem:v7+s11+$0x0] =	vst.idx.add.s32.msk $0xffff, v1  }
0x49d: {  	[tilespmem:v5+s11+$0x0] =	vst.idx.add.s32.msk $0xffff, v1  }
0x49e: {  	[tilespmem:v3+s11+$0x0] =	vst.idx.add.s32.msk $0xffff, v1  }
0x49f: {  	v3 =	vand.u32 $0xFFFF, v4;
	v4 =	vshrl.u32 v4, $0x10;
	[tilespmem:v2+s11+$0x0] =	vst.idx.add.s32.msk $0xffff, v1  }
0x4a0: {  	v2 =	vld [tilespmem:s16+$0x4C00]  }
0x4a1: {  	v5 =	vld [tilespmem:s17+$0x4000]  }
0x4a2: {  	v7 =	vand.u32 $0xFFFF, v8;
	[tilespmem:v9+s11+$0x0] =	vst.idx.add.s32.msk $0xffff, v1  }
0x4a3: {  	v8 =	vshrl.u32 v8, $0x10;
	[tilespmem:v6+s11+$0x0] =	vst.idx.add.s32.msk $0xffff, v1  }
0x4a4: {  	v6 =	vld [tilespmem:s16+$0x4400]  }
0x4a5: {  	v9 =	vand.u32 $0xFFFF, v2;
	[tilespmem:v3+s11+$0x0] =	vst.idx.add.s32.msk $0xffff, v1  }
0x4a6: {  	v2 =	vshrl.u32 v2, $0x10;
	v3 =	vand.u32 $0xFFFF, v5;
	v5 =	vshrl.u32 v5, $0x10;
	[tilespmem:v4+s11+$0x0] =	vst.idx.add.s32.msk $0xffff, v1  }
0x4a7: {  	[tilespmem:v7+s11+$0x0] =	vst.idx.add.s32.msk $0xffff, v1  }
0x4a8: {  	[tilespmem:v8+s11+$0x0] =	vst.idx.add.s32.msk $0xffff, v1  }
0x4a9: {  	v4 =	vld [tilespmem:s17+$0x4810];
	v7 =	vand.u32 $0xFFFF, v6;
	v6 =	vshrl.u32 v6, $0x10  }
0x4aa: {  	[tilespmem:v9+s11+$0x0] =	vst.idx.add.s32.msk $0xffff, v1  }
0x4ab: {  	[tilespmem:v2+s11+$0x0] =	vst.idx.add.s32.msk $0xffff, v1  }
0x4ac: {  	v2 =	vld [tilespmem:s16+$0x4C10]  }
0x4ad: {  	[tilespmem:v3+s11+$0x0] =	vst.idx.add.s32.msk $0xffff, v1  }
0x4ae: {  	[tilespmem:v5+s11+$0x0] =	vst.idx.add.s32.msk $0xffff, v1;
	v3 =	vand.u32 $0xFFFF, v4  }
0x4af: {  	v4 =	vshrl.u32 v4, $0x10;
	v5 =	vld [tilespmem:s17+$0x4010]  }
0x4b0: {  	[tilespmem:v7+s11+$0x0] =	vst.idx.add.s32.msk $0xffff, v1  }
0x4b1: {  	[tilespmem:v6+s11+$0x0] =	vst.idx.add.s32.msk $0xffff, v1;
	v6 =	vand.u32 $0xFFFF, v2  }
0x4b2: {  	v2 =	vshrl.u32 v2, $0x10;
	v7 =	vld [tilespmem:s16+$0x4410]  }
0x4b3: {  	[tilespmem:v3+s11+$0x0] =	vst.idx.add.s32.msk $0xffff, v1  }
0x4b4: {  	v3 =	vand.u32 $0xFFFF, v5;
	v5 =	vshrl.u32 v5, $0x10;
	[tilespmem:v4+s11+$0x0] =	vst.idx.add.s32.msk $0xffff, v1  }
0x4b5: {  	v4 =	vld [tilespmem:s17+$0x4820]  }
0x4b6: {  	[tilespmem:v6+s11+$0x0] =	vst.idx.add.s32.msk $0xffff, v1  }
0x4b7: {  	v6 =	vand.u32 $0xFFFF, v7;
	v7 =	vshrl.u32 v7, $0x10;
	[tilespmem:v2+s11+$0x0] =	vst.idx.add.s32.msk $0xffff, v1  }
0x4b8: {  	v2 =	vld [tilespmem:s16+$0x4C20]  }
0x4b9: {  	[tilespmem:v3+s11+$0x0] =	vst.idx.add.s32.msk $0xffff, v1  }
0x4ba: {  	[tilespmem:v5+s11+$0x0] =	vst.idx.add.s32.msk $0xffff, v1;
	v3 =	vand.u32 $0xFFFF, v4  }
0x4bb: {  	v4 =	vshrl.u32 v4, $0x10;
	v5 =	vld [tilespmem:s17+$0x4020]  }
0x4bc: {  	[tilespmem:v6+s11+$0x0] =	vst.idx.add.s32.msk $0xffff, v1  }
0x4bd: {  	[tilespmem:v7+s11+$0x0] =	vst.idx.add.s32.msk $0xffff, v1;
	v6 =	vand.u32 $0xFFFF, v2  }
0x4be: {  	v2 =	vshrl.u32 v2, $0x10;
	v7 =	vld [tilespmem:s16+$0x4420]  }
0x4bf: {  	[tilespmem:v3+s11+$0x0] =	vst.idx.add.s32.msk $0xffff, v1  }
0x4c0: {  	v3 =	vand.u32 $0xFFFF, v5;
	v5 =	vshrl.u32 v5, $0x10;
	[tilespmem:v4+s11+$0x0] =	vst.idx.add.s32.msk $0xffff, v1  }
0x4c1: {  	v4 =	vld [tilespmem:s17+$0x4830]  }
0x4c2: {  	[tilespmem:v6+s11+$0x0] =	vst.idx.add.s32.msk $0xffff, v1  }
0x4c3: {  	v6 =	vand.u32 $0xFFFF, v7;
	v7 =	vshrl.u32 v7, $0x10;
	[tilespmem:v2+s11+$0x0] =	vst.idx.add.s32.msk $0xffff, v1  }
0x4c4: {  	v2 =	vld [tilespmem:s16+$0x4C30]  }
0x4c5: {  	[tilespmem:v3+s11+$0x0] =	vst.idx.add.s32.msk $0xffff, v1  }
0x4c6: {  	[tilespmem:v5+s11+$0x0] =	vst.idx.add.s32.msk $0xffff, v1;
	v3 =	vand.u32 $0xFFFF, v4  }
0x4c7: {  	v4 =	vshrl.u32 v4, $0x10;
	v5 =	vld [tilespmem:s17+$0x4030]  }
0x4c8: {  	[tilespmem:v6+s11+$0x0] =	vst.idx.add.s32.msk $0xffff, v1  }
0x4c9: {  	[tilespmem:v7+s11+$0x0] =	vst.idx.add.s32.msk $0xffff, v1;
	v6 =	vand.u32 $0xFFFF, v2  }
0x4ca: {  	v2 =	vshrl.u32 v2, $0x10;
	v7 =	vld [tilespmem:s16+$0x4430]  }
0x4cb: {  	[tilespmem:v3+s11+$0x0] =	vst.idx.add.s32.msk $0xffff, v1  }
0x4cc: {  	v3 =	vand.u32 $0xFFFF, v5;
	v5 =	vshrl.u32 v5, $0x10;
	[tilespmem:v4+s11+$0x0] =	vst.idx.add.s32.msk $0xffff, v1  }
0x4cd: {  	v4 =	vld [tilespmem:s17+$0x4840]  }
0x4ce: {  	[tilespmem:v6+s11+$0x0] =	vst.idx.add.s32.msk $0xffff, v1  }
0x4cf: {  	v6 =	vand.u32 $0xFFFF, v7;
	v7 =	vshrl.u32 v7, $0x10;
	[tilespmem:v2+s11+$0x0] =	vst.idx.add.s32.msk $0xffff, v1  }
0x4d0: {  	v2 =	vld [tilespmem:s16+$0x4C40]  }
0x4d1: {  	[tilespmem:v3+s11+$0x0] =	vst.idx.add.s32.msk $0xffff, v1  }
0x4d2: {  	[tilespmem:v5+s11+$0x0] =	vst.idx.add.s32.msk $0xffff, v1;
	v3 =	vand.u32 $0xFFFF, v4  }
0x4d3: {  	v4 =	vshrl.u32 v4, $0x10;
	v5 =	vld [tilespmem:s17+$0x4040]  }
0x4d4: {  	[tilespmem:v6+s11+$0x0] =	vst.idx.add.s32.msk $0xffff, v1  }
0x4d5: {  	[tilespmem:v7+s11+$0x0] =	vst.idx.add.s32.msk $0xffff, v1;
	v6 =	vand.u32 $0xFFFF, v2  }
0x4d6: {  	v2 =	vshrl.u32 v2, $0x10;
	v7 =	vld [tilespmem:s16+$0x4440]  }
0x4d7: {  	[tilespmem:v3+s11+$0x0] =	vst.idx.add.s32.msk $0xffff, v1  }
0x4d8: {  	v3 =	vand.u32 $0xFFFF, v5;
	v5 =	vshrl.u32 v5, $0x10;
	[tilespmem:v4+s11+$0x0] =	vst.idx.add.s32.msk $0xffff, v1  }
0x4d9: {  	v4 =	vld [tilespmem:s17+$0x4850]  }
0x4da: {  	[tilespmem:v6+s11+$0x0] =	vst.idx.add.s32.msk $0xffff, v1  }
0x4db: {  	v6 =	vand.u32 $0xFFFF, v7;
	v7 =	vshrl.u32 v7, $0x10;
	[tilespmem:v2+s11+$0x0] =	vst.idx.add.s32.msk $0xffff, v1  }
0x4dc: {  	v2 =	vld [tilespmem:s16+$0x4C50]  }
0x4dd: {  	[tilespmem:v3+s11+$0x0] =	vst.idx.add.s32.msk $0xffff, v1  }
0x4de: {  	[tilespmem:v5+s11+$0x0] =	vst.idx.add.s32.msk $0xffff, v1;
	v3 =	vand.u32 $0xFFFF, v4  }
0x4df: {  	v4 =	vshrl.u32 v4, $0x10;
	v5 =	vld [tilespmem:s17+$0x4050]  }
0x4e0: {  	[tilespmem:v6+s11+$0x0] =	vst.idx.add.s32.msk $0xffff, v1  }
0x4e1: {  	[tilespmem:v7+s11+$0x0] =	vst.idx.add.s32.msk $0xffff, v1;
	v6 =	vand.u32 $0xFFFF, v2  }
0x4e2: {  	v2 =	vshrl.u32 v2, $0x10;
	v7 =	vld [tilespmem:s16+$0x4450]  }
0x4e3: {  	[tilespmem:v3+s11+$0x0] =	vst.idx.add.s32.msk $0xffff, v1  }
0x4e4: {  	v3 =	vand.u32 $0xFFFF, v5;
	v5 =	vshrl.u32 v5, $0x10;
	[tilespmem:v4+s11+$0x0] =	vst.idx.add.s32.msk $0xffff, v1  }
0x4e5: {  	v4 =	vld [tilespmem:s17+$0x4860]  }
0x4e6: {  	[tilespmem:v6+s11+$0x0] =	vst.idx.add.s32.msk $0xffff, v1  }
0x4e7: {  	v6 =	vand.u32 $0xFFFF, v7;
	v7 =	vshrl.u32 v7, $0x10;
	[tilespmem:v2+s11+$0x0] =	vst.idx.add.s32.msk $0xffff, v1  }
0x4e8: {  	v2 =	vld [tilespmem:s16+$0x4C60]  }
0x4e9: {  	[tilespmem:v3+s11+$0x0] =	vst.idx.add.s32.msk $0xffff, v1  }
0x4ea: {  	[tilespmem:v5+s11+$0x0] =	vst.idx.add.s32.msk $0xffff, v1;
	v3 =	vand.u32 $0xFFFF, v4  }
0x4eb: {  	v4 =	vshrl.u32 v4, $0x10;
	v5 =	vld [tilespmem:s17+$0x4060]  }
0x4ec: {  	[tilespmem:v6+s11+$0x0] =	vst.idx.add.s32.msk $0xffff, v1  }
0x4ed: {  	[tilespmem:v7+s11+$0x0] =	vst.idx.add.s32.msk $0xffff, v1;
	v6 =	vand.u32 $0xFFFF, v2  }
0x4ee: {  	v2 =	vshrl.u32 v2, $0x10;
	v7 =	vld [tilespmem:s16+$0x4460]  }
0x4ef: {  	[tilespmem:v3+s11+$0x0] =	vst.idx.add.s32.msk $0xffff, v1  }
0x4f0: {  	v8 =	vand.u32 $0xFFFF, v5;
	v9 =	vshrl.u32 v5, $0x10;
	[tilespmem:v4+s11+$0x0] =	vst.idx.add.s32.msk $0xffff, v1  }
0x4f1: {  	v5 =	vld [tilespmem:s17+$0x4870]  }
0x4f2: {  	[tilespmem:v6+s11+$0x0] =	vst.idx.add.s32.msk $0xffff, v1  }
.Ltmp4:
0x4f3: {  	v4 =	vand.u32 $0xFFFF, v7;
	v3 =	vshrl.u32 v7, $0x10;
	[tilespmem:v2+s11+$0x0] =	vst.idx.add.s32.msk $0xffff, v1;
	(pc) =	sbr.rel @p0 .LBB2_10-.Ltmp4, $4  }
0x4f4: {  	v2 =	vld [tilespmem:s16+$0x4C70]  }
0x4f5: {  	[tilespmem:v8+s11+$0x0] =	vst.idx.add.s32.msk $0xffff, v1  }
0x4f6: {  	[tilespmem:v9+s11+$0x0] =	vst.idx.add.s32.msk $0xffff, v1  }
0x4f7: {  	v7 =	vand.u32 $0xFFFF, v5;
	v6 =	vld [tilespmem:s17+$0x4070]  }
0x4f8: {  	_ =	sdelay $0x1  }
0x4f9: {  	v5 =	vshrl.u32 v5, $0x10;
	_ =	sdelay $0x1  }
0x4fa: {  	v8 =	vand.u32 $0xFFFF, v6  }
0x4fb: {  	v47 =	vshrl.u32 v6, $0x10  }
0x4fc: {  	[tilespmem:v7+s11+$0x0] =	vst.idx.add.s32.msk $0xffff, v1  }
0x4fd: {  	[tilespmem:v5+s11+$0x0] =	vst.idx.add.s32.msk $0xffff, v1  }
0x4fe: {  	v5 =	vld [tilespmem:s17+$0x4C00]  }
0x4ff: {  	[tilespmem:v8+s11+$0x0] =	vst.idx.add.s32.msk $0xffff, v1  }
0x500: {  	[tilespmem:v47+s11+$0x0] =	vst.idx.add.s32.msk $0xffff, v1  }
0x501: {  	v6 =	vld [tilespmem:s17+$0x4400];
	_ =	sdelay $0x1  }
0x502: {  	v48 =	vand.u32 $0xFFFF, v5  }
0x503: {  	v5 =	vshrl.u32 v5, $0x10;
	_ =	sdelay $0x1  }
0x504: {  	v49 =	vand.u32 $0xFFFF, v6  }
0x505: {  	v6 =	vshrl.u32 v6, $0x10  }
0x506: {  	[tilespmem:v48+s11+$0x0] =	vst.idx.add.s32.msk $0xffff, v1  }
0x507: {  	[tilespmem:v5+s11+$0x0] =	vst.idx.add.s32.msk $0xffff, v1  }
0x508: {  	v5 =	vld [tilespmem:s17+$0x4C10]  }
0x509: {  	[tilespmem:v49+s11+$0x0] =	vst.idx.add.s32.msk $0xffff, v1  }
0x50a: {  	[tilespmem:v6+s11+$0x0] =	vst.idx.add.s32.msk $0xffff, v1  }
0x50b: {  	v6 =	vld [tilespmem:s17+$0x4410];
	_ =	sdelay $0x1  }
0x50c: {  	v50 =	vand.u32 $0xFFFF, v5  }
0x50d: {  	v5 =	vshrl.u32 v5, $0x10;
	_ =	sdelay $0x1  }
0x50e: {  	v51 =	vand.u32 $0xFFFF, v6  }
0x50f: {  	v6 =	vshrl.u32 v6, $0x10  }
0x510: {  	[tilespmem:v50+s11+$0x0] =	vst.idx.add.s32.msk $0xffff, v1  }
0x511: {  	[tilespmem:v5+s11+$0x0] =	vst.idx.add.s32.msk $0xffff, v1  }
0x512: {  	v5 =	vld [tilespmem:s17+$0x4C20]  }
0x513: {  	[tilespmem:v51+s11+$0x0] =	vst.idx.add.s32.msk $0xffff, v1  }
0x514: {  	[tilespmem:v6+s11+$0x0] =	vst.idx.add.s32.msk $0xffff, v1  }
0x515: {  	v6 =	vld [tilespmem:s17+$0x4420];
	_ =	sdelay $0x1  }
0x516: {  	v52 =	vand.u32 $0xFFFF, v5  }
0x517: {  	v5 =	vshrl.u32 v5, $0x10;
	_ =	sdelay $0x1  }
0x518: {  	v53 =	vand.u32 $0xFFFF, v6  }
0x519: {  	v6 =	vshrl.u32 v6, $0x10  }
0x51a: {  	[tilespmem:v52+s11+$0x0] =	vst.idx.add.s32.msk $0xffff, v1  }
0x51b: {  	[tilespmem:v5+s11+$0x0] =	vst.idx.add.s32.msk $0xffff, v1  }
0x51c: {  	v5 =	vld [tilespmem:s17+$0x4C30]  }
0x51d: {  	[tilespmem:v53+s11+$0x0] =	vst.idx.add.s32.msk $0xffff, v1  }
0x51e: {  	[tilespmem:v6+s11+$0x0] =	vst.idx.add.s32.msk $0xffff, v1  }
0x51f: {  	v6 =	vld [tilespmem:s17+$0x4430];
	_ =	sdelay $0x1  }
0x520: {  	v54 =	vand.u32 $0xFFFF, v5  }
0x521: {  	v5 =	vshrl.u32 v5, $0x10;
	_ =	sdelay $0x1  }
0x522: {  	v55 =	vand.u32 $0xFFFF, v6  }
0x523: {  	v6 =	vshrl.u32 v6, $0x10  }
0x524: {  	[tilespmem:v54+s11+$0x0] =	vst.idx.add.s32.msk $0xffff, v1  }
0x525: {  	[tilespmem:v5+s11+$0x0] =	vst.idx.add.s32.msk $0xffff, v1  }
0x526: {  	v5 =	vld [tilespmem:s17+$0x4C40]  }
0x527: {  	[tilespmem:v55+s11+$0x0] =	vst.idx.add.s32.msk $0xffff, v1  }
0x528: {  	[tilespmem:v6+s11+$0x0] =	vst.idx.add.s32.msk $0xffff, v1  }
0x529: {  	v6 =	vld [tilespmem:s17+$0x4440];
	_ =	sdelay $0x1  }
0x52a: {  	v56 =	vand.u32 $0xFFFF, v5  }
0x52b: {  	v5 =	vshrl.u32 v5, $0x10;
	_ =	sdelay $0x1  }
0x52c: {  	v57 =	vand.u32 $0xFFFF, v6  }
0x52d: {  	v6 =	vshrl.u32 v6, $0x10  }
0x52e: {  	[tilespmem:v56+s11+$0x0] =	vst.idx.add.s32.msk $0xffff, v1  }
0x52f: {  	[tilespmem:v5+s11+$0x0] =	vst.idx.add.s32.msk $0xffff, v1  }
0x530: {  	v5 =	vld [tilespmem:s17+$0x4C50]  }
0x531: {  	[tilespmem:v57+s11+$0x0] =	vst.idx.add.s32.msk $0xffff, v1  }
0x532: {  	[tilespmem:v6+s11+$0x0] =	vst.idx.add.s32.msk $0xffff, v1  }
0x533: {  	v6 =	vld [tilespmem:s17+$0x4450];
	_ =	sdelay $0x1  }
0x534: {  	v58 =	vand.u32 $0xFFFF, v5  }
0x535: {  	v5 =	vshrl.u32 v5, $0x10;
	_ =	sdelay $0x1  }
0x536: {  	v59 =	vand.u32 $0xFFFF, v6  }
0x537: {  	v6 =	vshrl.u32 v6, $0x10  }
0x538: {  	[tilespmem:v58+s11+$0x0] =	vst.idx.add.s32.msk $0xffff, v1  }
0x539: {  	[tilespmem:v5+s11+$0x0] =	vst.idx.add.s32.msk $0xffff, v1  }
0x53a: {  	v5 =	vld [tilespmem:s17+$0x4C60]  }
0x53b: {  	[tilespmem:v59+s11+$0x0] =	vst.idx.add.s32.msk $0xffff, v1  }
0x53c: {  	[tilespmem:v6+s11+$0x0] =	vst.idx.add.s32.msk $0xffff, v1  }
0x53d: {  	v6 =	vld [tilespmem:s17+$0x4460];
	_ =	sdelay $0x1  }
0x53e: {  	v60 =	vand.u32 $0xFFFF, v5  }
0x53f: {  	v5 =	vshrl.u32 v5, $0x10  }
0x540: {  	[tilespmem:v4+s11+$0x0] =	vst.idx.add.s32.msk $0xffff, v1  }
0x541: {  	[tilespmem:v3+s11+$0x0] =	vst.idx.add.s32.msk $0xffff, v1;
	v3 =	vand.u32 $0xFFFF, v6  }
0x542: {  	v4 =	vld [tilespmem:s16+$0x4470];
	v6 =	vshrl.u32 v6, $0x10  }
0x543: {  	[tilespmem:v60+s11+$0x0] =	vst.idx.add.s32.msk $0xffff, v1  }
0x544: {  	[tilespmem:v5+s11+$0x0] =	vst.idx.add.s32.msk $0xffff, v1  }
0x545: {  	v5 =	vld [tilespmem:s17+$0x4C70]  }
0x546: {  	[tilespmem:v3+s11+$0x0] =	vst.idx.add.s32.msk $0xffff, v1  }
0x547: {  	v3 =	vand.u32 $0xFFFF, v2;
	[tilespmem:v6+s11+$0x0] =	vst.idx.add.s32.msk $0xffff, v1  }
0x548: {  	v2 =	vshrl.u32 v2, $0x10;
	v6 =	vld [tilespmem:s17+$0x4470]  }
0x549: {  	v61 =	vand.u32 $0xFFFF, v4  }
0x54a: {  	v4 =	vshrl.u32 v4, $0x10  }
0x54b: {  	v62 =	vand.u32 $0xFFFF, v5  }
0x54c: {  	[tilespmem:v3+s11+$0x0] =	vst.idx.add.s32.msk $0xffff, v1;
	v3 =	vshrl.u32 v5, $0x10  }
0x54d: {  	[tilespmem:v2+s11+$0x0] =	vst.idx.add.s32.msk $0xffff, v1;
	v2 =	vand.u32 $0xFFFF, v6  }
0x54e: {  	[tilespmem:v61+s11+$0x0] =	vst.idx.add.s32.msk $0xffff, v1;
	v63 =	vshrl.u32 v6, $0x10  }
0x54f: {  	[tilespmem:v4+s11+$0x0] =	vst.idx.add.s32.msk $0xffff, v1  }
0x550: {  	[tilespmem:v62+s11+$0x0] =	vst.idx.add.s32.msk $0xffff, v1  }
0x551: {  	s2 =	sadd.s32 $0x1, s2;
	[tilespmem:v3+s11+$0x0] =	vst.idx.add.s32.msk $0xffff, v1  }
0x552: {  	p0 =	sne.s32 s2, s8;
	[tilespmem:v2+s11+$0x0] =	vst.idx.add.s32.msk $0xffff, v1  }
.Ltmp5:
0x553: {  	[tilespmem:v63+s11+$0x0] =	vst.idx.add.s32.msk $0xffff, v1;
	(pc) =	sbr.rel @p0 .LBB2_1-.Ltmp5, $4  }
0x554: {  	[hbm4b:s7+s13] =	stream.strided.scatter [tilespmem:s11], [sflag:$0x3], $0x8000, s14, s13, $0x38;
	[tilespmem:$0x10000] =	vst v63  }
0x555: {  	_ =	swait.ge [sflag:s15], $0x8000  }
0x556: {  	[sflag:s15] =	ssyncset.done $0x0  }
0x557: {  	[sflag:s15] =	ssyncadd.s32 $0xFFFF8000  }
0x558: {  	_ =	sfence.sel $0x180000  }
0x559: {  	[bflag:$0x0] =	sbarrier.arrive $0xFFFF  }
0x55a: {  	p0 =	sne.s32 s1, $0x0;
	_ =	strace $0x90000047  }
0x55b: {  	s0 =	sadd.s32 @!p0 $0x100000, s0;
	[bflag:$0x2] =	sbarrier.arrive $0xFFFF  }
0x55c: {  	[sflag:s0] =	ssyncadd.tile.s32 @!p0 $0x1;
	_ =	shalt  }
.Lfunc_end2:
_tile_overlayer_lowered:
.L_overlay_start_2:
0x55d: {  	(tag) =	ssettag $0x2  }
0x55e: {  	s0 =	rddreg [dreg:$0x0];
	s2 =	stileid.u32  }
0x55f: {  	s1 =	rddreg [dreg:$0x1];
	p0 =	sne.s32 s2, $0x0  }
0x560: {  	s3 =	rddreg [dreg:$0x2];
	[bflag:$0x3] =	sbarrier.arrive $0xFFFF;
	s2 =	simm.s32 @!p0 $0x1C03  }
0x561: {  	[timem:s3], [sflag:s2] =	dma.local @!p0 [hbm:s0], s1  }
0x562: {  	s0 =	simm.s32 @!p0 $0x3  }
0x563: {  	_ =	swait.ge @!p0 [sflag:s0], s1  }
0x564: {  	s1 =	ssub.s32 @!p0 $0x0, s1;
	[sflag:s0] =	ssyncset.done @!p0 $0x0  }
0x565: {  	[sflag:s0] =	ssyncadd.s32 @!p0 s1  }
0x566: {  	[bflag:$0x3] =	sbarrier.arrive $0xFFFF  }
0x567: {  	_ =	shalt  }

</sc_bundles>
